<compile_context>
chip_gen: v7x
topology: tpu7x:2x2x1
jax: 0.10.2.dev20260603
libtpu: 0.0.44.dev20260713+nightly
codegen_flags: <defaults>
</compile_context>

<pallas_src>
import functools

import jax
import jax.numpy as jnp
from jax import lax
from jax.experimental import pallas as pl
from jax.experimental.pallas import tpu as pltpu
from jax.experimental.pallas import tpu_sc as plsc

N = 10000
E = 160000
H = 128
H2 = 256
L = 4
NL = 5
OUT = 128

NP = 10240
DUMMY = N
NTILE = 16
NB = 79
B = 128
EPT = NB * B
E_PAD = NTILE * EPT
RPT = NP // NTILE
BN_ROWS = 2000
GRID = N // BN_ROWS

def _sc_segsum_body(h_hbm, src_hbm, dst_hbm, out_hbm, src_v, dst_v, rows_v,
                    agg_sh):
    c = lax.axis_index("c")
    s = lax.axis_index("s")

    pltpu.sync_copy(src_hbm.at[s], src_v)
    pltpu.sync_copy(dst_hbm.at[s], dst_v)

    @pl.loop(0, B)
    def _(r):
        @pl.loop(0, H, step=16)
        def _(k):
            rows_v.at[r][pl.ds(k, 16)] = jnp.zeros((16,), jnp.float32)

    @pl.loop(0, RPT, step=B)
    def _(r0):
        pltpu.sync_copy(rows_v, agg_sh.at[pl.ds(s * RPT + r0, B)])

    plsc.subcore_barrier()

    plane = h_hbm.at[c]

    @pl.loop(0, NB)
    def _(j):
        pltpu.sync_copy(plane.at[src_v.at[j]], rows_v)
        pltpu.sync_copy(rows_v, agg_sh.at[dst_v.at[j]], add=True)

    plsc.subcore_barrier()

    pltpu.sync_copy(agg_sh.at[pl.ds(s * RPT, RPT)],
                    out_hbm.at[c].at[pl.ds(s * RPT, RPT)])


@functools.cache
def _sc_segsum_kernel():
    mesh = plsc.VectorSubcoreMesh(core_axis_name="c", subcore_axis_name="s",
                                  num_cores=2, num_subcores=NTILE)
    return pl.kernel(
        _sc_segsum_body,
        out_type=jax.ShapeDtypeStruct((2, NP, H), jnp.float32),
        mesh=mesh,
        scratch_types=[
            pltpu.VMEM((NB, B), jnp.int32),
            pltpu.VMEM((NB, B), jnp.int32),
            pltpu.VMEM((B, H), jnp.float32),
            pltpu.VMEM_SHARED((NP, H), jnp.float32),
        ],
    )


def _sc_segsum(h, src_p, dst_p):
    return _sc_segsum_kernel()(h, src_p, dst_p)


BE = 64
NBE = RPT // BE


def _sc_embed_body(state_hbm, emb_hbm, c_hbm, out_hbm, idx_v, rows_v):
    c = lax.axis_index("c")
    s = lax.axis_index("s")
    row0 = s * RPT

    @pl.when(c == 0)
    def _():
        pltpu.sync_copy(state_hbm.at[s], idx_v)

        @pl.loop(0, NBE)
        def _(b):
            pltpu.sync_copy(emb_hbm.at[idx_v.at[b]], rows_v)
            pltpu.sync_copy(rows_v,
                            out_hbm.at[0].at[pl.ds(row0 + b * BE, BE)])

    @pl.when(c == 1)
    def _():
        pltpu.sync_copy(c_hbm, rows_v.at[pl.ds(0, 1)])

        @pl.loop(1, BE)
        def _(r):
            @pl.loop(0, H, step=16)
            def _(k):
                rows_v.at[r][pl.ds(k, 16)] = rows_v.at[0][pl.ds(k, 16)]

        @pl.loop(0, NBE)
        def _(b):
            pltpu.sync_copy(rows_v,
                            out_hbm.at[1].at[pl.ds(row0 + b * BE, BE)])


@functools.cache
def _sc_embed_kernel():
    mesh = plsc.VectorSubcoreMesh(core_axis_name="c", subcore_axis_name="s",
                                  num_cores=2, num_subcores=NTILE)
    return pl.kernel(
        _sc_embed_body,
        out_type=jax.ShapeDtypeStruct((2, NP, H), jnp.float32),
        mesh=mesh,
        scratch_types=[
            pltpu.VMEM((NBE, BE), jnp.int32),
            pltpu.VMEM((BE, H), jnp.float32),
        ],
    )


def _sc_embed(state_rs, emb, c2d):
    return _sc_embed_kernel()(state_rs, emb, c2d)


_P = jax.lax.Precision.DEFAULT


def _dot(a, b):
    return jnp.dot(a, b, precision=_P, preferred_element_type=jnp.float32)


def _accum_stats(i, t, st_ref):
    @pl.when(i == 0)
    def _():
        mu0 = jnp.mean(t, axis=0)
        ctr = t - mu0[None, :]
        st_ref[...] = jnp.concatenate(
            [jnp.sum(ctr, axis=0)[None, :],
             jnp.sum(ctr * ctr, axis=0)[None, :],
             mu0[None, :]], axis=0)

    @pl.when(i > 0)
    def _():
        mu0 = st_ref[2]
        ctr = t - mu0[None, :]
        st_ref[...] += jnp.concatenate(
            [jnp.sum(ctr, axis=0)[None, :],
             jnp.sum(ctr * ctr, axis=0)[None, :],
             jnp.zeros((1, H2), jnp.float32)], axis=0)


def _tc_a_body(h_ref, agg_ref, wa_ref, t1_ref, st_ref):
    i = pl.program_id(0)
    rst = jnp.concatenate(
        [h_ref[0] + agg_ref[0], h_ref[1] + agg_ref[1]], axis=1)
    t1 = _dot(rst, wa_ref[...])
    t1_ref[...] = t1
    _accum_stats(i, t1, st_ref)


def _tc_a(h, agg, wa):
    return pl.pallas_call(
        _tc_a_body,
        grid=(GRID,),
        in_specs=[
            pl.BlockSpec((2, BN_ROWS, H), lambda i: (0, i, 0)),
            pl.BlockSpec((2, BN_ROWS, H), lambda i: (0, i, 0)),
            pl.BlockSpec((H2, H2), lambda i: (0, 0)),
        ],
        out_specs=[
            pl.BlockSpec((BN_ROWS, H2), lambda i: (i, 0)),
            pl.BlockSpec((3, H2), lambda i: (0, 0)),
        ],
        out_shape=[
            jax.ShapeDtypeStruct((N, H2), jnp.float32),
            jax.ShapeDtypeStruct((3, H2), jnp.float32),
        ],
    )(h, agg, wa)


def _bn_relu(t, st, gamma, beta):
    d1 = st[0] * (1.0 / N)
    m = st[2] + d1
    v = st[1] * (1.0 / N) - d1 * d1
    inv = lax.rsqrt(v + 1e-5)
    return jnp.maximum((t - m[None, :]) * (gamma * inv)[None, :] + beta[None, :],
                       0.0)


def _tc_b_body(t1_ref, st_ref, ga_ref, ba_ref, wb_ref, t2_ref, st2_ref):
    i = pl.program_id(0)
    z = _bn_relu(t1_ref[...], st_ref[...], ga_ref[0], ba_ref[0])
    t2 = _dot(z, wb_ref[...])
    t2_ref[...] = t2
    _accum_stats(i, t2, st2_ref)


def _tc_b(t1, st1, ga, ba, wb):
    return pl.pallas_call(
        _tc_b_body,
        grid=(GRID,),
        in_specs=[
            pl.BlockSpec((BN_ROWS, H2), lambda i: (i, 0)),
            pl.BlockSpec((3, H2), lambda i: (0, 0)),
            pl.BlockSpec((1, H2), lambda i: (0, 0)),
            pl.BlockSpec((1, H2), lambda i: (0, 0)),
            pl.BlockSpec((H2, H2), lambda i: (0, 0)),
        ],
        out_specs=[
            pl.BlockSpec((BN_ROWS, H2), lambda i: (i, 0)),
            pl.BlockSpec((3, H2), lambda i: (0, 0)),
        ],
        out_shape=[
            jax.ShapeDtypeStruct((N, H2), jnp.float32),
            jax.ShapeDtypeStruct((3, H2), jnp.float32),
        ],
    )(t1, st1, ga, ba, wb)


def _tc_c_body(t2_ref, st_ref, go_ref, bo_ref, h_ref):
    h = _bn_relu(t2_ref[...], st_ref[...], go_ref[0], bo_ref[0])
    h_ref[0] = h[:, :H]
    h_ref[1] = h[:, H:]


def _tc_c(t2, st2, go, bo):
    return pl.pallas_call(
        _tc_c_body,
        grid=(GRID,),
        in_specs=[
            pl.BlockSpec((BN_ROWS, H2), lambda i: (i, 0)),
            pl.BlockSpec((3, H2), lambda i: (0, 0)),
            pl.BlockSpec((1, H2), lambda i: (0, 0)),
            pl.BlockSpec((1, H2), lambda i: (0, 0)),
        ],
        out_specs=pl.BlockSpec((2, BN_ROWS, H), lambda i: (0, i, 0)),
        out_shape=jax.ShapeDtypeStruct((2, NP, H), jnp.float32),
    )(t2, st2, go, bo)


def _tc_readout_body(h0, h1, h2, h3, h4, wr1_ref, br1_ref, wr2_ref, br2_ref,
                     o_ref):
    acc = jnp.broadcast_to(br1_ref[0], (BN_ROWS, H2))
    for k, h_ref in enumerate((h0, h1, h2, h3, h4)):
        hcat = jnp.concatenate([h_ref[0], h_ref[1]], axis=1)
        acc = acc + _dot(hcat, wr1_ref[k])
    o_ref[...] = _dot(jnp.maximum(acc, 0.0), wr2_ref[...]) + br2_ref[0]


def _tc_readout(hs, wr1r, br1, wr2, br2):
    hspec = pl.BlockSpec((2, BN_ROWS, H), lambda i: (0, i, 0))
    return pl.pallas_call(
        _tc_readout_body,
        grid=(GRID,),
        in_specs=[hspec] * NL + [
            pl.BlockSpec((NL, H2, H2), lambda i: (0, 0, 0)),
            pl.BlockSpec((1, H2), lambda i: (0, 0)),
            pl.BlockSpec((H2, OUT), lambda i: (0, 0)),
            pl.BlockSpec((1, OUT), lambda i: (0, 0)),
        ],
        out_specs=pl.BlockSpec((BN_ROWS, OUT), lambda i: (i, 0)),
        out_shape=jax.ShapeDtypeStruct((N, OUT), jnp.float32),
    )(*hs, wr1r, br1, wr2, br2)


def kernel(state, edge_index, c, emb, Wa, ga, ba, Wb, go, bo, Wr1, br1, Wr2,
           br2):
    src = edge_index[0]
    dst = edge_index[1]
    src_p = jnp.concatenate(
        [src, jnp.zeros((E_PAD - E,), jnp.int32)]).reshape(NTILE, NB, B)
    dst_p = jnp.concatenate(
        [dst, jnp.full((E_PAD - E,), DUMMY, jnp.int32)]).reshape(NTILE, NB, B)

    state_rs = jnp.concatenate(
        [state, jnp.zeros((NP - N,), jnp.int32)]).reshape(NTILE, NBE, BE)
    c2d = c.reshape(1, H)

    h = _sc_embed(state_rs, emb, c2d)

    hs = [h]
    for i in range(L):
        agg = _sc_segsum(h, src_p, dst_p)
        t1, st1 = _tc_a(h, agg, Wa[i])
        t2, st2 = _tc_b(t1, st1, ga[i].reshape(1, H2), ba[i].reshape(1, H2),
                        Wb[i])
        h = _tc_c(t2, st2, go[i].reshape(1, H2), bo[i].reshape(1, H2))
        hs.append(h)

    wr1r = Wr1.reshape(NL, H2, H2)
    return _tc_readout(hs, wr1r, br1.reshape(1, H2), Wr2, br2.reshape(1, OUT))

# --- scband reference (transcript-rebuilt; emitter-appended) ---
"""Pipeline reference for scband-gin-4174708211725 (READ-ONLY COPY).

The authoritative reference and input builder live on the scoring server;
editing this copy changes nothing except your own understanding.
"""

import jax, jax.numpy as jnp
import numpy as np

N = 10000
E = 160000
H = 128
H2 = 256  # hidden_dim doubled by concat modulation
L = 4     # num_layers - 1 GIN conv layers
NL = 5    # num_layers (hidden_rep length)
OUT = 128
VOCAB = 128


def batchnorm(x, gamma, beta):
    m = jnp.mean(x, axis=0)
    v = jnp.var(x, axis=0)
    return gamma * (x - m) / jnp.sqrt(v + 1e-5) + beta


def setup_inputs(seed: int = 0) -> dict:
    key = jax.random.key(seed)
    ks = jax.random.split(key, 16)
    state = jax.random.randint(ks[0], (N,), 0, VOCAB, dtype=jnp.int32)
    edge_index = jax.random.randint(ks[1], (2, E), 0, N, dtype=jnp.int32)
    c = jax.random.normal(ks[2], (H,), dtype=jnp.float32)
    emb = jax.random.normal(ks[3], (VOCAB, H), dtype=jnp.float32) * 0.02
    s = 1.0 / np.sqrt(H2)
    Wa = jax.random.normal(ks[4], (L, H2, H2), dtype=jnp.float32) * s
    Wb = jax.random.normal(ks[5], (L, H2, H2), dtype=jnp.float32) * s
    ga = jnp.ones((L, H2), dtype=jnp.float32)
    ba = jnp.zeros((L, H2), dtype=jnp.float32)
    go = jnp.ones((L, H2), dtype=jnp.float32)
    bo = jnp.zeros((L, H2), dtype=jnp.float32)
    Wr1 = jax.random.normal(ks[6], (NL * H2, H2), dtype=jnp.float32) * (1.0 / np.sqrt(NL * H2))
    br1 = jnp.zeros((H2,), dtype=jnp.float32)
    Wr2 = jax.random.normal(ks[7], (H2, OUT), dtype=jnp.float32) * s
    br2 = jnp.zeros((OUT,), dtype=jnp.float32)
    return {"state": state, "edge_index": edge_index, "c": c, "emb": emb,
            "Wa": Wa, "ga": ga, "ba": ba, "Wb": Wb, "go": go, "bo": bo,
            "Wr1": Wr1, "br1": br1, "Wr2": Wr2, "br2": br2}


def reference(state, edge_index, c, emb, Wa, ga, ba, Wb, go, bo, Wr1, br1, Wr2, br2):
    # inp_embedding
    h = jnp.take(emb, state, axis=0)                      # [N, H]
    # concat modulation: single graph, 1D conditioning expanded over nodes
    C = jnp.broadcast_to(c[None, :], (N, H))              # [N, H]
    h = jnp.concatenate([h, C], axis=1)                   # [N, 2H] = [N, H2]
    src = edge_index[0]
    dst = edge_index[1]
    hidden_rep = [h]
    for i in range(L):
        # GINConv, aggregator='sum', eps=0: rst = h + sum_{j in N(i)} h_j
        agg = jax.ops.segment_sum(jnp.take(h, src, axis=0), dst, num_segments=N)
        rst = h + agg
        # MLP_GIN: Linear(no bias) -> BN -> ReLU -> Linear(no bias)
        t = rst @ Wa[i]
        t = jax.nn.relu(batchnorm(t, ga[i], ba[i]))
        t = t @ Wb[i]
        # outer batch_norm + relu (dropout p=0 is identity)
        h = jax.nn.relu(batchnorm(t, go[i], bo[i]))
        hidden_rep.append(h)
    hcat = jnp.concatenate(hidden_rep, axis=-1)           # [N, NL*H2]
    out = jax.nn.relu(hcat @ Wr1 + br1) @ Wr2 + br2        # [N, OUT]
    return out

if __name__ == "__main__":
    import jax
    _d = setup_inputs()
    print(jax.jit(kernel)(*tuple(_d.values())))

</pallas_src>

<mosaic_0001>
#map = affine_map<(d0, d1) -> (0, 0, 0)>
module attributes {stable_mosaic.version = 14 : i64} {
  func.func @_sc_segsum_body(%arg0: i32, %arg1: i32, %arg2: memref<2x10240x128xf32, #tpu.memory_space<hbm>>, %arg3: memref<16x79x128xi32, #tpu.memory_space<hbm>>, %arg4: memref<16x79x128xi32, #tpu.memory_space<hbm>>, %arg5: memref<2x10240x128xf32, #tpu.memory_space<hbm>>, %arg6: memref<79x128xi32, #tpu.memory_space<vmem>>, %arg7: memref<79x128xi32, #tpu.memory_space<vmem>>, %arg8: memref<128x128xf32, #tpu.memory_space<vmem>>, %arg9: memref<10240x128xf32, #tpu.memory_space<vmem_shared>>) attributes {dimension_semantics = [#tpu.dimension_semantics<core_parallel>, #tpu.dimension_semantics<subcore_parallel>], iteration_bounds = array<i64: 2, 16>, scalar_prefetch = 0 : i64, scratch_operands = 4 : i64, tpu.core_type = #tpu.core_type<sc_vector_subcore>, window_params = [{transform_indices = #map}, {transform_indices = #map}, {transform_indices = #map}, {transform_indices = #map}]} {
    "tpu.region"() ({
      %run_scoped3A = tpu.sem_alloc : memref<!tpu.dma_semaphore, #tpu.memory_space<semaphore_mem>>
      %dma_start3A = arith.constant 0 : i32
      %dma_start3A_18 = arith.constant 0 : i32
      %dma_start3A_19 = tpu.memref_slice %arg3[%arg1, %dma_start3A, %dma_start3A_18] : memref<16x79x128xi32, #tpu.memory_space<hbm>> -> memref<1x79x128xi32, #tpu.memory_space<hbm>>
      %dma_start3A_20 = tpu.memref_squeeze %dma_start3A_19 : memref<1x79x128xi32, #tpu.memory_space<hbm>> -> memref<79x128xi32, #tpu.memory_space<hbm>>
      %dma_start3A_21 = arith.constant 0 : i32
      %dma_start3A_22 = arith.constant 0 : i32
      %dma_start3A_23 = tpu.memref_slice %arg3[%arg1, %dma_start3A_21, %dma_start3A_22] : memref<16x79x128xi32, #tpu.memory_space<hbm>> -> memref<1x79x128xi32, #tpu.memory_space<hbm>>
      %dma_start3A_24 = tpu.memref_squeeze %dma_start3A_23 : memref<1x79x128xi32, #tpu.memory_space<hbm>> -> memref<79x128xi32, #tpu.memory_space<hbm>>
      tpu.enqueue_dma source(%dma_start3A_24 : memref<79x128xi32, #tpu.memory_space<hbm>>) target(%arg6 : memref<79x128xi32, #tpu.memory_space<vmem>>) target_semaphore(%run_scoped3A : memref<!tpu.dma_semaphore, #tpu.memory_space<semaphore_mem>>)
      %dma_wait3A = arith.constant 0 : i32
      %dma_wait3A_25 = arith.constant 0 : i32
      %dma_wait3A_26 = tpu.memref_slice %arg3[%arg1, %dma_wait3A, %dma_wait3A_25] : memref<16x79x128xi32, #tpu.memory_space<hbm>> -> memref<1x79x128xi32, #tpu.memory_space<hbm>>
      %dma_wait3A_27 = tpu.memref_squeeze %dma_wait3A_26 : memref<1x79x128xi32, #tpu.memory_space<hbm>> -> memref<79x128xi32, #tpu.memory_space<hbm>>
      %dma_wait3A_28 = arith.constant 0 : i32
      %dma_wait3A_29 = arith.constant 0 : i32
      %dma_wait3A_30 = tpu.memref_slice %arg3[%arg1, %dma_wait3A_28, %dma_wait3A_29] : memref<16x79x128xi32, #tpu.memory_space<hbm>> -> memref<1x79x128xi32, #tpu.memory_space<hbm>>
      %dma_wait3A_31 = tpu.memref_squeeze %dma_wait3A_30 : memref<1x79x128xi32, #tpu.memory_space<hbm>> -> memref<79x128xi32, #tpu.memory_space<hbm>>
      tpu.wait_dma2 semaphore(%run_scoped3A : memref<!tpu.dma_semaphore, #tpu.memory_space<semaphore_mem>>) src(%dma_wait3A_31 : memref<79x128xi32, #tpu.memory_space<hbm>>) dst(%arg6 : memref<79x128xi32, #tpu.memory_space<vmem>>)
      tpu.yield
    }) : () -> ()
    "tpu.region"() ({
      %run_scoped3A = tpu.sem_alloc : memref<!tpu.dma_semaphore, #tpu.memory_space<semaphore_mem>>
      %dma_start3A = arith.constant 0 : i32
      %dma_start3A_18 = arith.constant 0 : i32
      %dma_start3A_19 = tpu.memref_slice %arg4[%arg1, %dma_start3A, %dma_start3A_18] : memref<16x79x128xi32, #tpu.memory_space<hbm>> -> memref<1x79x128xi32, #tpu.memory_space<hbm>>
      %dma_start3A_20 = tpu.memref_squeeze %dma_start3A_19 : memref<1x79x128xi32, #tpu.memory_space<hbm>> -> memref<79x128xi32, #tpu.memory_space<hbm>>
      %dma_start3A_21 = arith.constant 0 : i32
      %dma_start3A_22 = arith.constant 0 : i32
      %dma_start3A_23 = tpu.memref_slice %arg4[%arg1, %dma_start3A_21, %dma_start3A_22] : memref<16x79x128xi32, #tpu.memory_space<hbm>> -> memref<1x79x128xi32, #tpu.memory_space<hbm>>
      %dma_start3A_24 = tpu.memref_squeeze %dma_start3A_23 : memref<1x79x128xi32, #tpu.memory_space<hbm>> -> memref<79x128xi32, #tpu.memory_space<hbm>>
      tpu.enqueue_dma source(%dma_start3A_24 : memref<79x128xi32, #tpu.memory_space<hbm>>) target(%arg7 : memref<79x128xi32, #tpu.memory_space<vmem>>) target_semaphore(%run_scoped3A : memref<!tpu.dma_semaphore, #tpu.memory_space<semaphore_mem>>)
      %dma_wait3A = arith.constant 0 : i32
      %dma_wait3A_25 = arith.constant 0 : i32
      %dma_wait3A_26 = tpu.memref_slice %arg4[%arg1, %dma_wait3A, %dma_wait3A_25] : memref<16x79x128xi32, #tpu.memory_space<hbm>> -> memref<1x79x128xi32, #tpu.memory_space<hbm>>
      %dma_wait3A_27 = tpu.memref_squeeze %dma_wait3A_26 : memref<1x79x128xi32, #tpu.memory_space<hbm>> -> memref<79x128xi32, #tpu.memory_space<hbm>>
      %dma_wait3A_28 = arith.constant 0 : i32
      %dma_wait3A_29 = arith.constant 0 : i32
      %dma_wait3A_30 = tpu.memref_slice %arg4[%arg1, %dma_wait3A_28, %dma_wait3A_29] : memref<16x79x128xi32, #tpu.memory_space<hbm>> -> memref<1x79x128xi32, #tpu.memory_space<hbm>>
      %dma_wait3A_31 = tpu.memref_squeeze %dma_wait3A_30 : memref<1x79x128xi32, #tpu.memory_space<hbm>> -> memref<79x128xi32, #tpu.memory_space<hbm>>
      tpu.wait_dma2 semaphore(%run_scoped3A : memref<!tpu.dma_semaphore, #tpu.memory_space<semaphore_mem>>) src(%dma_wait3A_31 : memref<79x128xi32, #tpu.memory_space<hbm>>) dst(%arg7 : memref<79x128xi32, #tpu.memory_space<vmem>>)
      tpu.yield
    }) : () -> ()
    %scan3A = arith.constant 0 : i32
    %scan3A_0 = arith.constant 128 : i32
    %scan3A_1 = arith.addi %scan3A, %scan3A_0 : i32
    %scan3A_2 = arith.constant 1 : i32
    scf.for %scan3A_18 = %scan3A to %scan3A_1 step %scan3A_2  : i32 {
      %mul3A_19 = arith.constant 1 : i32
      %mul3A_20 = arith.muli %scan3A_18, %mul3A_19 : i32
      %add3A = arith.constant 0 : i32
      %add3A_21 = arith.addi %add3A, %mul3A_20 : i32
      %scan3A_22 = arith.constant 0 : i32
      %scan3A_23 = arith.constant 8 : i32
      %scan3A_24 = arith.addi %scan3A_22, %scan3A_23 : i32
      %scan3A_25 = arith.constant 1 : i32
      scf.for %scan3A_27 = %scan3A_22 to %scan3A_24 step %scan3A_25  : i32 {
        %mul3A_28 = arith.constant 16 : i32
        %mul3A_29 = arith.muli %scan3A_27, %mul3A_28 : i32
        %add3A_30 = arith.constant 0 : i32
        %add3A_31 = arith.addi %add3A_30, %mul3A_29 : i32
        %broadcast_in_dim3A = arith.constant 0.000000e+00 : f32
        %broadcast_in_dim3A_32 = vector.broadcast %broadcast_in_dim3A : f32 to vector<16xf32>
        %swap3A = arith.constant 0 : i32
        %swap3A_33 = tpu.memref_slice %arg8[%add3A_21, %swap3A] : memref<128x128xf32, #tpu.memory_space<vmem>> -> memref<1x128xf32, #tpu.memory_space<vmem>>
        %swap3A_34 = tpu.memref_squeeze %swap3A_33 : memref<1x128xf32, #tpu.memory_space<vmem>> -> memref<128xf32, #tpu.memory_space<vmem>>
        %swap3A_35 = arith.index_cast %add3A_31 : i32 to index
        %swap3A_36 = tpu.vector_load %swap3A_34[%swap3A_35] {strides = array<i32>} : memref<128xf32, #tpu.memory_space<vmem>>, vector<16xf32>,
        %swap3A_37 = vector.shape_cast %swap3A_36 : vector<16xf32> to vector<16xf32>
        %swap3A_38 = vector.shape_cast %broadcast_in_dim3A_32 : vector<16xf32> to vector<16xf32>
        tpu.vector_store %swap3A_34[%swap3A_35], %swap3A_38 {strides = array<i32>} : memref<128xf32, #tpu.memory_space<vmem>>, vector<16xf32>,
      }
      %scan3A_26 = arith.constant 8 : i32
    }
    %scan3A_3 = arith.constant 128 : i32
    %scan3A_4 = arith.constant 0 : i32
    %scan3A_5 = arith.constant 5 : i32
    %scan3A_6 = arith.addi %scan3A_4, %scan3A_5 : i32
    %scan3A_7 = arith.constant 1 : i32
    scf.for %scan3A_18 = %scan3A_4 to %scan3A_6 step %scan3A_7  : i32 {
      %mul3A_19 = arith.constant 128 : i32
      %mul3A_20 = arith.muli %scan3A_18, %mul3A_19 : i32
      %add3A = arith.constant 0 : i32
      %add3A_21 = arith.addi %add3A, %mul3A_20 : i32
      %mul3A_22 = arith.constant 640 : i32
      %mul3A_23 = arith.muli %arg1, %mul3A_22 : i32
      %add3A_24 = arith.addi %mul3A_23, %add3A_21 : i32
      "tpu.region"() ({
        %run_scoped3A = tpu.sem_alloc : memref<!tpu.dma_semaphore, #tpu.memory_space<semaphore_mem>>
        %dma_start3A = arith.constant 0 : i32
        %dma_start3A_25 = tpu.memref_slice %arg9[%add3A_24, %dma_start3A] : memref<10240x128xf32, #tpu.memory_space<vmem_shared>> -> memref<128x128xf32, #tpu.memory_space<vmem_shared>>
        %dma_start3A_26 = arith.constant 0 : i32
        %dma_start3A_27 = tpu.memref_slice %arg9[%add3A_24, %dma_start3A_26] : memref<10240x128xf32, #tpu.memory_space<vmem_shared>> -> memref<128x128xf32, #tpu.memory_space<vmem_shared>>
        tpu.enqueue_dma source(%arg8 : memref<128x128xf32, #tpu.memory_space<vmem>>) target(%dma_start3A_27 : memref<128x128xf32, #tpu.memory_space<vmem_shared>>) target_semaphore(%run_scoped3A : memref<!tpu.dma_semaphore, #tpu.memory_space<semaphore_mem>>)
        %dma_wait3A = arith.constant 0 : i32
        %dma_wait3A_28 = tpu.memref_slice %arg9[%add3A_24, %dma_wait3A] : memref<10240x128xf32, #tpu.memory_space<vmem_shared>> -> memref<128x128xf32, #tpu.memory_space<vmem_shared>>
        %dma_wait3A_29 = arith.constant 0 : i32
        %dma_wait3A_30 = tpu.memref_slice %arg9[%add3A_24, %dma_wait3A_29] : memref<10240x128xf32, #tpu.memory_space<vmem_shared>> -> memref<128x128xf32, #tpu.memory_space<vmem_shared>>
        tpu.wait_dma2 semaphore(%run_scoped3A : memref<!tpu.dma_semaphore, #tpu.memory_space<semaphore_mem>>) src(%arg8 : memref<128x128xf32, #tpu.memory_space<vmem>>) dst(%dma_wait3A_30 : memref<128x128xf32, #tpu.memory_space<vmem_shared>>)
        tpu.yield
      }) : () -> ()
    }
    %scan3A_8 = arith.constant 5 : i32
    %barrier3A = arith.constant 0 : index
    tpu.barrier barrier_id(%barrier3A)
    %scan3A_9 = arith.constant 0 : i32
    %scan3A_10 = arith.constant 79 : i32
    %scan3A_11 = arith.addi %scan3A_9, %scan3A_10 : i32
    %scan3A_12 = arith.constant 1 : i32
    scf.for %scan3A_18 = %scan3A_9 to %scan3A_11 step %scan3A_12  : i32 {
      %mul3A_19 = arith.constant 1 : i32
      %mul3A_20 = arith.muli %scan3A_18, %mul3A_19 : i32
      %add3A = arith.constant 0 : i32
      %add3A_21 = arith.addi %add3A, %mul3A_20 : i32
      "tpu.region"() ({
        %run_scoped3A = tpu.sem_alloc : memref<!tpu.dma_semaphore, #tpu.memory_space<semaphore_mem>>
        %dma_start3A = arith.constant 0 : i32
        %dma_start3A_22 = tpu.memref_slice %arg6[%add3A_21, %dma_start3A] : memref<79x128xi32, #tpu.memory_space<vmem>> -> memref<1x128xi32, #tpu.memory_space<vmem>>
        %dma_start3A_23 = tpu.memref_squeeze %dma_start3A_22 : memref<1x128xi32, #tpu.memory_space<vmem>> -> memref<128xi32, #tpu.memory_space<vmem>>
        %dma_start3A_24 = arith.constant 0 : i32
        %dma_start3A_25 = arith.constant 0 : i32
        %dma_start3A_26 = tpu.memref_slice %arg2[%arg0, %dma_start3A_24, %dma_start3A_25] : memref<2x10240x128xf32, #tpu.memory_space<hbm>> -> memref<1x10240x128xf32, #tpu.memory_space<hbm>>
        %dma_start3A_27 = tpu.memref_squeeze %dma_start3A_26 : memref<1x10240x128xf32, #tpu.memory_space<hbm>> -> memref<10240x128xf32, #tpu.memory_space<hbm>>
        %dma_start3A_28 = arith.constant 0 : i32
        %dma_start3A_29 = arith.constant 0 : i32
        %dma_start3A_30 = tpu.memref_slice %dma_start3A_27[%dma_start3A_28, %dma_start3A_29] : memref<10240x128xf32, #tpu.memory_space<hbm>> -> memref<10240x128xf32, #tpu.memory_space<hbm>>
        tpu.enqueue_indirect_dma source(%dma_start3A_30 : memref<10240x128xf32, #tpu.memory_space<hbm>>) target(%arg8 : memref<128x128xf32, #tpu.memory_space<vmem>>) offsets(%dma_start3A_23 : memref<128xi32, #tpu.memory_space<vmem>>) semaphore(%run_scoped3A : memref<!tpu.dma_semaphore, #tpu.memory_space<semaphore_mem>>)
        %dma_wait3A = arith.constant 0 : i32
        %dma_wait3A_31 = tpu.memref_slice %arg6[%add3A_21, %dma_wait3A] : memref<79x128xi32, #tpu.memory_space<vmem>> -> memref<1x128xi32, #tpu.memory_space<vmem>>
        %dma_wait3A_32 = tpu.memref_squeeze %dma_wait3A_31 : memref<1x128xi32, #tpu.memory_space<vmem>> -> memref<128xi32, #tpu.memory_space<vmem>>
        %dma_wait3A_33 = arith.constant 0 : i32
        %dma_wait3A_34 = arith.constant 0 : i32
        %dma_wait3A_35 = tpu.memref_slice %arg2[%arg0, %dma_wait3A_33, %dma_wait3A_34] : memref<2x10240x128xf32, #tpu.memory_space<hbm>> -> memref<1x10240x128xf32, #tpu.memory_space<hbm>>
        %dma_wait3A_36 = tpu.memref_squeeze %dma_wait3A_35 : memref<1x10240x128xf32, #tpu.memory_space<hbm>> -> memref<10240x128xf32, #tpu.memory_space<hbm>>
        %dma_wait3A_37 = arith.constant 0 : i32
        %dma_wait3A_38 = arith.constant 0 : i32
        %dma_wait3A_39 = tpu.memref_slice %dma_wait3A_36[%dma_wait3A_37, %dma_wait3A_38] : memref<10240x128xf32, #tpu.memory_space<hbm>> -> memref<10240x128xf32, #tpu.memory_space<hbm>>
        tpu.wait_indirect_dma semaphore(%run_scoped3A : memref<!tpu.dma_semaphore, #tpu.memory_space<semaphore_mem>>) src(%dma_wait3A_39 : memref<10240x128xf32, #tpu.memory_space<hbm>>) dst(%arg8 : memref<128x128xf32, #tpu.memory_space<vmem>>)
        tpu.yield
      }) : () -> ()
      "tpu.region"() ({
        %run_scoped3A = tpu.sem_alloc : memref<!tpu.dma_semaphore, #tpu.memory_space<semaphore_mem>>
        %dma_start3A = arith.constant 0 : i32
        %dma_start3A_22 = tpu.memref_slice %arg7[%add3A_21, %dma_start3A] : memref<79x128xi32, #tpu.memory_space<vmem>> -> memref<1x128xi32, #tpu.memory_space<vmem>>
        %dma_start3A_23 = tpu.memref_squeeze %dma_start3A_22 : memref<1x128xi32, #tpu.memory_space<vmem>> -> memref<128xi32, #tpu.memory_space<vmem>>
        %dma_start3A_24 = arith.constant 0 : i32
        %dma_start3A_25 = arith.constant 0 : i32
        %dma_start3A_26 = tpu.memref_slice %arg9[%dma_start3A_24, %dma_start3A_25] : memref<10240x128xf32, #tpu.memory_space<vmem_shared>> -> memref<10240x128xf32, #tpu.memory_space<vmem_shared>>
        tpu.enqueue_indirect_dma source(%arg8 : memref<128x128xf32, #tpu.memory_space<vmem>>) target(%dma_start3A_26 : memref<10240x128xf32, #tpu.memory_space<vmem_shared>>) offsets(%dma_start3A_23 : memref<128xi32, #tpu.memory_space<vmem>>) semaphore(%run_scoped3A : memref<!tpu.dma_semaphore, #tpu.memory_space<semaphore_mem>>) {add = true}
        %dma_wait3A = arith.constant 0 : i32
        %dma_wait3A_27 = tpu.memref_slice %arg7[%add3A_21, %dma_wait3A] : memref<79x128xi32, #tpu.memory_space<vmem>> -> memref<1x128xi32, #tpu.memory_space<vmem>>
        %dma_wait3A_28 = tpu.memref_squeeze %dma_wait3A_27 : memref<1x128xi32, #tpu.memory_space<vmem>> -> memref<128xi32, #tpu.memory_space<vmem>>
        %dma_wait3A_29 = arith.constant 0 : i32
        %dma_wait3A_30 = arith.constant 0 : i32
        %dma_wait3A_31 = tpu.memref_slice %arg9[%dma_wait3A_29, %dma_wait3A_30] : memref<10240x128xf32, #tpu.memory_space<vmem_shared>> -> memref<10240x128xf32, #tpu.memory_space<vmem_shared>>
        tpu.wait_indirect_dma semaphore(%run_scoped3A : memref<!tpu.dma_semaphore, #tpu.memory_space<semaphore_mem>>) src(%arg8 : memref<128x128xf32, #tpu.memory_space<vmem>>) dst(%dma_wait3A_31 : memref<10240x128xf32, #tpu.memory_space<vmem_shared>>)
        tpu.yield
      }) : () -> ()
    }
    %scan3A_13 = arith.constant 79 : i32
    %barrier3A_14 = arith.constant 0 : index
    tpu.barrier barrier_id(%barrier3A_14)
    %mul3A = arith.constant 640 : i32
    %mul3A_15 = arith.muli %arg1, %mul3A : i32
    %mul3A_16 = arith.constant 640 : i32
    %mul3A_17 = arith.muli %arg1, %mul3A_16 : i32
    "tpu.region"() ({
      %run_scoped3A = tpu.sem_alloc : memref<!tpu.dma_semaphore, #tpu.memory_space<semaphore_mem>>
      %dma_start3A = arith.constant 0 : i32
      %dma_start3A_18 = arith.constant 0 : i32
      %dma_start3A_19 = tpu.memref_slice %arg5[%arg0, %dma_start3A, %dma_start3A_18] : memref<2x10240x128xf32, #tpu.memory_space<hbm>> -> memref<1x10240x128xf32, #tpu.memory_space<hbm>>
      %dma_start3A_20 = tpu.memref_squeeze %dma_start3A_19 : memref<1x10240x128xf32, #tpu.memory_space<hbm>> -> memref<10240x128xf32, #tpu.memory_space<hbm>>
      %dma_start3A_21 = arith.constant 0 : i32
      %dma_start3A_22 = tpu.memref_slice %dma_start3A_20[%mul3A_17, %dma_start3A_21] : memref<10240x128xf32, #tpu.memory_space<hbm>> -> memref<640x128xf32, #tpu.memory_space<hbm>>
      %dma_start3A_23 = arith.constant 0 : i32
      %dma_start3A_24 = tpu.memref_slice %arg9[%mul3A_15, %dma_start3A_23] : memref<10240x128xf32, #tpu.memory_space<vmem_shared>> -> memref<640x128xf32, #tpu.memory_space<vmem_shared>>
      tpu.enqueue_dma source(%dma_start3A_24 : memref<640x128xf32, #tpu.memory_space<vmem_shared>>) target(%dma_start3A_22 : memref<640x128xf32, #tpu.memory_space<hbm>>) target_semaphore(%run_scoped3A : memref<!tpu.dma_semaphore, #tpu.memory_space<semaphore_mem>>)
      %dma_wait3A = arith.constant 0 : i32
      %dma_wait3A_25 = arith.constant 0 : i32
      %dma_wait3A_26 = tpu.memref_slice %arg5[%arg0, %dma_wait3A, %dma_wait3A_25] : memref<2x10240x128xf32, #tpu.memory_space<hbm>> -> memref<1x10240x128xf32, #tpu.memory_space<hbm>>
      %dma_wait3A_27 = tpu.memref_squeeze %dma_wait3A_26 : memref<1x10240x128xf32, #tpu.memory_space<hbm>> -> memref<10240x128xf32, #tpu.memory_space<hbm>>
      %dma_wait3A_28 = arith.constant 0 : i32
      %dma_wait3A_29 = tpu.memref_slice %dma_wait3A_27[%mul3A_17, %dma_wait3A_28] : memref<10240x128xf32, #tpu.memory_space<hbm>> -> memref<640x128xf32, #tpu.memory_space<hbm>>
      %dma_wait3A_30 = arith.constant 0 : i32
      %dma_wait3A_31 = tpu.memref_slice %arg9[%mul3A_15, %dma_wait3A_30] : memref<10240x128xf32, #tpu.memory_space<vmem_shared>> -> memref<640x128xf32, #tpu.memory_space<vmem_shared>>
      tpu.wait_dma2 semaphore(%run_scoped3A : memref<!tpu.dma_semaphore, #tpu.memory_space<semaphore_mem>>) src(%dma_wait3A_31 : memref<640x128xf32, #tpu.memory_space<vmem_shared>>) dst(%dma_wait3A_29 : memref<640x128xf32, #tpu.memory_space<hbm>>)
      tpu.yield
    }) : () -> ()
    return
  }
}

#map = affine_map<(d0, d1) -> (0, 0, 0)>
module attributes {stable_mosaic.version = 14 : i64} {
  func.func @_sc_segsum_body(%arg0: i32, %arg1: i32, %arg2: memref<2x10240x128xf32, #tpu.memory_space<hbm>>, %arg3: memref<16x79x128xi32, #tpu.memory_space<hbm>>, %arg4: memref<16x79x128xi32, #tpu.memory_space<hbm>>, %arg5: memref<2x10240x128xf32, #tpu.memory_space<hbm>>, %arg6: memref<79x128xi32, #tpu.memory_space<vmem>>, %arg7: memref<79x128xi32, #tpu.memory_space<vmem>>, %arg8: memref<128x128xf32, #tpu.memory_space<vmem>>, %arg9: memref<10240x128xf32, #tpu.memory_space<vmem_shared>>) attributes {dimension_semantics = [#tpu.dimension_semantics<core_parallel>, #tpu.dimension_semantics<subcore_parallel>], iteration_bounds = array<i64: 2, 16>, scalar_prefetch = 0 : i64, scratch_operands = 4 : i64, tpu.core_type = #tpu.core_type<sc_vector_subcore>, window_params = [{transform_indices = #map}, {transform_indices = #map}, {transform_indices = #map}, {transform_indices = #map}]} {
    "tpu.region"() ({
      %run_scoped3A = tpu.sem_alloc : memref<!tpu.dma_semaphore, #tpu.memory_space<semaphore_mem>>
      %dma_start3A = arith.constant 0 : i32
      %dma_start3A_18 = arith.constant 0 : i32
      %dma_start3A_19 = tpu.memref_slice %arg3[%arg1, %dma_start3A, %dma_start3A_18] : memref<16x79x128xi32, #tpu.memory_space<hbm>> -> memref<1x79x128xi32, #tpu.memory_space<hbm>>
      %dma_start3A_20 = tpu.memref_squeeze %dma_start3A_19 : memref<1x79x128xi32, #tpu.memory_space<hbm>> -> memref<79x128xi32, #tpu.memory_space<hbm>>
      %dma_start3A_21 = arith.constant 0 : i32
      %dma_start3A_22 = arith.constant 0 : i32
      %dma_start3A_23 = tpu.memref_slice %arg3[%arg1, %dma_start3A_21, %dma_start3A_22] : memref<16x79x128xi32, #tpu.memory_space<hbm>> -> memref<1x79x128xi32, #tpu.memory_space<hbm>>
      %dma_start3A_24 = tpu.memref_squeeze %dma_start3A_23 : memref<1x79x128xi32, #tpu.memory_space<hbm>> -> memref<79x128xi32, #tpu.memory_space<hbm>>
      tpu.enqueue_dma source(%dma_start3A_24 : memref<79x128xi32, #tpu.memory_space<hbm>>) target(%arg6 : memref<79x128xi32, #tpu.memory_space<vmem>>) target_semaphore(%run_scoped3A : memref<!tpu.dma_semaphore, #tpu.memory_space<semaphore_mem>>)
      %dma_wait3A = arith.constant 0 : i32
      %dma_wait3A_25 = arith.constant 0 : i32
      %dma_wait3A_26 = tpu.memref_slice %arg3[%arg1, %dma_wait3A, %dma_wait3A_25] : memref<16x79x128xi32, #tpu.memory_space<hbm>> -> memref<1x79x128xi32, #tpu.memory_space<hbm>>
      %dma_wait3A_27 = tpu.memref_squeeze %dma_wait3A_26 : memref<1x79x128xi32, #tpu.memory_space<hbm>> -> memref<79x128xi32, #tpu.memory_space<hbm>>
      %dma_wait3A_28 = arith.constant 0 : i32
      %dma_wait3A_29 = arith.constant 0 : i32
      %dma_wait3A_30 = tpu.memref_slice %arg3[%arg1, %dma_wait3A_28, %dma_wait3A_29] : memref<16x79x128xi32, #tpu.memory_space<hbm>> -> memref<1x79x128xi32, #tpu.memory_space<hbm>>
      %dma_wait3A_31 = tpu.memref_squeeze %dma_wait3A_30 : memref<1x79x128xi32, #tpu.memory_space<hbm>> -> memref<79x128xi32, #tpu.memory_space<hbm>>
      tpu.wait_dma2 semaphore(%run_scoped3A : memref<!tpu.dma_semaphore, #tpu.memory_space<semaphore_mem>>) src(%dma_wait3A_31 : memref<79x128xi32, #tpu.memory_space<hbm>>) dst(%arg6 : memref<79x128xi32, #tpu.memory_space<vmem>>)
      tpu.yield
    }) : () -> ()
    "tpu.region"() ({
      %run_scoped3A = tpu.sem_alloc : memref<!tpu.dma_semaphore, #tpu.memory_space<semaphore_mem>>
      %dma_start3A = arith.constant 0 : i32
      %dma_start3A_18 = arith.constant 0 : i32
      %dma_start3A_19 = tpu.memref_slice %arg4[%arg1, %dma_start3A, %dma_start3A_18] : memref<16x79x128xi32, #tpu.memory_space<hbm>> -> memref<1x79x128xi32, #tpu.memory_space<hbm>>
      %dma_start3A_20 = tpu.memref_squeeze %dma_start3A_19 : memref<1x79x128xi32, #tpu.memory_space<hbm>> -> memref<79x128xi32, #tpu.memory_space<hbm>>
      %dma_start3A_21 = arith.constant 0 : i32
      %dma_start3A_22 = arith.constant 0 : i32
      %dma_start3A_23 = tpu.memref_slice %arg4[%arg1, %dma_start3A_21, %dma_start3A_22] : memref<16x79x128xi32, #tpu.memory_space<hbm>> -> memref<1x79x128xi32, #tpu.memory_space<hbm>>
      %dma_start3A_24 = tpu.memref_squeeze %dma_start3A_23 : memref<1x79x128xi32, #tpu.memory_space<hbm>> -> memref<79x128xi32, #tpu.memory_space<hbm>>
      tpu.enqueue_dma source(%dma_start3A_24 : memref<79x128xi32, #tpu.memory_space<hbm>>) target(%arg7 : memref<79x128xi32, #tpu.memory_space<vmem>>) target_semaphore(%run_scoped3A : memref<!tpu.dma_semaphore, #tpu.memory_space<semaphore_mem>>)
      %dma_wait3A = arith.constant 0 : i32
      %dma_wait3A_25 = arith.constant 0 : i32
      %dma_wait3A_26 = tpu.memref_slice %arg4[%arg1, %dma_wait3A, %dma_wait3A_25] : memref<16x79x128xi32, #tpu.memory_space<hbm>> -> memref<1x79x128xi32, #tpu.memory_space<hbm>>
      %dma_wait3A_27 = tpu.memref_squeeze %dma_wait3A_26 : memref<1x79x128xi32, #tpu.memory_space<hbm>> -> memref<79x128xi32, #tpu.memory_space<hbm>>
      %dma_wait3A_28 = arith.constant 0 : i32
      %dma_wait3A_29 = arith.constant 0 : i32
      %dma_wait3A_30 = tpu.memref_slice %arg4[%arg1, %dma_wait3A_28, %dma_wait3A_29] : memref<16x79x128xi32, #tpu.memory_space<hbm>> -> memref<1x79x128xi32, #tpu.memory_space<hbm>>
      %dma_wait3A_31 = tpu.memref_squeeze %dma_wait3A_30 : memref<1x79x128xi32, #tpu.memory_space<hbm>> -> memref<79x128xi32, #tpu.memory_space<hbm>>
      tpu.wait_dma2 semaphore(%run_scoped3A : memref<!tpu.dma_semaphore, #tpu.memory_space<semaphore_mem>>) src(%dma_wait3A_31 : memref<79x128xi32, #tpu.memory_space<hbm>>) dst(%arg7 : memref<79x128xi32, #tpu.memory_space<vmem>>)
      tpu.yield
    }) : () -> ()
    %scan3A = arith.constant 0 : i32
    %scan3A_0 = arith.constant 128 : i32
    %scan3A_1 = arith.addi %scan3A, %scan3A_0 : i32
    %scan3A_2 = arith.constant 1 : i32
    scf.for %scan3A_18 = %scan3A to %scan3A_1 step %scan3A_2  : i32 {
      %mul3A_19 = arith.constant 1 : i32
      %mul3A_20 = arith.muli %scan3A_18, %mul3A_19 : i32
      %add3A = arith.constant 0 : i32
      %add3A_21 = arith.addi %add3A, %mul3A_20 : i32
      %scan3A_22 = arith.constant 0 : i32
      %scan3A_23 = arith.constant 8 : i32
      %scan3A_24 = arith.addi %scan3A_22, %scan3A_23 : i32
      %scan3A_25 = arith.constant 1 : i32
      scf.for %scan3A_27 = %scan3A_22 to %scan3A_24 step %scan3A_25  : i32 {
        %mul3A_28 = arith.constant 16 : i32
        %mul3A_29 = arith.muli %scan3A_27, %mul3A_28 : i32
        %add3A_30 = arith.constant 0 : i32
        %add3A_31 = arith.addi %add3A_30, %mul3A_29 : i32
        %broadcast_in_dim3A = arith.constant 0.000000e+00 : f32
        %broadcast_in_dim3A_32 = vector.broadcast %broadcast_in_dim3A : f32 to vector<16xf32>
        %swap3A = arith.constant 0 : i32
        %swap3A_33 = tpu.memref_slice %arg8[%add3A_21, %swap3A] : memref<128x128xf32, #tpu.memory_space<vmem>> -> memref<1x128xf32, #tpu.memory_space<vmem>>
        %swap3A_34 = tpu.memref_squeeze %swap3A_33 : memref<1x128xf32, #tpu.memory_space<vmem>> -> memref<128xf32, #tpu.memory_space<vmem>>
        %swap3A_35 = arith.index_cast %add3A_31 : i32 to index
        %swap3A_36 = tpu.vector_load %swap3A_34[%swap3A_35] {strides = array<i32>} : memref<128xf32, #tpu.memory_space<vmem>>, vector<16xf32>,
        %swap3A_37 = vector.shape_cast %swap3A_36 : vector<16xf32> to vector<16xf32>
        %swap3A_38 = vector.shape_cast %broadcast_in_dim3A_32 : vector<16xf32> to vector<16xf32>
        tpu.vector_store %swap3A_34[%swap3A_35], %swap3A_38 {strides = array<i32>} : memref<128xf32, #tpu.memory_space<vmem>>, vector<16xf32>,
      }
      %scan3A_26 = arith.constant 8 : i32
    }
    %scan3A_3 = arith.constant 128 : i32
    %scan3A_4 = arith.constant 0 : i32
    %scan3A_5 = arith.constant 5 : i32
    %scan3A_6 = arith.addi %scan3A_4, %scan3A_5 : i32
    %scan3A_7 = arith.constant 1 : i32
    scf.for %scan3A_18 = %scan3A_4 to %scan3A_6 step %scan3A_7  : i32 {
      %mul3A_19 = arith.constant 128 : i32
      %mul3A_20 = arith.muli %scan3A_18, %mul3A_19 : i32
      %add3A = arith.constant 0 : i32
      %add3A_21 = arith.addi %add3A, %mul3A_20 : i32
      %mul3A_22 = arith.constant 640 : i32
      %mul3A_23 = arith.muli %arg1, %mul3A_22 : i32
      %add3A_24 = arith.addi %mul3A_23, %add3A_21 : i32
      "tpu.region"() ({
        %run_scoped3A = tpu.sem_alloc : memref<!tpu.dma_semaphore, #tpu.memory_space<semaphore_mem>>
        %dma_start3A = arith.constant 0 : i32
        %dma_start3A_25 = tpu.memref_slice %arg9[%add3A_24, %dma_start3A] : memref<10240x128xf32, #tpu.memory_space<vmem_shared>> -> memref<128x128xf32, #tpu.memory_space<vmem_shared>>
        %dma_start3A_26 = arith.constant 0 : i32
        %dma_start3A_27 = tpu.memref_slice %arg9[%add3A_24, %dma_start3A_26] : memref<10240x128xf32, #tpu.memory_space<vmem_shared>> -> memref<128x128xf32, #tpu.memory_space<vmem_shared>>
        tpu.enqueue_dma source(%arg8 : memref<128x128xf32, #tpu.memory_space<vmem>>) target(%dma_start3A_27 : memref<128x128xf32, #tpu.memory_space<vmem_shared>>) target_semaphore(%run_scoped3A : memref<!tpu.dma_semaphore, #tpu.memory_space<semaphore_mem>>)
        %dma_wait3A = arith.constant 0 : i32
        %dma_wait3A_28 = tpu.memref_slice %arg9[%add3A_24, %dma_wait3A] : memref<10240x128xf32, #tpu.memory_space<vmem_shared>> -> memref<128x128xf32, #tpu.memory_space<vmem_shared>>
        %dma_wait3A_29 = arith.constant 0 : i32
        %dma_wait3A_30 = tpu.memref_slice %arg9[%add3A_24, %dma_wait3A_29] : memref<10240x128xf32, #tpu.memory_space<vmem_shared>> -> memref<128x128xf32, #tpu.memory_space<vmem_shared>>
        tpu.wait_dma2 semaphore(%run_scoped3A : memref<!tpu.dma_semaphore, #tpu.memory_space<semaphore_mem>>) src(%arg8 : memref<128x128xf32, #tpu.memory_space<vmem>>) dst(%dma_wait3A_30 : memref<128x128xf32, #tpu.memory_space<vmem_shared>>)
        tpu.yield
      }) : () -> ()
    }
    %scan3A_8 = arith.constant 5 : i32
    %barrier3A = arith.constant 0 : index
    tpu.barrier barrier_id(%barrier3A)
    %scan3A_9 = arith.constant 0 : i32
    %scan3A_10 = arith.constant 79 : i32
    %scan3A_11 = arith.addi %scan3A_9, %scan3A_10 : i32
    %scan3A_12 = arith.constant 1 : i32
    scf.for %scan3A_18 = %scan3A_9 to %scan3A_11 step %scan3A_12  : i32 {
      %mul3A_19 = arith.constant 1 : i32
      %mul3A_20 = arith.muli %scan3A_18, %mul3A_19 : i32
      %add3A = arith.constant 0 : i32
      %add3A_21 = arith.addi %add3A, %mul3A_20 : i32
      "tpu.region"() ({
        %run_scoped3A = tpu.sem_alloc : memref<!tpu.dma_semaphore, #tpu.memory_space<semaphore_mem>>
        %dma_start3A = arith.constant 0 : i32
        %dma_start3A_22 = tpu.memref_slice %arg6[%add3A_21, %dma_start3A] : memref<79x128xi32, #tpu.memory_space<vmem>> -> memref<1x128xi32, #tpu.memory_space<vmem>>
        %dma_start3A_23 = tpu.memref_squeeze %dma_start3A_22 : memref<1x128xi32, #tpu.memory_space<vmem>> -> memref<128xi32, #tpu.memory_space<vmem>>
        %dma_start3A_24 = arith.constant 0 : i32
        %dma_start3A_25 = arith.constant 0 : i32
        %dma_start3A_26 = tpu.memref_slice %arg2[%arg0, %dma_start3A_24, %dma_start3A_25] : memref<2x10240x128xf32, #tpu.memory_space<hbm>> -> memref<1x10240x128xf32, #tpu.memory_space<hbm>>
        %dma_start3A_27 = tpu.memref_squeeze %dma_start3A_26 : memref<1x10240x128xf32, #tpu.memory_space<hbm>> -> memref<10240x128xf32, #tpu.memory_space<hbm>>
        %dma_start3A_28 = arith.constant 0 : i32
        %dma_start3A_29 = arith.constant 0 : i32
        %dma_start3A_30 = tpu.memref_slice %dma_start3A_27[%dma_start3A_28, %dma_start3A_29] : memref<10240x128xf32, #tpu.memory_space<hbm>> -> memref<10240x128xf32, #tpu.memory_space<hbm>>
        tpu.enqueue_indirect_dma source(%dma_start3A_30 : memref<10240x128xf32, #tpu.memory_space<hbm>>) target(%arg8 : memref<128x128xf32, #tpu.memory_space<vmem>>) offsets(%dma_start3A_23 : memref<128xi32, #tpu.memory_space<vmem>>) semaphore(%run_scoped3A : memref<!tpu.dma_semaphore, #tpu.memory_space<semaphore_mem>>)
        %dma_wait3A = arith.constant 0 : i32
        %dma_wait3A_31 = tpu.memref_slice %arg6[%add3A_21, %dma_wait3A] : memref<79x128xi32, #tpu.memory_space<vmem>> -> memref<1x128xi32, #tpu.memory_space<vmem>>
        %dma_wait3A_32 = tpu.memref_squeeze %dma_wait3A_31 : memref<1x128xi32, #tpu.memory_space<vmem>> -> memref<128xi32, #tpu.memory_space<vmem>>
        %dma_wait3A_33 = arith.constant 0 : i32
        %dma_wait3A_34 = arith.constant 0 : i32
        %dma_wait3A_35 = tpu.memref_slice %arg2[%arg0, %dma_wait3A_33, %dma_wait3A_34] : memref<2x10240x128xf32, #tpu.memory_space<hbm>> -> memref<1x10240x128xf32, #tpu.memory_space<hbm>>
        %dma_wait3A_36 = tpu.memref_squeeze %dma_wait3A_35 : memref<1x10240x128xf32, #tpu.memory_space<hbm>> -> memref<10240x128xf32, #tpu.memory_space<hbm>>
        %dma_wait3A_37 = arith.constant 0 : i32
        %dma_wait3A_38 = arith.constant 0 : i32
        %dma_wait3A_39 = tpu.memref_slice %dma_wait3A_36[%dma_wait3A_37, %dma_wait3A_38] : memref<10240x128xf32, #tpu.memory_space<hbm>> -> memref<10240x128xf32, #tpu.memory_space<hbm>>
        tpu.wait_indirect_dma semaphore(%run_scoped3A : memref<!tpu.dma_semaphore, #tpu.memory_space<semaphore_mem>>) src(%dma_wait3A_39 : memref<10240x128xf32, #tpu.memory_space<hbm>>) dst(%arg8 : memref<128x128xf32, #tpu.memory_space<vmem>>)
        tpu.yield
      }) : () -> ()
      "tpu.region"() ({
        %run_scoped3A = tpu.sem_alloc : memref<!tpu.dma_semaphore, #tpu.memory_space<semaphore_mem>>
        %dma_start3A = arith.constant 0 : i32
        %dma_start3A_22 = tpu.memref_slice %arg7[%add3A_21, %dma_start3A] : memref<79x128xi32, #tpu.memory_space<vmem>> -> memref<1x128xi32, #tpu.memory_space<vmem>>
        %dma_start3A_23 = tpu.memref_squeeze %dma_start3A_22 : memref<1x128xi32, #tpu.memory_space<vmem>> -> memref<128xi32, #tpu.memory_space<vmem>>
        %dma_start3A_24 = arith.constant 0 : i32
        %dma_start3A_25 = arith.constant 0 : i32
        %dma_start3A_26 = tpu.memref_slice %arg9[%dma_start3A_24, %dma_start3A_25] : memref<10240x128xf32, #tpu.memory_space<vmem_shared>> -> memref<10240x128xf32, #tpu.memory_space<vmem_shared>>
        tpu.enqueue_indirect_dma source(%arg8 : memref<128x128xf32, #tpu.memory_space<vmem>>) target(%dma_start3A_26 : memref<10240x128xf32, #tpu.memory_space<vmem_shared>>) offsets(%dma_start3A_23 : memref<128xi32, #tpu.memory_space<vmem>>) semaphore(%run_scoped3A : memref<!tpu.dma_semaphore, #tpu.memory_space<semaphore_mem>>) {add = true}
        %dma_wait3A = arith.constant 0 : i32
        %dma_wait3A_27 = tpu.memref_slice %arg7[%add3A_21, %dma_wait3A] : memref<79x128xi32, #tpu.memory_space<vmem>> -> memref<1x128xi32, #tpu.memory_space<vmem>>
        %dma_wait3A_28 = tpu.memref_squeeze %dma_wait3A_27 : memref<1x128xi32, #tpu.memory_space<vmem>> -> memref<128xi32, #tpu.memory_space<vmem>>
        %dma_wait3A_29 = arith.constant 0 : i32
        %dma_wait3A_30 = arith.constant 0 : i32
        %dma_wait3A_31 = tpu.memref_slice %arg9[%dma_wait3A_29, %dma_wait3A_30] : memref<10240x128xf32, #tpu.memory_space<vmem_shared>> -> memref<10240x128xf32, #tpu.memory_space<vmem_shared>>
        tpu.wait_indirect_dma semaphore(%run_scoped3A : memref<!tpu.dma_semaphore, #tpu.memory_space<semaphore_mem>>) src(%arg8 : memref<128x128xf32, #tpu.memory_space<vmem>>) dst(%dma_wait3A_31 : memref<10240x128xf32, #tpu.memory_space<vmem_shared>>)
        tpu.yield
      }) : () -> ()
    }
    %scan3A_13 = arith.constant 79 : i32
    %barrier3A_14 = arith.constant 0 : index
    tpu.barrier barrier_id(%barrier3A_14)
    %mul3A = arith.constant 640 : i32
    %mul3A_15 = arith.muli %arg1, %mul3A : i32
    %mul3A_16 = arith.constant 640 : i32
    %mul3A_17 = arith.muli %arg1, %mul3A_16 : i32
    "tpu.region"() ({
      %run_scoped3A = tpu.sem_alloc : memref<!tpu.dma_semaphore, #tpu.memory_space<semaphore_mem>>
      %dma_start3A = arith.constant 0 : i32
      %dma_start3A_18 = arith.constant 0 : i32
      %dma_start3A_19 = tpu.memref_slice %arg5[%arg0, %dma_start3A, %dma_start3A_18] : memref<2x10240x128xf32, #tpu.memory_space<hbm>> -> memref<1x10240x128xf32, #tpu.memory_space<hbm>>
      %dma_start3A_20 = tpu.memref_squeeze %dma_start3A_19 : memref<1x10240x128xf32, #tpu.memory_space<hbm>> -> memref<10240x128xf32, #tpu.memory_space<hbm>>
      %dma_start3A_21 = arith.constant 0 : i32
      %dma_start3A_22 = tpu.memref_slice %dma_start3A_20[%mul3A_17, %dma_start3A_21] : memref<10240x128xf32, #tpu.memory_space<hbm>> -> memref<640x128xf32, #tpu.memory_space<hbm>>
      %dma_start3A_23 = arith.constant 0 : i32
      %dma_start3A_24 = tpu.memref_slice %arg9[%mul3A_15, %dma_start3A_23] : memref<10240x128xf32, #tpu.memory_space<vmem_shared>> -> memref<640x128xf32, #tpu.memory_space<vmem_shared>>
      tpu.enqueue_dma source(%dma_start3A_24 : memref<640x128xf32, #tpu.memory_space<vmem_shared>>) target(%dma_start3A_22 : memref<640x128xf32, #tpu.memory_space<hbm>>) target_semaphore(%run_scoped3A : memref<!tpu.dma_semaphore, #tpu.memory_space<semaphore_mem>>)
      %dma_wait3A = arith.constant 0 : i32
      %dma_wait3A_25 = arith.constant 0 : i32
      %dma_wait3A_26 = tpu.memref_slice %arg5[%arg0, %dma_wait3A, %dma_wait3A_25] : memref<2x10240x128xf32, #tpu.memory_space<hbm>> -> memref<1x10240x128xf32, #tpu.memory_space<hbm>>
      %dma_wait3A_27 = tpu.memref_squeeze %dma_wait3A_26 : memref<1x10240x128xf32, #tpu.memory_space<hbm>> -> memref<10240x128xf32, #tpu.memory_space<hbm>>
      %dma_wait3A_28 = arith.constant 0 : i32
      %dma_wait3A_29 = tpu.memref_slice %dma_wait3A_27[%mul3A_17, %dma_wait3A_28] : memref<10240x128xf32, #tpu.memory_space<hbm>> -> memref<640x128xf32, #tpu.memory_space<hbm>>
      %dma_wait3A_30 = arith.constant 0 : i32
      %dma_wait3A_31 = tpu.memref_slice %arg9[%mul3A_15, %dma_wait3A_30] : memref<10240x128xf32, #tpu.memory_space<vmem_shared>> -> memref<640x128xf32, #tpu.memory_space<vmem_shared>>
      tpu.wait_dma2 semaphore(%run_scoped3A : memref<!tpu.dma_semaphore, #tpu.memory_space<semaphore_mem>>) src(%dma_wait3A_31 : memref<640x128xf32, #tpu.memory_space<vmem_shared>>) dst(%dma_wait3A_29 : memref<640x128xf32, #tpu.memory_space<hbm>>)
      tpu.yield
    }) : () -> ()
    return
  }
}

#map = affine_map<(d0, d1) -> (0, 0, 0)>
#map1 = affine_map<(d0, d1) -> (0, 0)>
module attributes {stable_mosaic.version = 14 : i64} {
  func.func @_sc_embed_body(%arg0: i32, %arg1: i32, %arg2: memref<16x10x64xi32, #tpu.memory_space<hbm>>, %arg3: memref<128x128xf32, #tpu.memory_space<hbm>>, %arg4: memref<1x128xf32, #tpu.memory_space<hbm>>, %arg5: memref<2x10240x128xf32, #tpu.memory_space<hbm>>, %arg6: memref<10x64xi32, #tpu.memory_space<vmem>>, %arg7: memref<64x128xf32, #tpu.memory_space<vmem>>) attributes {dimension_semantics = [#tpu.dimension_semantics<core_parallel>, #tpu.dimension_semantics<subcore_parallel>], iteration_bounds = array<i64: 2, 16>, scalar_prefetch = 0 : i64, scratch_operands = 2 : i64, tpu.core_type = #tpu.core_type<sc_vector_subcore>, window_params = [{transform_indices = #map}, {transform_indices = #map1}, {transform_indices = #map1}, {transform_indices = #map}]} {
    %mul3A = arith.constant 640 : i32
    %mul3A_0 = arith.muli %arg1, %mul3A : i32
    %eq3A = arith.constant 0 : i32
    %eq3A_1 = arith.cmpi eq, %arg0, %eq3A : i32
    %convert_element_type3A = arith.extui %eq3A_1 : i1 to i32
    %cond3A = arith.constant 0 : i32
    %cond3A_2 = arith.cmpi ne, %convert_element_type3A, %cond3A : i32
    scf.if %cond3A_2 {
      "tpu.region"() ({
        %run_scoped3A = tpu.sem_alloc : memref<!tpu.dma_semaphore, #tpu.memory_space<semaphore_mem>>
        %dma_start3A = arith.constant 0 : i32
        %dma_start3A_12 = arith.constant 0 : i32
        %dma_start3A_13 = tpu.memref_slice %arg2[%arg1, %dma_start3A, %dma_start3A_12] : memref<16x10x64xi32, #tpu.memory_space<hbm>> -> memref<1x10x64xi32, #tpu.memory_space<hbm>>
        %dma_start3A_14 = tpu.memref_squeeze %dma_start3A_13 : memref<1x10x64xi32, #tpu.memory_space<hbm>> -> memref<10x64xi32, #tpu.memory_space<hbm>>
        %dma_start3A_15 = arith.constant 0 : i32
        %dma_start3A_16 = arith.constant 0 : i32
        %dma_start3A_17 = tpu.memref_slice %arg2[%arg1, %dma_start3A_15, %dma_start3A_16] : memref<16x10x64xi32, #tpu.memory_space<hbm>> -> memref<1x10x64xi32, #tpu.memory_space<hbm>>
        %dma_start3A_18 = tpu.memref_squeeze %dma_start3A_17 : memref<1x10x64xi32, #tpu.memory_space<hbm>> -> memref<10x64xi32, #tpu.memory_space<hbm>>
        tpu.enqueue_dma source(%dma_start3A_18 : memref<10x64xi32, #tpu.memory_space<hbm>>) target(%arg6 : memref<10x64xi32, #tpu.memory_space<vmem>>) target_semaphore(%run_scoped3A : memref<!tpu.dma_semaphore, #tpu.memory_space<semaphore_mem>>)
        %dma_wait3A = arith.constant 0 : i32
        %dma_wait3A_19 = arith.constant 0 : i32
        %dma_wait3A_20 = tpu.memref_slice %arg2[%arg1, %dma_wait3A, %dma_wait3A_19] : memref<16x10x64xi32, #tpu.memory_space<hbm>> -> memref<1x10x64xi32, #tpu.memory_space<hbm>>
        %dma_wait3A_21 = tpu.memref_squeeze %dma_wait3A_20 : memref<1x10x64xi32, #tpu.memory_space<hbm>> -> memref<10x64xi32, #tpu.memory_space<hbm>>
        %dma_wait3A_22 = arith.constant 0 : i32
        %dma_wait3A_23 = arith.constant 0 : i32
        %dma_wait3A_24 = tpu.memref_slice %arg2[%arg1, %dma_wait3A_22, %dma_wait3A_23] : memref<16x10x64xi32, #tpu.memory_space<hbm>> -> memref<1x10x64xi32, #tpu.memory_space<hbm>>
        %dma_wait3A_25 = tpu.memref_squeeze %dma_wait3A_24 : memref<1x10x64xi32, #tpu.memory_space<hbm>> -> memref<10x64xi32, #tpu.memory_space<hbm>>
        tpu.wait_dma2 semaphore(%run_scoped3A : memref<!tpu.dma_semaphore, #tpu.memory_space<semaphore_mem>>) src(%dma_wait3A_25 : memref<10x64xi32, #tpu.memory_space<hbm>>) dst(%arg6 : memref<10x64xi32, #tpu.memory_space<vmem>>)
        tpu.yield
      }) : () -> ()
      %scan3A = arith.constant 0 : i32
      %scan3A_8 = arith.constant 10 : i32
      %scan3A_9 = arith.addi %scan3A, %scan3A_8 : i32
      %scan3A_10 = arith.constant 1 : i32
      scf.for %scan3A_12 = %scan3A to %scan3A_9 step %scan3A_10  : i32 {
        %mul3A_13 = arith.constant 1 : i32
        %mul3A_14 = arith.muli %scan3A_12, %mul3A_13 : i32
        %add3A = arith.constant 0 : i32
        %add3A_15 = arith.addi %add3A, %mul3A_14 : i32
        "tpu.region"() ({
          %run_scoped3A_19 = tpu.sem_alloc : memref<!tpu.dma_semaphore, #tpu.memory_space<semaphore_mem>>
          %dma_start3A = arith.constant 0 : i32
          %dma_start3A_20 = tpu.memref_slice %arg6[%add3A_15, %dma_start3A] : memref<10x64xi32, #tpu.memory_space<vmem>> -> memref<1x64xi32, #tpu.memory_space<vmem>>
          %dma_start3A_21 = tpu.memref_squeeze %dma_start3A_20 : memref<1x64xi32, #tpu.memory_space<vmem>> -> memref<64xi32, #tpu.memory_space<vmem>>
          %dma_start3A_22 = arith.constant 0 : i32
          %dma_start3A_23 = arith.constant 0 : i32
          %dma_start3A_24 = tpu.memref_slice %arg3[%dma_start3A_22, %dma_start3A_23] : memref<128x128xf32, #tpu.memory_space<hbm>> -> memref<128x128xf32, #tpu.memory_space<hbm>>
          tpu.enqueue_indirect_dma source(%dma_start3A_24 : memref<128x128xf32, #tpu.memory_space<hbm>>) target(%arg7 : memref<64x128xf32, #tpu.memory_space<vmem>>) offsets(%dma_start3A_21 : memref<64xi32, #tpu.memory_space<vmem>>) semaphore(%run_scoped3A_19 : memref<!tpu.dma_semaphore, #tpu.memory_space<semaphore_mem>>)
          %dma_wait3A = arith.constant 0 : i32
          %dma_wait3A_25 = tpu.memref_slice %arg6[%add3A_15, %dma_wait3A] : memref<10x64xi32, #tpu.memory_space<vmem>> -> memref<1x64xi32, #tpu.memory_space<vmem>>
          %dma_wait3A_26 = tpu.memref_squeeze %dma_wait3A_25 : memref<1x64xi32, #tpu.memory_space<vmem>> -> memref<64xi32, #tpu.memory_space<vmem>>
          %dma_wait3A_27 = arith.constant 0 : i32
          %dma_wait3A_28 = arith.constant 0 : i32
          %dma_wait3A_29 = tpu.memref_slice %arg3[%dma_wait3A_27, %dma_wait3A_28] : memref<128x128xf32, #tpu.memory_space<hbm>> -> memref<128x128xf32, #tpu.memory_space<hbm>>
          tpu.wait_indirect_dma semaphore(%run_scoped3A_19 : memref<!tpu.dma_semaphore, #tpu.memory_space<semaphore_mem>>) src(%dma_wait3A_29 : memref<128x128xf32, #tpu.memory_space<hbm>>) dst(%arg7 : memref<64x128xf32, #tpu.memory_space<vmem>>)
          tpu.yield
        }) : () -> ()
        %mul3A_16 = arith.constant 64 : i32
        %mul3A_17 = arith.muli %add3A_15, %mul3A_16 : i32
        %add3A_18 = arith.addi %mul3A_0, %mul3A_17 : i32
        %run_scoped3A = arith.constant 0 : i32
        "tpu.region"() ({
          %run_scoped3A_19 = tpu.sem_alloc : memref<!tpu.dma_semaphore, #tpu.memory_space<semaphore_mem>>
          %dma_start3A = arith.constant 0 : i32
          %dma_start3A_20 = arith.constant 0 : i32
          %dma_start3A_21 = tpu.memref_slice %arg5[%run_scoped3A, %dma_start3A, %dma_start3A_20] : memref<2x10240x128xf32, #tpu.memory_space<hbm>> -> memref<1x10240x128xf32, #tpu.memory_space<hbm>>
          %dma_start3A_22 = tpu.memref_squeeze %dma_start3A_21 : memref<1x10240x128xf32, #tpu.memory_space<hbm>> -> memref<10240x128xf32, #tpu.memory_space<hbm>>
          %dma_start3A_23 = arith.constant 0 : i32
          %dma_start3A_24 = tpu.memref_slice %dma_start3A_22[%add3A_18, %dma_start3A_23] : memref<10240x128xf32, #tpu.memory_space<hbm>> -> memref<64x128xf32, #tpu.memory_space<hbm>>
          %dma_start3A_25 = arith.constant 0 : i32
          %dma_start3A_26 = arith.constant 0 : i32
          %dma_start3A_27 = tpu.memref_slice %arg5[%run_scoped3A, %dma_start3A_25, %dma_start3A_26] : memref<2x10240x128xf32, #tpu.memory_space<hbm>> -> memref<1x10240x128xf32, #tpu.memory_space<hbm>>
          %dma_start3A_28 = tpu.memref_squeeze %dma_start3A_27 : memref<1x10240x128xf32, #tpu.memory_space<hbm>> -> memref<10240x128xf32, #tpu.memory_space<hbm>>
          %dma_start3A_29 = arith.constant 0 : i32
          %dma_start3A_30 = tpu.memref_slice %dma_start3A_28[%add3A_18, %dma_start3A_29] : memref<10240x128xf32, #tpu.memory_space<hbm>> -> memref<64x128xf32, #tpu.memory_space<hbm>>
          tpu.enqueue_dma source(%arg7 : memref<64x128xf32, #tpu.memory_space<vmem>>) target(%dma_start3A_30 : memref<64x128xf32, #tpu.memory_space<hbm>>) target_semaphore(%run_scoped3A_19 : memref<!tpu.dma_semaphore, #tpu.memory_space<semaphore_mem>>)
          %dma_wait3A = arith.constant 0 : i32
          %dma_wait3A_31 = arith.constant 0 : i32
          %dma_wait3A_32 = tpu.memref_slice %arg5[%run_scoped3A, %dma_wait3A, %dma_wait3A_31] : memref<2x10240x128xf32, #tpu.memory_space<hbm>> -> memref<1x10240x128xf32, #tpu.memory_space<hbm>>
          %dma_wait3A_33 = tpu.memref_squeeze %dma_wait3A_32 : memref<1x10240x128xf32, #tpu.memory_space<hbm>> -> memref<10240x128xf32, #tpu.memory_space<hbm>>
          %dma_wait3A_34 = arith.constant 0 : i32
          %dma_wait3A_35 = tpu.memref_slice %dma_wait3A_33[%add3A_18, %dma_wait3A_34] : memref<10240x128xf32, #tpu.memory_space<hbm>> -> memref<64x128xf32, #tpu.memory_space<hbm>>
          %dma_wait3A_36 = arith.constant 0 : i32
          %dma_wait3A_37 = arith.constant 0 : i32
          %dma_wait3A_38 = tpu.memref_slice %arg5[%run_scoped3A, %dma_wait3A_36, %dma_wait3A_37] : memref<2x10240x128xf32, #tpu.memory_space<hbm>> -> memref<1x10240x128xf32, #tpu.memory_space<hbm>>
          %dma_wait3A_39 = tpu.memref_squeeze %dma_wait3A_38 : memref<1x10240x128xf32, #tpu.memory_space<hbm>> -> memref<10240x128xf32, #tpu.memory_space<hbm>>
          %dma_wait3A_40 = arith.constant 0 : i32
          %dma_wait3A_41 = tpu.memref_slice %dma_wait3A_39[%add3A_18, %dma_wait3A_40] : memref<10240x128xf32, #tpu.memory_space<hbm>> -> memref<64x128xf32, #tpu.memory_space<hbm>>
          tpu.wait_dma2 semaphore(%run_scoped3A_19 : memref<!tpu.dma_semaphore, #tpu.memory_space<semaphore_mem>>) src(%arg7 : memref<64x128xf32, #tpu.memory_space<vmem>>) dst(%dma_wait3A_41 : memref<64x128xf32, #tpu.memory_space<hbm>>)
          tpu.yield
        }) : () -> ()
      }
      %scan3A_11 = arith.constant 10 : i32
    } else {
    }
    %eq3A_3 = arith.constant 1 : i32
    %eq3A_4 = arith.cmpi eq, %arg0, %eq3A_3 : i32
    %convert_element_type3A_5 = arith.extui %eq3A_4 : i1 to i32
    %cond3A_6 = arith.constant 0 : i32
    %cond3A_7 = arith.cmpi ne, %convert_element_type3A_5, %cond3A_6 : i32
    scf.if %cond3A_7 {
      "tpu.region"() ({
        %run_scoped3A = tpu.sem_alloc : memref<!tpu.dma_semaphore, #tpu.memory_space<semaphore_mem>>
        %dma_start3A = arith.constant 0 : i32
        %dma_start3A_17 = arith.constant 0 : i32
        %dma_start3A_18 = tpu.memref_slice %arg7[%dma_start3A, %dma_start3A_17] : memref<64x128xf32, #tpu.memory_space<vmem>> -> memref<1x128xf32, #tpu.memory_space<vmem>>
        %dma_start3A_19 = arith.constant 0 : i32
        %dma_start3A_20 = arith.constant 0 : i32
        %dma_start3A_21 = tpu.memref_slice %arg7[%dma_start3A_19, %dma_start3A_20] : memref<64x128xf32, #tpu.memory_space<vmem>> -> memref<1x128xf32, #tpu.memory_space<vmem>>
        tpu.enqueue_dma source(%arg4 : memref<1x128xf32, #tpu.memory_space<hbm>>) target(%dma_start3A_21 : memref<1x128xf32, #tpu.memory_space<vmem>>) target_semaphore(%run_scoped3A : memref<!tpu.dma_semaphore, #tpu.memory_space<semaphore_mem>>)
        %dma_wait3A = arith.constant 0 : i32
        %dma_wait3A_22 = arith.constant 0 : i32
        %dma_wait3A_23 = tpu.memref_slice %arg7[%dma_wait3A, %dma_wait3A_22] : memref<64x128xf32, #tpu.memory_space<vmem>> -> memref<1x128xf32, #tpu.memory_space<vmem>>
        %dma_wait3A_24 = arith.constant 0 : i32
        %dma_wait3A_25 = arith.constant 0 : i32
        %dma_wait3A_26 = tpu.memref_slice %arg7[%dma_wait3A_24, %dma_wait3A_25] : memref<64x128xf32, #tpu.memory_space<vmem>> -> memref<1x128xf32, #tpu.memory_space<vmem>>
        tpu.wait_dma2 semaphore(%run_scoped3A : memref<!tpu.dma_semaphore, #tpu.memory_space<semaphore_mem>>) src(%arg4 : memref<1x128xf32, #tpu.memory_space<hbm>>) dst(%dma_wait3A_26 : memref<1x128xf32, #tpu.memory_space<vmem>>)
        tpu.yield
      }) : () -> ()
      %scan3A = arith.constant 0 : i32
      %scan3A_8 = arith.constant 63 : i32
      %scan3A_9 = arith.addi %scan3A, %scan3A_8 : i32
      %scan3A_10 = arith.constant 1 : i32
      scf.for %scan3A_17 = %scan3A to %scan3A_9 step %scan3A_10  : i32 {
        %mul3A_18 = arith.constant 1 : i32
        %mul3A_19 = arith.muli %scan3A_17, %mul3A_18 : i32
        %add3A = arith.constant 1 : i32
        %add3A_20 = arith.addi %add3A, %mul3A_19 : i32
        %scan3A_21 = arith.constant 0 : i32
        %scan3A_22 = arith.constant 8 : i32
        %scan3A_23 = arith.addi %scan3A_21, %scan3A_22 : i32
        %scan3A_24 = arith.constant 1 : i32
        scf.for %scan3A_26 = %scan3A_21 to %scan3A_23 step %scan3A_24  : i32 {
          %mul3A_27 = arith.constant 16 : i32
          %mul3A_28 = arith.muli %scan3A_26, %mul3A_27 : i32
          %add3A_29 = arith.constant 0 : i32
          %add3A_30 = arith.addi %add3A_29, %mul3A_28 : i32
          %get3A = arith.constant 0 : i32
          %get3A_31 = arith.constant 0 : i32
          %get3A_32 = tpu.memref_slice %arg7[%get3A, %get3A_31] : memref<64x128xf32, #tpu.memory_space<vmem>> -> memref<1x128xf32, #tpu.memory_space<vmem>>
          %get3A_33 = tpu.memref_squeeze %get3A_32 : memref<1x128xf32, #tpu.memory_space<vmem>> -> memref<128xf32, #tpu.memory_space<vmem>>
          %get3A_34 = arith.index_cast %add3A_30 : i32 to index
          %get3A_35 = tpu.vector_load %get3A_33[%get3A_34] {strides = array<i32>} : memref<128xf32, #tpu.memory_space<vmem>>, vector<16xf32>,
          %get3A_36 = vector.shape_cast %get3A_35 : vector<16xf32> to vector<16xf32>
          %swap3A = arith.constant 0 : i32
          %swap3A_37 = tpu.memref_slice %arg7[%add3A_20, %swap3A] : memref<64x128xf32, #tpu.memory_space<vmem>> -> memref<1x128xf32, #tpu.memory_space<vmem>>
          %swap3A_38 = tpu.memref_squeeze %swap3A_37 : memref<1x128xf32, #tpu.memory_space<vmem>> -> memref<128xf32, #tpu.memory_space<vmem>>
          %swap3A_39 = arith.index_cast %add3A_30 : i32 to index
          %swap3A_40 = tpu.vector_load %swap3A_38[%swap3A_39] {strides = array<i32>} : memref<128xf32, #tpu.memory_space<vmem>>, vector<16xf32>,
          %swap3A_41 = vector.shape_cast %swap3A_40 : vector<16xf32> to vector<16xf32>
          %swap3A_42 = vector.shape_cast %get3A_36 : vector<16xf32> to vector<16xf32>
          tpu.vector_store %swap3A_38[%swap3A_39], %swap3A_42 {strides = array<i32>} : memref<128xf32, #tpu.memory_space<vmem>>, vector<16xf32>,
        }
        %scan3A_25 = arith.constant 8 : i32
      }
      %scan3A_11 = arith.constant 63 : i32
      %scan3A_12 = arith.constant 0 : i32
      %scan3A_13 = arith.constant 10 : i32
      %scan3A_14 = arith.addi %scan3A_12, %scan3A_13 : i32
      %scan3A_15 = arith.constant 1 : i32
      scf.for %scan3A_17 = %scan3A_12 to %scan3A_14 step %scan3A_15  : i32 {
        %mul3A_18 = arith.constant 1 : i32
        %mul3A_19 = arith.muli %scan3A_17, %mul3A_18 : i32
        %add3A = arith.constant 0 : i32
        %add3A_20 = arith.addi %add3A, %mul3A_19 : i32
        %mul3A_21 = arith.constant 64 : i32
        %mul3A_22 = arith.muli %add3A_20, %mul3A_21 : i32
        %add3A_23 = arith.addi %mul3A_0, %mul3A_22 : i32
        %run_scoped3A = arith.constant 1 : i32
        "tpu.region"() ({
          %run_scoped3A_24 = tpu.sem_alloc : memref<!tpu.dma_semaphore, #tpu.memory_space<semaphore_mem>>
          %dma_start3A = arith.constant 0 : i32
          %dma_start3A_25 = arith.constant 0 : i32
          %dma_start3A_26 = tpu.memref_slice %arg5[%run_scoped3A, %dma_start3A, %dma_start3A_25] : memref<2x10240x128xf32, #tpu.memory_space<hbm>> -> memref<1x10240x128xf32, #tpu.memory_space<hbm>>
          %dma_start3A_27 = tpu.memref_squeeze %dma_start3A_26 : memref<1x10240x128xf32, #tpu.memory_space<hbm>> -> memref<10240x128xf32, #tpu.memory_space<hbm>>
          %dma_start3A_28 = arith.constant 0 : i32
          %dma_start3A_29 = tpu.memref_slice %dma_start3A_27[%add3A_23, %dma_start3A_28] : memref<10240x128xf32, #tpu.memory_space<hbm>> -> memref<64x128xf32, #tpu.memory_space<hbm>>
          %dma_start3A_30 = arith.constant 0 : i32
          %dma_start3A_31 = arith.constant 0 : i32
          %dma_start3A_32 = tpu.memref_slice %arg5[%run_scoped3A, %dma_start3A_30, %dma_start3A_31] : memref<2x10240x128xf32, #tpu.memory_space<hbm>> -> memref<1x10240x128xf32, #tpu.memory_space<hbm>>
          %dma_start3A_33 = tpu.memref_squeeze %dma_start3A_32 : memref<1x10240x128xf32, #tpu.memory_space<hbm>> -> memref<10240x128xf32, #tpu.memory_space<hbm>>
          %dma_start3A_34 = arith.constant 0 : i32
          %dma_start3A_35 = tpu.memref_slice %dma_start3A_33[%add3A_23, %dma_start3A_34] : memref<10240x128xf32, #tpu.memory_space<hbm>> -> memref<64x128xf32, #tpu.memory_space<hbm>>
          tpu.enqueue_dma source(%arg7 : memref<64x128xf32, #tpu.memory_space<vmem>>) target(%dma_start3A_35 : memref<64x128xf32, #tpu.memory_space<hbm>>) target_semaphore(%run_scoped3A_24 : memref<!tpu.dma_semaphore, #tpu.memory_space<semaphore_mem>>)
          %dma_wait3A = arith.constant 0 : i32
          %dma_wait3A_36 = arith.constant 0 : i32
          %dma_wait3A_37 = tpu.memref_slice %arg5[%run_scoped3A, %dma_wait3A, %dma_wait3A_36] : memref<2x10240x128xf32, #tpu.memory_space<hbm>> -> memref<1x10240x128xf32, #tpu.memory_space<hbm>>
          %dma_wait3A_38 = tpu.memref_squeeze %dma_wait3A_37 : memref<1x10240x128xf32, #tpu.memory_space<hbm>> -> memref<10240x128xf32, #tpu.memory_space<hbm>>
          %dma_wait3A_39 = arith.constant 0 : i32
          %dma_wait3A_40 = tpu.memref_slice %dma_wait3A_38[%add3A_23, %dma_wait3A_39] : memref<10240x128xf32, #tpu.memory_space<hbm>> -> memref<64x128xf32, #tpu.memory_space<hbm>>
          %dma_wait3A_41 = arith.constant 0 : i32
          %dma_wait3A_42 = arith.constant 0 : i32
          %dma_wait3A_43 = tpu.memref_slice %arg5[%run_scoped3A, %dma_wait3A_41, %dma_wait3A_42] : memref<2x10240x128xf32, #tpu.memory_space<hbm>> -> memref<1x10240x128xf32, #tpu.memory_space<hbm>>
          %dma_wait3A_44 = tpu.memref_squeeze %dma_wait3A_43 : memref<1x10240x128xf32, #tpu.memory_space<hbm>> -> memref<10240x128xf32, #tpu.memory_space<hbm>>
          %dma_wait3A_45 = arith.constant 0 : i32
          %dma_wait3A_46 = tpu.memref_slice %dma_wait3A_44[%add3A_23, %dma_wait3A_45] : memref<10240x128xf32, #tpu.memory_space<hbm>> -> memref<64x128xf32, #tpu.memory_space<hbm>>
          tpu.wait_dma2 semaphore(%run_scoped3A_24 : memref<!tpu.dma_semaphore, #tpu.memory_space<semaphore_mem>>) src(%arg7 : memref<64x128xf32, #tpu.memory_space<vmem>>) dst(%dma_wait3A_46 : memref<64x128xf32, #tpu.memory_space<hbm>>)
          tpu.yield
        }) : () -> ()
      }
      %scan3A_16 = arith.constant 10 : i32
    } else {
    }
    return
  }
}

#map = affine_map<(d0, d1) -> (0, 0, 0)>
module attributes {stable_mosaic.version = 14 : i64} {
  func.func @_sc_segsum_body(%arg0: i32, %arg1: i32, %arg2: memref<2x10240x128xf32, #tpu.memory_space<hbm>>, %arg3: memref<16x79x128xi32, #tpu.memory_space<hbm>>, %arg4: memref<16x79x128xi32, #tpu.memory_space<hbm>>, %arg5: memref<2x10240x128xf32, #tpu.memory_space<hbm>>, %arg6: memref<79x128xi32, #tpu.memory_space<vmem>>, %arg7: memref<79x128xi32, #tpu.memory_space<vmem>>, %arg8: memref<128x128xf32, #tpu.memory_space<vmem>>, %arg9: memref<10240x128xf32, #tpu.memory_space<vmem_shared>>) attributes {dimension_semantics = [#tpu.dimension_semantics<core_parallel>, #tpu.dimension_semantics<subcore_parallel>], iteration_bounds = array<i64: 2, 16>, scalar_prefetch = 0 : i64, scratch_operands = 4 : i64, tpu.core_type = #tpu.core_type<sc_vector_subcore>, window_params = [{transform_indices = #map}, {transform_indices = #map}, {transform_indices = #map}, {transform_indices = #map}]} {
    "tpu.region"() ({
      %run_scoped3A = tpu.sem_alloc : memref<!tpu.dma_semaphore, #tpu.memory_space<semaphore_mem>>
      %dma_start3A = arith.constant 0 : i32
      %dma_start3A_18 = arith.constant 0 : i32
      %dma_start3A_19 = tpu.memref_slice %arg3[%arg1, %dma_start3A, %dma_start3A_18] : memref<16x79x128xi32, #tpu.memory_space<hbm>> -> memref<1x79x128xi32, #tpu.memory_space<hbm>>
      %dma_start3A_20 = tpu.memref_squeeze %dma_start3A_19 : memref<1x79x128xi32, #tpu.memory_space<hbm>> -> memref<79x128xi32, #tpu.memory_space<hbm>>
      %dma_start3A_21 = arith.constant 0 : i32
      %dma_start3A_22 = arith.constant 0 : i32
      %dma_start3A_23 = tpu.memref_slice %arg3[%arg1, %dma_start3A_21, %dma_start3A_22] : memref<16x79x128xi32, #tpu.memory_space<hbm>> -> memref<1x79x128xi32, #tpu.memory_space<hbm>>
      %dma_start3A_24 = tpu.memref_squeeze %dma_start3A_23 : memref<1x79x128xi32, #tpu.memory_space<hbm>> -> memref<79x128xi32, #tpu.memory_space<hbm>>
      tpu.enqueue_dma source(%dma_start3A_24 : memref<79x128xi32, #tpu.memory_space<hbm>>) target(%arg6 : memref<79x128xi32, #tpu.memory_space<vmem>>) target_semaphore(%run_scoped3A : memref<!tpu.dma_semaphore, #tpu.memory_space<semaphore_mem>>)
      %dma_wait3A = arith.constant 0 : i32
      %dma_wait3A_25 = arith.constant 0 : i32
      %dma_wait3A_26 = tpu.memref_slice %arg3[%arg1, %dma_wait3A, %dma_wait3A_25] : memref<16x79x128xi32, #tpu.memory_space<hbm>> -> memref<1x79x128xi32, #tpu.memory_space<hbm>>
      %dma_wait3A_27 = tpu.memref_squeeze %dma_wait3A_26 : memref<1x79x128xi32, #tpu.memory_space<hbm>> -> memref<79x128xi32, #tpu.memory_space<hbm>>
      %dma_wait3A_28 = arith.constant 0 : i32
      %dma_wait3A_29 = arith.constant 0 : i32
      %dma_wait3A_30 = tpu.memref_slice %arg3[%arg1, %dma_wait3A_28, %dma_wait3A_29] : memref<16x79x128xi32, #tpu.memory_space<hbm>> -> memref<1x79x128xi32, #tpu.memory_space<hbm>>
      %dma_wait3A_31 = tpu.memref_squeeze %dma_wait3A_30 : memref<1x79x128xi32, #tpu.memory_space<hbm>> -> memref<79x128xi32, #tpu.memory_space<hbm>>
      tpu.wait_dma2 semaphore(%run_scoped3A : memref<!tpu.dma_semaphore, #tpu.memory_space<semaphore_mem>>) src(%dma_wait3A_31 : memref<79x128xi32, #tpu.memory_space<hbm>>) dst(%arg6 : memref<79x128xi32, #tpu.memory_space<vmem>>)
      tpu.yield
    }) : () -> ()
    "tpu.region"() ({
      %run_scoped3A = tpu.sem_alloc : memref<!tpu.dma_semaphore, #tpu.memory_space<semaphore_mem>>
      %dma_start3A = arith.constant 0 : i32
      %dma_start3A_18 = arith.constant 0 : i32
      %dma_start3A_19 = tpu.memref_slice %arg4[%arg1, %dma_start3A, %dma_start3A_18] : memref<16x79x128xi32, #tpu.memory_space<hbm>> -> memref<1x79x128xi32, #tpu.memory_space<hbm>>
      %dma_start3A_20 = tpu.memref_squeeze %dma_start3A_19 : memref<1x79x128xi32, #tpu.memory_space<hbm>> -> memref<79x128xi32, #tpu.memory_space<hbm>>
      %dma_start3A_21 = arith.constant 0 : i32
      %dma_start3A_22 = arith.constant 0 : i32
      %dma_start3A_23 = tpu.memref_slice %arg4[%arg1, %dma_start3A_21, %dma_start3A_22] : memref<16x79x128xi32, #tpu.memory_space<hbm>> -> memref<1x79x128xi32, #tpu.memory_space<hbm>>
      %dma_start3A_24 = tpu.memref_squeeze %dma_start3A_23 : memref<1x79x128xi32, #tpu.memory_space<hbm>> -> memref<79x128xi32, #tpu.memory_space<hbm>>
      tpu.enqueue_dma source(%dma_start3A_24 : memref<79x128xi32, #tpu.memory_space<hbm>>) target(%arg7 : memref<79x128xi32, #tpu.memory_space<vmem>>) target_semaphore(%run_scoped3A : memref<!tpu.dma_semaphore, #tpu.memory_space<semaphore_mem>>)
      %dma_wait3A = arith.constant 0 : i32
      %dma_wait3A_25 = arith.constant 0 : i32
      %dma_wait3A_26 = tpu.memref_slice %arg4[%arg1, %dma_wait3A, %dma_wait3A_25] : memref<16x79x128xi32, #tpu.memory_space<hbm>> -> memref<1x79x128xi32, #tpu.memory_space<hbm>>
      %dma_wait3A_27 = tpu.memref_squeeze %dma_wait3A_26 : memref<1x79x128xi32, #tpu.memory_space<hbm>> -> memref<79x128xi32, #tpu.memory_space<hbm>>
      %dma_wait3A_28 = arith.constant 0 : i32
      %dma_wait3A_29 = arith.constant 0 : i32
      %dma_wait3A_30 = tpu.memref_slice %arg4[%arg1, %dma_wait3A_28, %dma_wait3A_29] : memref<16x79x128xi32, #tpu.memory_space<hbm>> -> memref<1x79x128xi32, #tpu.memory_space<hbm>>
      %dma_wait3A_31 = tpu.memref_squeeze %dma_wait3A_30 : memref<1x79x128xi32, #tpu.memory_space<hbm>> -> memref<79x128xi32, #tpu.memory_space<hbm>>
      tpu.wait_dma2 semaphore(%run_scoped3A : memref<!tpu.dma_semaphore, #tpu.memory_space<semaphore_mem>>) src(%dma_wait3A_31 : memref<79x128xi32, #tpu.memory_space<hbm>>) dst(%arg7 : memref<79x128xi32, #tpu.memory_space<vmem>>)
      tpu.yield
    }) : () -> ()
    %scan3A = arith.constant 0 : i32
    %scan3A_0 = arith.constant 128 : i32
    %scan3A_1 = arith.addi %scan3A, %scan3A_0 : i32
    %scan3A_2 = arith.constant 1 : i32
    scf.for %scan3A_18 = %scan3A to %scan3A_1 step %scan3A_2  : i32 {
      %mul3A_19 = arith.constant 1 : i32
      %mul3A_20 = arith.muli %scan3A_18, %mul3A_19 : i32
      %add3A = arith.constant 0 : i32
      %add3A_21 = arith.addi %add3A, %mul3A_20 : i32
      %scan3A_22 = arith.constant 0 : i32
      %scan3A_23 = arith.constant 8 : i32
      %scan3A_24 = arith.addi %scan3A_22, %scan3A_23 : i32
      %scan3A_25 = arith.constant 1 : i32
      scf.for %scan3A_27 = %scan3A_22 to %scan3A_24 step %scan3A_25  : i32 {
        %mul3A_28 = arith.constant 16 : i32
        %mul3A_29 = arith.muli %scan3A_27, %mul3A_28 : i32
        %add3A_30 = arith.constant 0 : i32
        %add3A_31 = arith.addi %add3A_30, %mul3A_29 : i32
        %broadcast_in_dim3A = arith.constant 0.000000e+00 : f32
        %broadcast_in_dim3A_32 = vector.broadcast %broadcast_in_dim3A : f32 to vector<16xf32>
        %swap3A = arith.constant 0 : i32
        %swap3A_33 = tpu.memref_slice %arg8[%add3A_21, %swap3A] : memref<128x128xf32, #tpu.memory_space<vmem>> -> memref<1x128xf32, #tpu.memory_space<vmem>>
        %swap3A_34 = tpu.memref_squeeze %swap3A_33 : memref<1x128xf32, #tpu.memory_space<vmem>> -> memref<128xf32, #tpu.memory_space<vmem>>
        %swap3A_35 = arith.index_cast %add3A_31 : i32 to index
        %swap3A_36 = tpu.vector_load %swap3A_34[%swap3A_35] {strides = array<i32>} : memref<128xf32, #tpu.memory_space<vmem>>, vector<16xf32>,
        %swap3A_37 = vector.shape_cast %swap3A_36 : vector<16xf32> to vector<16xf32>
        %swap3A_38 = vector.shape_cast %broadcast_in_dim3A_32 : vector<16xf32> to vector<16xf32>
        tpu.vector_store %swap3A_34[%swap3A_35], %swap3A_38 {strides = array<i32>} : memref<128xf32, #tpu.memory_space<vmem>>, vector<16xf32>,
      }
      %scan3A_26 = arith.constant 8 : i32
    }
    %scan3A_3 = arith.constant 128 : i32
    %scan3A_4 = arith.constant 0 : i32
    %scan3A_5 = arith.constant 5 : i32
    %scan3A_6 = arith.addi %scan3A_4, %scan3A_5 : i32
    %scan3A_7 = arith.constant 1 : i32
    scf.for %scan3A_18 = %scan3A_4 to %scan3A_6 step %scan3A_7  : i32 {
      %mul3A_19 = arith.constant 128 : i32
      %mul3A_20 = arith.muli %scan3A_18, %mul3A_19 : i32
      %add3A = arith.constant 0 : i32
      %add3A_21 = arith.addi %add3A, %mul3A_20 : i32
      %mul3A_22 = arith.constant 640 : i32
      %mul3A_23 = arith.muli %arg1, %mul3A_22 : i32
      %add3A_24 = arith.addi %mul3A_23, %add3A_21 : i32
      "tpu.region"() ({
        %run_scoped3A = tpu.sem_alloc : memref<!tpu.dma_semaphore, #tpu.memory_space<semaphore_mem>>
        %dma_start3A = arith.constant 0 : i32
        %dma_start3A_25 = tpu.memref_slice %arg9[%add3A_24, %dma_start3A] : memref<10240x128xf32, #tpu.memory_space<vmem_shared>> -> memref<128x128xf32, #tpu.memory_space<vmem_shared>>
        %dma_start3A_26 = arith.constant 0 : i32
        %dma_start3A_27 = tpu.memref_slice %arg9[%add3A_24, %dma_start3A_26] : memref<10240x128xf32, #tpu.memory_space<vmem_shared>> -> memref<128x128xf32, #tpu.memory_space<vmem_shared>>
        tpu.enqueue_dma source(%arg8 : memref<128x128xf32, #tpu.memory_space<vmem>>) target(%dma_start3A_27 : memref<128x128xf32, #tpu.memory_space<vmem_shared>>) target_semaphore(%run_scoped3A : memref<!tpu.dma_semaphore, #tpu.memory_space<semaphore_mem>>)
        %dma_wait3A = arith.constant 0 : i32
        %dma_wait3A_28 = tpu.memref_slice %arg9[%add3A_24, %dma_wait3A] : memref<10240x128xf32, #tpu.memory_space<vmem_shared>> -> memref<128x128xf32, #tpu.memory_space<vmem_shared>>
        %dma_wait3A_29 = arith.constant 0 : i32
        %dma_wait3A_30 = tpu.memref_slice %arg9[%add3A_24, %dma_wait3A_29] : memref<10240x128xf32, #tpu.memory_space<vmem_shared>> -> memref<128x128xf32, #tpu.memory_space<vmem_shared>>
        tpu.wait_dma2 semaphore(%run_scoped3A : memref<!tpu.dma_semaphore, #tpu.memory_space<semaphore_mem>>) src(%arg8 : memref<128x128xf32, #tpu.memory_space<vmem>>) dst(%dma_wait3A_30 : memref<128x128xf32, #tpu.memory_space<vmem_shared>>)
        tpu.yield
      }) : () -> ()
    }
    %scan3A_8 = arith.constant 5 : i32
    %barrier3A = arith.constant 0 : index
    tpu.barrier barrier_id(%barrier3A)
    %scan3A_9 = arith.constant 0 : i32
    %scan3A_10 = arith.constant 79 : i32
    %scan3A_11 = arith.addi %scan3A_9, %scan3A_10 : i32
    %scan3A_12 = arith.constant 1 : i32
    scf.for %scan3A_18 = %scan3A_9 to %scan3A_11 step %scan3A_12  : i32 {
      %mul3A_19 = arith.constant 1 : i32
      %mul3A_20 = arith.muli %scan3A_18, %mul3A_19 : i32
      %add3A = arith.constant 0 : i32
      %add3A_21 = arith.addi %add3A, %mul3A_20 : i32
      "tpu.region"() ({
        %run_scoped3A = tpu.sem_alloc : memref<!tpu.dma_semaphore, #tpu.memory_space<semaphore_mem>>
        %dma_start3A = arith.constant 0 : i32
        %dma_start3A_22 = tpu.memref_slice %arg6[%add3A_21, %dma_start3A] : memref<79x128xi32, #tpu.memory_space<vmem>> -> memref<1x128xi32, #tpu.memory_space<vmem>>
        %dma_start3A_23 = tpu.memref_squeeze %dma_start3A_22 : memref<1x128xi32, #tpu.memory_space<vmem>> -> memref<128xi32, #tpu.memory_space<vmem>>
        %dma_start3A_24 = arith.constant 0 : i32
        %dma_start3A_25 = arith.constant 0 : i32
        %dma_start3A_26 = tpu.memref_slice %arg2[%arg0, %dma_start3A_24, %dma_start3A_25] : memref<2x10240x128xf32, #tpu.memory_space<hbm>> -> memref<1x10240x128xf32, #tpu.memory_space<hbm>>
        %dma_start3A_27 = tpu.memref_squeeze %dma_start3A_26 : memref<1x10240x128xf32, #tpu.memory_space<hbm>> -> memref<10240x128xf32, #tpu.memory_space<hbm>>
        %dma_start3A_28 = arith.constant 0 : i32
        %dma_start3A_29 = arith.constant 0 : i32
        %dma_start3A_30 = tpu.memref_slice %dma_start3A_27[%dma_start3A_28, %dma_start3A_29] : memref<10240x128xf32, #tpu.memory_space<hbm>> -> memref<10240x128xf32, #tpu.memory_space<hbm>>
        tpu.enqueue_indirect_dma source(%dma_start3A_30 : memref<10240x128xf32, #tpu.memory_space<hbm>>) target(%arg8 : memref<128x128xf32, #tpu.memory_space<vmem>>) offsets(%dma_start3A_23 : memref<128xi32, #tpu.memory_space<vmem>>) semaphore(%run_scoped3A : memref<!tpu.dma_semaphore, #tpu.memory_space<semaphore_mem>>)
        %dma_wait3A = arith.constant 0 : i32
        %dma_wait3A_31 = tpu.memref_slice %arg6[%add3A_21, %dma_wait3A] : memref<79x128xi32, #tpu.memory_space<vmem>> -> memref<1x128xi32, #tpu.memory_space<vmem>>
        %dma_wait3A_32 = tpu.memref_squeeze %dma_wait3A_31 : memref<1x128xi32, #tpu.memory_space<vmem>> -> memref<128xi32, #tpu.memory_space<vmem>>
        %dma_wait3A_33 = arith.constant 0 : i32
        %dma_wait3A_34 = arith.constant 0 : i32
        %dma_wait3A_35 = tpu.memref_slice %arg2[%arg0, %dma_wait3A_33, %dma_wait3A_34] : memref<2x10240x128xf32, #tpu.memory_space<hbm>> -> memref<1x10240x128xf32, #tpu.memory_space<hbm>>
        %dma_wait3A_36 = tpu.memref_squeeze %dma_wait3A_35 : memref<1x10240x128xf32, #tpu.memory_space<hbm>> -> memref<10240x128xf32, #tpu.memory_space<hbm>>
        %dma_wait3A_37 = arith.constant 0 : i32
        %dma_wait3A_38 = arith.constant 0 : i32
        %dma_wait3A_39 = tpu.memref_slice %dma_wait3A_36[%dma_wait3A_37, %dma_wait3A_38] : memref<10240x128xf32, #tpu.memory_space<hbm>> -> memref<10240x128xf32, #tpu.memory_space<hbm>>
        tpu.wait_indirect_dma semaphore(%run_scoped3A : memref<!tpu.dma_semaphore, #tpu.memory_space<semaphore_mem>>) src(%dma_wait3A_39 : memref<10240x128xf32, #tpu.memory_space<hbm>>) dst(%arg8 : memref<128x128xf32, #tpu.memory_space<vmem>>)
        tpu.yield
      }) : () -> ()
      "tpu.region"() ({
        %run_scoped3A = tpu.sem_alloc : memref<!tpu.dma_semaphore, #tpu.memory_space<semaphore_mem>>
        %dma_start3A = arith.constant 0 : i32
        %dma_start3A_22 = tpu.memref_slice %arg7[%add3A_21, %dma_start3A] : memref<79x128xi32, #tpu.memory_space<vmem>> -> memref<1x128xi32, #tpu.memory_space<vmem>>
        %dma_start3A_23 = tpu.memref_squeeze %dma_start3A_22 : memref<1x128xi32, #tpu.memory_space<vmem>> -> memref<128xi32, #tpu.memory_space<vmem>>
        %dma_start3A_24 = arith.constant 0 : i32
        %dma_start3A_25 = arith.constant 0 : i32
        %dma_start3A_26 = tpu.memref_slice %arg9[%dma_start3A_24, %dma_start3A_25] : memref<10240x128xf32, #tpu.memory_space<vmem_shared>> -> memref<10240x128xf32, #tpu.memory_space<vmem_shared>>
        tpu.enqueue_indirect_dma source(%arg8 : memref<128x128xf32, #tpu.memory_space<vmem>>) target(%dma_start3A_26 : memref<10240x128xf32, #tpu.memory_space<vmem_shared>>) offsets(%dma_start3A_23 : memref<128xi32, #tpu.memory_space<vmem>>) semaphore(%run_scoped3A : memref<!tpu.dma_semaphore, #tpu.memory_space<semaphore_mem>>) {add = true}
        %dma_wait3A = arith.constant 0 : i32
        %dma_wait3A_27 = tpu.memref_slice %arg7[%add3A_21, %dma_wait3A] : memref<79x128xi32, #tpu.memory_space<vmem>> -> memref<1x128xi32, #tpu.memory_space<vmem>>
        %dma_wait3A_28 = tpu.memref_squeeze %dma_wait3A_27 : memref<1x128xi32, #tpu.memory_space<vmem>> -> memref<128xi32, #tpu.memory_space<vmem>>
        %dma_wait3A_29 = arith.constant 0 : i32
        %dma_wait3A_30 = arith.constant 0 : i32
        %dma_wait3A_31 = tpu.memref_slice %arg9[%dma_wait3A_29, %dma_wait3A_30] : memref<10240x128xf32, #tpu.memory_space<vmem_shared>> -> memref<10240x128xf32, #tpu.memory_space<vmem_shared>>
        tpu.wait_indirect_dma semaphore(%run_scoped3A : memref<!tpu.dma_semaphore, #tpu.memory_space<semaphore_mem>>) src(%arg8 : memref<128x128xf32, #tpu.memory_space<vmem>>) dst(%dma_wait3A_31 : memref<10240x128xf32, #tpu.memory_space<vmem_shared>>)
        tpu.yield
      }) : () -> ()
    }
    %scan3A_13 = arith.constant 79 : i32
    %barrier3A_14 = arith.constant 0 : index
    tpu.barrier barrier_id(%barrier3A_14)
    %mul3A = arith.constant 640 : i32
    %mul3A_15 = arith.muli %arg1, %mul3A : i32
    %mul3A_16 = arith.constant 640 : i32
    %mul3A_17 = arith.muli %arg1, %mul3A_16 : i32
    "tpu.region"() ({
      %run_scoped3A = tpu.sem_alloc : memref<!tpu.dma_semaphore, #tpu.memory_space<semaphore_mem>>
      %dma_start3A = arith.constant 0 : i32
      %dma_start3A_18 = arith.constant 0 : i32
      %dma_start3A_19 = tpu.memref_slice %arg5[%arg0, %dma_start3A, %dma_start3A_18] : memref<2x10240x128xf32, #tpu.memory_space<hbm>> -> memref<1x10240x128xf32, #tpu.memory_space<hbm>>
      %dma_start3A_20 = tpu.memref_squeeze %dma_start3A_19 : memref<1x10240x128xf32, #tpu.memory_space<hbm>> -> memref<10240x128xf32, #tpu.memory_space<hbm>>
      %dma_start3A_21 = arith.constant 0 : i32
      %dma_start3A_22 = tpu.memref_slice %dma_start3A_20[%mul3A_17, %dma_start3A_21] : memref<10240x128xf32, #tpu.memory_space<hbm>> -> memref<640x128xf32, #tpu.memory_space<hbm>>
      %dma_start3A_23 = arith.constant 0 : i32
      %dma_start3A_24 = tpu.memref_slice %arg9[%mul3A_15, %dma_start3A_23] : memref<10240x128xf32, #tpu.memory_space<vmem_shared>> -> memref<640x128xf32, #tpu.memory_space<vmem_shared>>
      tpu.enqueue_dma source(%dma_start3A_24 : memref<640x128xf32, #tpu.memory_space<vmem_shared>>) target(%dma_start3A_22 : memref<640x128xf32, #tpu.memory_space<hbm>>) target_semaphore(%run_scoped3A : memref<!tpu.dma_semaphore, #tpu.memory_space<semaphore_mem>>)
      %dma_wait3A = arith.constant 0 : i32
      %dma_wait3A_25 = arith.constant 0 : i32
      %dma_wait3A_26 = tpu.memref_slice %arg5[%arg0, %dma_wait3A, %dma_wait3A_25] : memref<2x10240x128xf32, #tpu.memory_space<hbm>> -> memref<1x10240x128xf32, #tpu.memory_space<hbm>>
      %dma_wait3A_27 = tpu.memref_squeeze %dma_wait3A_26 : memref<1x10240x128xf32, #tpu.memory_space<hbm>> -> memref<10240x128xf32, #tpu.memory_space<hbm>>
      %dma_wait3A_28 = arith.constant 0 : i32
      %dma_wait3A_29 = tpu.memref_slice %dma_wait3A_27[%mul3A_17, %dma_wait3A_28] : memref<10240x128xf32, #tpu.memory_space<hbm>> -> memref<640x128xf32, #tpu.memory_space<hbm>>
      %dma_wait3A_30 = arith.constant 0 : i32
      %dma_wait3A_31 = tpu.memref_slice %arg9[%mul3A_15, %dma_wait3A_30] : memref<10240x128xf32, #tpu.memory_space<vmem_shared>> -> memref<640x128xf32, #tpu.memory_space<vmem_shared>>
      tpu.wait_dma2 semaphore(%run_scoped3A : memref<!tpu.dma_semaphore, #tpu.memory_space<semaphore_mem>>) src(%dma_wait3A_31 : memref<640x128xf32, #tpu.memory_space<vmem_shared>>) dst(%dma_wait3A_29 : memref<640x128xf32, #tpu.memory_space<hbm>>)
      tpu.yield
    }) : () -> ()
    return
  }
}

#map = affine_map<(d0, d1) -> (0, 0, 0)>
module attributes {stable_mosaic.version = 14 : i64} {
  func.func @_sc_segsum_body(%arg0: i32, %arg1: i32, %arg2: memref<2x10240x128xf32, #tpu.memory_space<hbm>>, %arg3: memref<16x79x128xi32, #tpu.memory_space<hbm>>, %arg4: memref<16x79x128xi32, #tpu.memory_space<hbm>>, %arg5: memref<2x10240x128xf32, #tpu.memory_space<hbm>>, %arg6: memref<79x128xi32, #tpu.memory_space<vmem>>, %arg7: memref<79x128xi32, #tpu.memory_space<vmem>>, %arg8: memref<128x128xf32, #tpu.memory_space<vmem>>, %arg9: memref<10240x128xf32, #tpu.memory_space<vmem_shared>>) attributes {dimension_semantics = [#tpu.dimension_semantics<core_parallel>, #tpu.dimension_semantics<subcore_parallel>], iteration_bounds = array<i64: 2, 16>, scalar_prefetch = 0 : i64, scratch_operands = 4 : i64, tpu.core_type = #tpu.core_type<sc_vector_subcore>, window_params = [{transform_indices = #map}, {transform_indices = #map}, {transform_indices = #map}, {transform_indices = #map}]} {
    "tpu.region"() ({
      %run_scoped3A = tpu.sem_alloc : memref<!tpu.dma_semaphore, #tpu.memory_space<semaphore_mem>>
      %dma_start3A = arith.constant 0 : i32
      %dma_start3A_18 = arith.constant 0 : i32
      %dma_start3A_19 = tpu.memref_slice %arg3[%arg1, %dma_start3A, %dma_start3A_18] : memref<16x79x128xi32, #tpu.memory_space<hbm>> -> memref<1x79x128xi32, #tpu.memory_space<hbm>>
      %dma_start3A_20 = tpu.memref_squeeze %dma_start3A_19 : memref<1x79x128xi32, #tpu.memory_space<hbm>> -> memref<79x128xi32, #tpu.memory_space<hbm>>
      %dma_start3A_21 = arith.constant 0 : i32
      %dma_start3A_22 = arith.constant 0 : i32
      %dma_start3A_23 = tpu.memref_slice %arg3[%arg1, %dma_start3A_21, %dma_start3A_22] : memref<16x79x128xi32, #tpu.memory_space<hbm>> -> memref<1x79x128xi32, #tpu.memory_space<hbm>>
      %dma_start3A_24 = tpu.memref_squeeze %dma_start3A_23 : memref<1x79x128xi32, #tpu.memory_space<hbm>> -> memref<79x128xi32, #tpu.memory_space<hbm>>
      tpu.enqueue_dma source(%dma_start3A_24 : memref<79x128xi32, #tpu.memory_space<hbm>>) target(%arg6 : memref<79x128xi32, #tpu.memory_space<vmem>>) target_semaphore(%run_scoped3A : memref<!tpu.dma_semaphore, #tpu.memory_space<semaphore_mem>>)
      %dma_wait3A = arith.constant 0 : i32
      %dma_wait3A_25 = arith.constant 0 : i32
      %dma_wait3A_26 = tpu.memref_slice %arg3[%arg1, %dma_wait3A, %dma_wait3A_25] : memref<16x79x128xi32, #tpu.memory_space<hbm>> -> memref<1x79x128xi32, #tpu.memory_space<hbm>>
      %dma_wait3A_27 = tpu.memref_squeeze %dma_wait3A_26 : memref<1x79x128xi32, #tpu.memory_space<hbm>> -> memref<79x128xi32, #tpu.memory_space<hbm>>
      %dma_wait3A_28 = arith.constant 0 : i32
      %dma_wait3A_29 = arith.constant 0 : i32
      %dma_wait3A_30 = tpu.memref_slice %arg3[%arg1, %dma_wait3A_28, %dma_wait3A_29] : memref<16x79x128xi32, #tpu.memory_space<hbm>> -> memref<1x79x128xi32, #tpu.memory_space<hbm>>
      %dma_wait3A_31 = tpu.memref_squeeze %dma_wait3A_30 : memref<1x79x128xi32, #tpu.memory_space<hbm>> -> memref<79x128xi32, #tpu.memory_space<hbm>>
      tpu.wait_dma2 semaphore(%run_scoped3A : memref<!tpu.dma_semaphore, #tpu.memory_space<semaphore_mem>>) src(%dma_wait3A_31 : memref<79x128xi32, #tpu.memory_space<hbm>>) dst(%arg6 : memref<79x128xi32, #tpu.memory_space<vmem>>)
      tpu.yield
    }) : () -> ()
    "tpu.region"() ({
      %run_scoped3A = tpu.sem_alloc : memref<!tpu.dma_semaphore, #tpu.memory_space<semaphore_mem>>
      %dma_start3A = arith.constant 0 : i32
      %dma_start3A_18 = arith.constant 0 : i32
      %dma_start3A_19 = tpu.memref_slice %arg4[%arg1, %dma_start3A, %dma_start3A_18] : memref<16x79x128xi32, #tpu.memory_space<hbm>> -> memref<1x79x128xi32, #tpu.memory_space<hbm>>
      %dma_start3A_20 = tpu.memref_squeeze %dma_start3A_19 : memref<1x79x128xi32, #tpu.memory_space<hbm>> -> memref<79x128xi32, #tpu.memory_space<hbm>>
      %dma_start3A_21 = arith.constant 0 : i32
      %dma_start3A_22 = arith.constant 0 : i32
      %dma_start3A_23 = tpu.memref_slice %arg4[%arg1, %dma_start3A_21, %dma_start3A_22] : memref<16x79x128xi32, #tpu.memory_space<hbm>> -> memref<1x79x128xi32, #tpu.memory_space<hbm>>
      %dma_start3A_24 = tpu.memref_squeeze %dma_start3A_23 : memref<1x79x128xi32, #tpu.memory_space<hbm>> -> memref<79x128xi32, #tpu.memory_space<hbm>>
      tpu.enqueue_dma source(%dma_start3A_24 : memref<79x128xi32, #tpu.memory_space<hbm>>) target(%arg7 : memref<79x128xi32, #tpu.memory_space<vmem>>) target_semaphore(%run_scoped3A : memref<!tpu.dma_semaphore, #tpu.memory_space<semaphore_mem>>)
      %dma_wait3A = arith.constant 0 : i32
      %dma_wait3A_25 = arith.constant 0 : i32
      %dma_wait3A_26 = tpu.memref_slice %arg4[%arg1, %dma_wait3A, %dma_wait3A_25] : memref<16x79x128xi32, #tpu.memory_space<hbm>> -> memref<1x79x128xi32, #tpu.memory_space<hbm>>
      %dma_wait3A_27 = tpu.memref_squeeze %dma_wait3A_26 : memref<1x79x128xi32, #tpu.memory_space<hbm>> -> memref<79x128xi32, #tpu.memory_space<hbm>>
      %dma_wait3A_28 = arith.constant 0 : i32
      %dma_wait3A_29 = arith.constant 0 : i32
      %dma_wait3A_30 = tpu.memref_slice %arg4[%arg1, %dma_wait3A_28, %dma_wait3A_29] : memref<16x79x128xi32, #tpu.memory_space<hbm>> -> memref<1x79x128xi32, #tpu.memory_space<hbm>>
      %dma_wait3A_31 = tpu.memref_squeeze %dma_wait3A_30 : memref<1x79x128xi32, #tpu.memory_space<hbm>> -> memref<79x128xi32, #tpu.memory_space<hbm>>
      tpu.wait_dma2 semaphore(%run_scoped3A : memref<!tpu.dma_semaphore, #tpu.memory_space<semaphore_mem>>) src(%dma_wait3A_31 : memref<79x128xi32, #tpu.memory_space<hbm>>) dst(%arg7 : memref<79x128xi32, #tpu.memory_space<vmem>>)
      tpu.yield
    }) : () -> ()
    %scan3A = arith.constant 0 : i32
    %scan3A_0 = arith.constant 128 : i32
    %scan3A_1 = arith.addi %scan3A, %scan3A_0 : i32
    %scan3A_2 = arith.constant 1 : i32
    scf.for %scan3A_18 = %scan3A to %scan3A_1 step %scan3A_2  : i32 {
      %mul3A_19 = arith.constant 1 : i32
      %mul3A_20 = arith.muli %scan3A_18, %mul3A_19 : i32
      %add3A = arith.constant 0 : i32
      %add3A_21 = arith.addi %add3A, %mul3A_20 : i32
      %scan3A_22 = arith.constant 0 : i32
      %scan3A_23 = arith.constant 8 : i32
      %scan3A_24 = arith.addi %scan3A_22, %scan3A_23 : i32
      %scan3A_25 = arith.constant 1 : i32
      scf.for %scan3A_27 = %scan3A_22 to %scan3A_24 step %scan3A_25  : i32 {
        %mul3A_28 = arith.constant 16 : i32
        %mul3A_29 = arith.muli %scan3A_27, %mul3A_28 : i32
        %add3A_30 = arith.constant 0 : i32
        %add3A_31 = arith.addi %add3A_30, %mul3A_29 : i32
        %broadcast_in_dim3A = arith.constant 0.000000e+00 : f32
        %broadcast_in_dim3A_32 = vector.broadcast %broadcast_in_dim3A : f32 to vector<16xf32>
        %swap3A = arith.constant 0 : i32
        %swap3A_33 = tpu.memref_slice %arg8[%add3A_21, %swap3A] : memref<128x128xf32, #tpu.memory_space<vmem>> -> memref<1x128xf32, #tpu.memory_space<vmem>>
        %swap3A_34 = tpu.memref_squeeze %swap3A_33 : memref<1x128xf32, #tpu.memory_space<vmem>> -> memref<128xf32, #tpu.memory_space<vmem>>
        %swap3A_35 = arith.index_cast %add3A_31 : i32 to index
        %swap3A_36 = tpu.vector_load %swap3A_34[%swap3A_35] {strides = array<i32>} : memref<128xf32, #tpu.memory_space<vmem>>, vector<16xf32>,
        %swap3A_37 = vector.shape_cast %swap3A_36 : vector<16xf32> to vector<16xf32>
        %swap3A_38 = vector.shape_cast %broadcast_in_dim3A_32 : vector<16xf32> to vector<16xf32>
        tpu.vector_store %swap3A_34[%swap3A_35], %swap3A_38 {strides = array<i32>} : memref<128xf32, #tpu.memory_space<vmem>>, vector<16xf32>,
      }
      %scan3A_26 = arith.constant 8 : i32
    }
    %scan3A_3 = arith.constant 128 : i32
    %scan3A_4 = arith.constant 0 : i32
    %scan3A_5 = arith.constant 5 : i32
    %scan3A_6 = arith.addi %scan3A_4, %scan3A_5 : i32
    %scan3A_7 = arith.constant 1 : i32
    scf.for %scan3A_18 = %scan3A_4 to %scan3A_6 step %scan3A_7  : i32 {
      %mul3A_19 = arith.constant 128 : i32
      %mul3A_20 = arith.muli %scan3A_18, %mul3A_19 : i32
      %add3A = arith.constant 0 : i32
      %add3A_21 = arith.addi %add3A, %mul3A_20 : i32
      %mul3A_22 = arith.constant 640 : i32
      %mul3A_23 = arith.muli %arg1, %mul3A_22 : i32
      %add3A_24 = arith.addi %mul3A_23, %add3A_21 : i32
      "tpu.region"() ({
        %run_scoped3A = tpu.sem_alloc : memref<!tpu.dma_semaphore, #tpu.memory_space<semaphore_mem>>
        %dma_start3A = arith.constant 0 : i32
        %dma_start3A_25 = tpu.memref_slice %arg9[%add3A_24, %dma_start3A] : memref<10240x128xf32, #tpu.memory_space<vmem_shared>> -> memref<128x128xf32, #tpu.memory_space<vmem_shared>>
        %dma_start3A_26 = arith.constant 0 : i32
        %dma_start3A_27 = tpu.memref_slice %arg9[%add3A_24, %dma_start3A_26] : memref<10240x128xf32, #tpu.memory_space<vmem_shared>> -> memref<128x128xf32, #tpu.memory_space<vmem_shared>>
        tpu.enqueue_dma source(%arg8 : memref<128x128xf32, #tpu.memory_space<vmem>>) target(%dma_start3A_27 : memref<128x128xf32, #tpu.memory_space<vmem_shared>>) target_semaphore(%run_scoped3A : memref<!tpu.dma_semaphore, #tpu.memory_space<semaphore_mem>>)
        %dma_wait3A = arith.constant 0 : i32
        %dma_wait3A_28 = tpu.memref_slice %arg9[%add3A_24, %dma_wait3A] : memref<10240x128xf32, #tpu.memory_space<vmem_shared>> -> memref<128x128xf32, #tpu.memory_space<vmem_shared>>
        %dma_wait3A_29 = arith.constant 0 : i32
        %dma_wait3A_30 = tpu.memref_slice %arg9[%add3A_24, %dma_wait3A_29] : memref<10240x128xf32, #tpu.memory_space<vmem_shared>> -> memref<128x128xf32, #tpu.memory_space<vmem_shared>>
        tpu.wait_dma2 semaphore(%run_scoped3A : memref<!tpu.dma_semaphore, #tpu.memory_space<semaphore_mem>>) src(%arg8 : memref<128x128xf32, #tpu.memory_space<vmem>>) dst(%dma_wait3A_30 : memref<128x128xf32, #tpu.memory_space<vmem_shared>>)
        tpu.yield
      }) : () -> ()
    }
    %scan3A_8 = arith.constant 5 : i32
    %barrier3A = arith.constant 0 : index
    tpu.barrier barrier_id(%barrier3A)
    %scan3A_9 = arith.constant 0 : i32
    %scan3A_10 = arith.constant 79 : i32
    %scan3A_11 = arith.addi %scan3A_9, %scan3A_10 : i32
    %scan3A_12 = arith.constant 1 : i32
    scf.for %scan3A_18 = %scan3A_9 to %scan3A_11 step %scan3A_12  : i32 {
      %mul3A_19 = arith.constant 1 : i32
      %mul3A_20 = arith.muli %scan3A_18, %mul3A_19 : i32
      %add3A = arith.constant 0 : i32
      %add3A_21 = arith.addi %add3A, %mul3A_20 : i32
      "tpu.region"() ({
        %run_scoped3A = tpu.sem_alloc : memref<!tpu.dma_semaphore, #tpu.memory_space<semaphore_mem>>
        %dma_start3A = arith.constant 0 : i32
        %dma_start3A_22 = tpu.memref_slice %arg6[%add3A_21, %dma_start3A] : memref<79x128xi32, #tpu.memory_space<vmem>> -> memref<1x128xi32, #tpu.memory_space<vmem>>
        %dma_start3A_23 = tpu.memref_squeeze %dma_start3A_22 : memref<1x128xi32, #tpu.memory_space<vmem>> -> memref<128xi32, #tpu.memory_space<vmem>>
        %dma_start3A_24 = arith.constant 0 : i32
        %dma_start3A_25 = arith.constant 0 : i32
        %dma_start3A_26 = tpu.memref_slice %arg2[%arg0, %dma_start3A_24, %dma_start3A_25] : memref<2x10240x128xf32, #tpu.memory_space<hbm>> -> memref<1x10240x128xf32, #tpu.memory_space<hbm>>
        %dma_start3A_27 = tpu.memref_squeeze %dma_start3A_26 : memref<1x10240x128xf32, #tpu.memory_space<hbm>> -> memref<10240x128xf32, #tpu.memory_space<hbm>>
        %dma_start3A_28 = arith.constant 0 : i32
        %dma_start3A_29 = arith.constant 0 : i32
        %dma_start3A_30 = tpu.memref_slice %dma_start3A_27[%dma_start3A_28, %dma_start3A_29] : memref<10240x128xf32, #tpu.memory_space<hbm>> -> memref<10240x128xf32, #tpu.memory_space<hbm>>
        tpu.enqueue_indirect_dma source(%dma_start3A_30 : memref<10240x128xf32, #tpu.memory_space<hbm>>) target(%arg8 : memref<128x128xf32, #tpu.memory_space<vmem>>) offsets(%dma_start3A_23 : memref<128xi32, #tpu.memory_space<vmem>>) semaphore(%run_scoped3A : memref<!tpu.dma_semaphore, #tpu.memory_space<semaphore_mem>>)
        %dma_wait3A = arith.constant 0 : i32
        %dma_wait3A_31 = tpu.memref_slice %arg6[%add3A_21, %dma_wait3A] : memref<79x128xi32, #tpu.memory_space<vmem>> -> memref<1x128xi32, #tpu.memory_space<vmem>>
        %dma_wait3A_32 = tpu.memref_squeeze %dma_wait3A_31 : memref<1x128xi32, #tpu.memory_space<vmem>> -> memref<128xi32, #tpu.memory_space<vmem>>
        %dma_wait3A_33 = arith.constant 0 : i32
        %dma_wait3A_34 = arith.constant 0 : i32
        %dma_wait3A_35 = tpu.memref_slice %arg2[%arg0, %dma_wait3A_33, %dma_wait3A_34] : memref<2x10240x128xf32, #tpu.memory_space<hbm>> -> memref<1x10240x128xf32, #tpu.memory_space<hbm>>
        %dma_wait3A_36 = tpu.memref_squeeze %dma_wait3A_35 : memref<1x10240x128xf32, #tpu.memory_space<hbm>> -> memref<10240x128xf32, #tpu.memory_space<hbm>>
        %dma_wait3A_37 = arith.constant 0 : i32
        %dma_wait3A_38 = arith.constant 0 : i32
        %dma_wait3A_39 = tpu.memref_slice %dma_wait3A_36[%dma_wait3A_37, %dma_wait3A_38] : memref<10240x128xf32, #tpu.memory_space<hbm>> -> memref<10240x128xf32, #tpu.memory_space<hbm>>
        tpu.wait_indirect_dma semaphore(%run_scoped3A : memref<!tpu.dma_semaphore, #tpu.memory_space<semaphore_mem>>) src(%dma_wait3A_39 : memref<10240x128xf32, #tpu.memory_space<hbm>>) dst(%arg8 : memref<128x128xf32, #tpu.memory_space<vmem>>)
        tpu.yield
      }) : () -> ()
      "tpu.region"() ({
        %run_scoped3A = tpu.sem_alloc : memref<!tpu.dma_semaphore, #tpu.memory_space<semaphore_mem>>
        %dma_start3A = arith.constant 0 : i32
        %dma_start3A_22 = tpu.memref_slice %arg7[%add3A_21, %dma_start3A] : memref<79x128xi32, #tpu.memory_space<vmem>> -> memref<1x128xi32, #tpu.memory_space<vmem>>
        %dma_start3A_23 = tpu.memref_squeeze %dma_start3A_22 : memref<1x128xi32, #tpu.memory_space<vmem>> -> memref<128xi32, #tpu.memory_space<vmem>>
        %dma_start3A_24 = arith.constant 0 : i32
        %dma_start3A_25 = arith.constant 0 : i32
        %dma_start3A_26 = tpu.memref_slice %arg9[%dma_start3A_24, %dma_start3A_25] : memref<10240x128xf32, #tpu.memory_space<vmem_shared>> -> memref<10240x128xf32, #tpu.memory_space<vmem_shared>>
        tpu.enqueue_indirect_dma source(%arg8 : memref<128x128xf32, #tpu.memory_space<vmem>>) target(%dma_start3A_26 : memref<10240x128xf32, #tpu.memory_space<vmem_shared>>) offsets(%dma_start3A_23 : memref<128xi32, #tpu.memory_space<vmem>>) semaphore(%run_scoped3A : memref<!tpu.dma_semaphore, #tpu.memory_space<semaphore_mem>>) {add = true}
        %dma_wait3A = arith.constant 0 : i32
        %dma_wait3A_27 = tpu.memref_slice %arg7[%add3A_21, %dma_wait3A] : memref<79x128xi32, #tpu.memory_space<vmem>> -> memref<1x128xi32, #tpu.memory_space<vmem>>
        %dma_wait3A_28 = tpu.memref_squeeze %dma_wait3A_27 : memref<1x128xi32, #tpu.memory_space<vmem>> -> memref<128xi32, #tpu.memory_space<vmem>>
        %dma_wait3A_29 = arith.constant 0 : i32
        %dma_wait3A_30 = arith.constant 0 : i32
        %dma_wait3A_31 = tpu.memref_slice %arg9[%dma_wait3A_29, %dma_wait3A_30] : memref<10240x128xf32, #tpu.memory_space<vmem_shared>> -> memref<10240x128xf32, #tpu.memory_space<vmem_shared>>
        tpu.wait_indirect_dma semaphore(%run_scoped3A : memref<!tpu.dma_semaphore, #tpu.memory_space<semaphore_mem>>) src(%arg8 : memref<128x128xf32, #tpu.memory_space<vmem>>) dst(%dma_wait3A_31 : memref<10240x128xf32, #tpu.memory_space<vmem_shared>>)
        tpu.yield
      }) : () -> ()
    }
    %scan3A_13 = arith.constant 79 : i32
    %barrier3A_14 = arith.constant 0 : index
    tpu.barrier barrier_id(%barrier3A_14)
    %mul3A = arith.constant 640 : i32
    %mul3A_15 = arith.muli %arg1, %mul3A : i32
    %mul3A_16 = arith.constant 640 : i32
    %mul3A_17 = arith.muli %arg1, %mul3A_16 : i32
    "tpu.region"() ({
      %run_scoped3A = tpu.sem_alloc : memref<!tpu.dma_semaphore, #tpu.memory_space<semaphore_mem>>
      %dma_start3A = arith.constant 0 : i32
      %dma_start3A_18 = arith.constant 0 : i32
      %dma_start3A_19 = tpu.memref_slice %arg5[%arg0, %dma_start3A, %dma_start3A_18] : memref<2x10240x128xf32, #tpu.memory_space<hbm>> -> memref<1x10240x128xf32, #tpu.memory_space<hbm>>
      %dma_start3A_20 = tpu.memref_squeeze %dma_start3A_19 : memref<1x10240x128xf32, #tpu.memory_space<hbm>> -> memref<10240x128xf32, #tpu.memory_space<hbm>>
      %dma_start3A_21 = arith.constant 0 : i32
      %dma_start3A_22 = tpu.memref_slice %dma_start3A_20[%mul3A_17, %dma_start3A_21] : memref<10240x128xf32, #tpu.memory_space<hbm>> -> memref<640x128xf32, #tpu.memory_space<hbm>>
      %dma_start3A_23 = arith.constant 0 : i32
      %dma_start3A_24 = tpu.memref_slice %arg9[%mul3A_15, %dma_start3A_23] : memref<10240x128xf32, #tpu.memory_space<vmem_shared>> -> memref<640x128xf32, #tpu.memory_space<vmem_shared>>
      tpu.enqueue_dma source(%dma_start3A_24 : memref<640x128xf32, #tpu.memory_space<vmem_shared>>) target(%dma_start3A_22 : memref<640x128xf32, #tpu.memory_space<hbm>>) target_semaphore(%run_scoped3A : memref<!tpu.dma_semaphore, #tpu.memory_space<semaphore_mem>>)
      %dma_wait3A = arith.constant 0 : i32
      %dma_wait3A_25 = arith.constant 0 : i32
      %dma_wait3A_26 = tpu.memref_slice %arg5[%arg0, %dma_wait3A, %dma_wait3A_25] : memref<2x10240x128xf32, #tpu.memory_space<hbm>> -> memref<1x10240x128xf32, #tpu.memory_space<hbm>>
      %dma_wait3A_27 = tpu.memref_squeeze %dma_wait3A_26 : memref<1x10240x128xf32, #tpu.memory_space<hbm>> -> memref<10240x128xf32, #tpu.memory_space<hbm>>
      %dma_wait3A_28 = arith.constant 0 : i32
      %dma_wait3A_29 = tpu.memref_slice %dma_wait3A_27[%mul3A_17, %dma_wait3A_28] : memref<10240x128xf32, #tpu.memory_space<hbm>> -> memref<640x128xf32, #tpu.memory_space<hbm>>
      %dma_wait3A_30 = arith.constant 0 : i32
      %dma_wait3A_31 = tpu.memref_slice %arg9[%mul3A_15, %dma_wait3A_30] : memref<10240x128xf32, #tpu.memory_space<vmem_shared>> -> memref<640x128xf32, #tpu.memory_space<vmem_shared>>
      tpu.wait_dma2 semaphore(%run_scoped3A : memref<!tpu.dma_semaphore, #tpu.memory_space<semaphore_mem>>) src(%dma_wait3A_31 : memref<640x128xf32, #tpu.memory_space<vmem_shared>>) dst(%dma_wait3A_29 : memref<640x128xf32, #tpu.memory_space<hbm>>)
      tpu.yield
    }) : () -> ()
    return
  }
}

module attributes {stable_mosaic.version = 14 : i64} {
  func.func @_tc_b_body(%arg0: i32, %arg1: memref<2000x256xf32, #tpu.memory_space<vmem>>, %arg2: memref<3x256xf32, #tpu.memory_space<vmem>>, %arg3: memref<1x256xf32, #tpu.memory_space<vmem>>, %arg4: memref<1x256xf32, #tpu.memory_space<vmem>>, %arg5: memref<256x256xf32, #tpu.memory_space<vmem>>, %arg6: memref<2000x256xf32, #tpu.memory_space<vmem>>, %arg7: memref<3x256xf32, #tpu.memory_space<vmem>>) attributes {dimension_semantics = [#tpu.dimension_semantics<arbitrary>], iteration_bounds = array<i64: 5>, scalar_prefetch = 0 : i64, scratch_operands = 0 : i64, tpu.core_type = #tpu.core_type<tc>, window_params = [{transform_indices = @transform_0, window_bounds = array<i64: 2000, 256>}, {pipeline_mode = #tpu.pipeline_mode<synchronous>, transform_indices = @transform_1, window_bounds = array<i64: 3, 256>}, {pipeline_mode = #tpu.pipeline_mode<synchronous>, transform_indices = @transform_2, window_bounds = array<i64: 1, 256>}, {pipeline_mode = #tpu.pipeline_mode<synchronous>, transform_indices = @transform_3, window_bounds = array<i64: 1, 256>}, {pipeline_mode = #tpu.pipeline_mode<synchronous>, transform_indices = @transform_4, window_bounds = array<i64: 256, 256>}, {transform_indices = @transform_5, window_bounds = array<i64: 2000, 256>}, {pipeline_mode = #tpu.pipeline_mode<synchronous>, transform_indices = @transform_6, window_bounds = array<i64: 3, 256>}]} {
    %get3A = arith.constant 0 : index
    %get3A_0 = arith.constant 0 : index
    %get3A_1 = vector.load %arg1[%get3A, %get3A_0] : memref<2000x256xf32, #tpu.memory_space<vmem>>, vector<2000x256xf32>
    %get3A_2 = arith.constant 0 : index
    %get3A_3 = arith.constant 0 : index
    %get3A_4 = vector.load %arg2[%get3A_2, %get3A_3] : memref<3x256xf32, #tpu.memory_space<vmem>>, vector<3x256xf32>
    %get3A_5 = arith.constant 0 : index
    %get3A_6 = arith.constant 0 : index
    %get3A_7 = vector.load %arg3[%get3A_5, %get3A_6] : memref<1x256xf32, #tpu.memory_space<vmem>>, vector<1x256xf32>
    %get3A_8 = vector.shape_cast %get3A_7 : vector<1x256xf32> to vector<256xf32>
    %get3A_9 = arith.constant 0 : index
    %get3A_10 = arith.constant 0 : index
    %get3A_11 = vector.load %arg4[%get3A_9, %get3A_10] : memref<1x256xf32, #tpu.memory_space<vmem>>, vector<1x256xf32>
    %get3A_12 = vector.shape_cast %get3A_11 : vector<1x256xf32> to vector<256xf32>
    %slice3A = vector.extract_strided_slice %get3A_4 {offsets = [0, 0], sizes = [1, 256], strides = [1, 1]} : vector<3x256xf32> to vector<1x256xf32>
    %squeeze3A = vector.shape_cast %slice3A : vector<1x256xf32> to vector<256xf32>
    %mul3A = arith.constant 9.99999974E-5 : f32
    %mul3A_13 = vector.broadcast %mul3A : f32 to vector<256xf32>
    %mul3A_14 = arith.mulf %squeeze3A, %mul3A_13 : vector<256xf32>
    %slice3A_15 = vector.extract_strided_slice %get3A_4 {offsets = [2, 0], sizes = [1, 256], strides = [1, 1]} : vector<3x256xf32> to vector<1x256xf32>
    %squeeze3A_16 = vector.shape_cast %slice3A_15 : vector<1x256xf32> to vector<256xf32>
    %add3A = arith.addf %squeeze3A_16, %mul3A_14 : vector<256xf32>
    %slice3A_17 = vector.extract_strided_slice %get3A_4 {offsets = [1, 0], sizes = [1, 256], strides = [1, 1]} : vector<3x256xf32> to vector<1x256xf32>
    %squeeze3A_18 = vector.shape_cast %slice3A_17 : vector<1x256xf32> to vector<256xf32>
    %mul3A_19 = arith.constant 9.99999974E-5 : f32
    %mul3A_20 = vector.broadcast %mul3A_19 : f32 to vector<256xf32>
    %mul3A_21 = arith.mulf %squeeze3A_18, %mul3A_20 : vector<256xf32>
    %mul3A_22 = arith.mulf %mul3A_14, %mul3A_14 : vector<256xf32>
    %sub3A = arith.subf %mul3A_21, %mul3A_22 : vector<256xf32>
    %add3A_23 = arith.constant 9.99999974E-6 : f32
    %add3A_24 = vector.broadcast %add3A_23 : f32 to vector<256xf32>
    %add3A_25 = arith.addf %sub3A, %add3A_24 : vector<256xf32>
    %rsqrt3A = math.rsqrt %add3A_25 : vector<256xf32>
    %broadcast_in_dim3A = vector.shape_cast %add3A : vector<256xf32> to vector<1x256xf32>
    %sub3A_26 = vector.broadcast %broadcast_in_dim3A : vector<1x256xf32> to vector<2000x256xf32>
    %sub3A_27 = arith.subf %get3A_1, %sub3A_26 : vector<2000x256xf32>
    %mul3A_28 = arith.mulf %get3A_8, %rsqrt3A : vector<256xf32>
    %broadcast_in_dim3A_29 = vector.shape_cast %mul3A_28 : vector<256xf32> to vector<1x256xf32>
    %mul3A_30 = vector.broadcast %broadcast_in_dim3A_29 : vector<1x256xf32> to vector<2000x256xf32>
    %mul3A_31 = arith.mulf %sub3A_27, %mul3A_30 : vector<2000x256xf32>
    %broadcast_in_dim3A_32 = vector.shape_cast %get3A_12 : vector<256xf32> to vector<1x256xf32>
    %add3A_33 = vector.broadcast %broadcast_in_dim3A_32 : vector<1x256xf32> to vector<2000x256xf32>
    %add3A_34 = arith.addf %mul3A_31, %add3A_33 : vector<2000x256xf32>
    %max3A = arith.constant 0.000000e+00 : f32
    %max3A_35 = vector.broadcast %max3A : f32 to vector<2000x256xf32>
    %max3A_36 = arith.maximumf %add3A_34, %max3A_35 : vector<2000x256xf32>
    %get3A_37 = arith.constant 0 : index
    %get3A_38 = arith.constant 0 : index
    %get3A_39 = vector.load %arg5[%get3A_37, %get3A_38] : memref<256x256xf32, #tpu.memory_space<vmem>>, vector<256x256xf32>
    %dot_general3A = arith.constant dense<0.000000e+00> : vector<2000x256xf32>
    %dot_general3A_40 = tpu.matmul %max3A_36, %get3A_39, %dot_general3A {dimension_numbers = #tpu.dot_dimension_numbers<[1], [0], [0], [1], [0, 0, 1, 1], [], []>, transpose_lhs_hint = false} : vector<2000x256xf32>, vector<256x256xf32>, vector<2000x256xf32> -> vector<2000x256xf32>
    %swap3A = arith.constant 0 : index
    %swap3A_41 = arith.constant 0 : index
    %swap3A_42 = vector.load %arg6[%swap3A, %swap3A_41] : memref<2000x256xf32, #tpu.memory_space<vmem>>, vector<2000x256xf32>
    tpu.vector_store %arg6[%swap3A, %swap3A_41], %dot_general3A_40 {strides = array<i32>} : memref<2000x256xf32, #tpu.memory_space<vmem>>, vector<2000x256xf32>,
    %eq3A = arith.constant 0 : i32
    %eq3A_43 = arith.cmpi eq, %arg0, %eq3A : i32
    %convert_element_type3A = arith.extui %eq3A_43 : i1 to i32
    %cond3A = arith.constant 0 : i32
    %cond3A_44 = arith.cmpi ne, %convert_element_type3A, %cond3A : i32
    scf.if %cond3A_44 {
      %reduce_sum3A = arith.constant dense<0.000000e+00> : vector<256xf32>
      %reduce_sum3A_49 = vector.multi_reduction <add>, %dot_general3A_40, %reduce_sum3A [0] : vector<2000x256xf32> to vector<256xf32>
      %div3A = arith.constant 2.000000e+03 : f32
      %div3A_50 = vector.broadcast %div3A : f32 to vector<256xf32>
      %div3A_51 = arith.divf %reduce_sum3A_49, %div3A_50 : vector<256xf32>
      %broadcast_in_dim3A_52 = vector.shape_cast %div3A_51 : vector<256xf32> to vector<1x256xf32>
      %sub3A_53 = vector.broadcast %broadcast_in_dim3A_52 : vector<1x256xf32> to vector<2000x256xf32>
      %sub3A_54 = arith.subf %dot_general3A_40, %sub3A_53 : vector<2000x256xf32>
      %reduce_sum3A_55 = arith.constant dense<0.000000e+00> : vector<256xf32>
      %reduce_sum3A_56 = vector.multi_reduction <add>, %sub3A_54, %reduce_sum3A_55 [0] : vector<2000x256xf32> to vector<256xf32>
      %broadcast_in_dim3A_57 = vector.shape_cast %reduce_sum3A_56 : vector<256xf32> to vector<1x256xf32>
      %mul3A_58 = arith.mulf %sub3A_54, %sub3A_54 : vector<2000x256xf32>
      %reduce_sum3A_59 = arith.constant dense<0.000000e+00> : vector<256xf32>
      %reduce_sum3A_60 = vector.multi_reduction <add>, %mul3A_58, %reduce_sum3A_59 [0] : vector<2000x256xf32> to vector<256xf32>
      %broadcast_in_dim3A_61 = vector.shape_cast %reduce_sum3A_60 : vector<256xf32> to vector<1x256xf32>
      %broadcast_in_dim3A_62 = vector.shape_cast %div3A_51 : vector<256xf32> to vector<1x256xf32>
      %concatenate3A = tpu.concatenate %broadcast_in_dim3A_57, %broadcast_in_dim3A_61, %broadcast_in_dim3A_62 in 0 : vector<1x256xf32>, vector<1x256xf32>, vector<1x256xf32> -> vector<3x256xf32>
      %swap3A_63 = arith.constant 0 : index
      %swap3A_64 = arith.constant 0 : index
      %swap3A_65 = vector.load %arg7[%swap3A_63, %swap3A_64] : memref<3x256xf32, #tpu.memory_space<vmem>>, vector<3x256xf32>
      tpu.vector_store %arg7[%swap3A_63, %swap3A_64], %concatenate3A {strides = array<i32>} : memref<3x256xf32, #tpu.memory_space<vmem>>, vector<3x256xf32>,
    } else {
    }
    %gt3A = arith.constant 0 : i32
    %gt3A_45 = arith.cmpi sgt, %arg0, %gt3A : i32
    %convert_element_type3A_46 = arith.extui %gt3A_45 : i1 to i32
    %cond3A_47 = arith.constant 0 : i32
    %cond3A_48 = arith.cmpi ne, %convert_element_type3A_46, %cond3A_47 : i32
    scf.if %cond3A_48 {
      %get3A_49 = arith.constant 2 : index
      %get3A_50 = arith.constant 0 : index
      %get3A_51 = vector.load %arg7[%get3A_49, %get3A_50] : memref<3x256xf32, #tpu.memory_space<vmem>>, vector<1x256xf32>
      %get3A_52 = vector.shape_cast %get3A_51 : vector<1x256xf32> to vector<256xf32>
      %broadcast_in_dim3A_53 = vector.shape_cast %get3A_52 : vector<256xf32> to vector<1x256xf32>
      %sub3A_54 = vector.broadcast %broadcast_in_dim3A_53 : vector<1x256xf32> to vector<2000x256xf32>
      %sub3A_55 = arith.subf %dot_general3A_40, %sub3A_54 : vector<2000x256xf32>
      %get3A_56 = arith.constant 0 : index
      %get3A_57 = arith.constant 0 : index
      %get3A_58 = vector.load %arg7[%get3A_56, %get3A_57] : memref<3x256xf32, #tpu.memory_space<vmem>>, vector<3x256xf32>
      %reduce_sum3A = arith.constant dense<0.000000e+00> : vector<256xf32>
      %reduce_sum3A_59 = vector.multi_reduction <add>, %sub3A_55, %reduce_sum3A [0] : vector<2000x256xf32> to vector<256xf32>
      %broadcast_in_dim3A_60 = vector.shape_cast %reduce_sum3A_59 : vector<256xf32> to vector<1x256xf32>
      %mul3A_61 = arith.mulf %sub3A_55, %sub3A_55 : vector<2000x256xf32>
      %reduce_sum3A_62 = arith.constant dense<0.000000e+00> : vector<256xf32>
      %reduce_sum3A_63 = vector.multi_reduction <add>, %mul3A_61, %reduce_sum3A_62 [0] : vector<2000x256xf32> to vector<256xf32>
      %broadcast_in_dim3A_64 = vector.shape_cast %reduce_sum3A_63 : vector<256xf32> to vector<1x256xf32>
      %broadcast_in_dim3A_65 = arith.constant 0.000000e+00 : f32
      %broadcast_in_dim3A_66 = vector.broadcast %broadcast_in_dim3A_65 : f32 to vector<1x256xf32>
      %concatenate3A = tpu.concatenate %broadcast_in_dim3A_60, %broadcast_in_dim3A_64, %broadcast_in_dim3A_66 in 0 : vector<1x256xf32>, vector<1x256xf32>, vector<1x256xf32> -> vector<3x256xf32>
      %add3A_67 = arith.addf %get3A_58, %concatenate3A : vector<3x256xf32>
      %swap3A_68 = arith.constant 0 : index
      %swap3A_69 = arith.constant 0 : index
      %swap3A_70 = vector.load %arg7[%swap3A_68, %swap3A_69] : memref<3x256xf32, #tpu.memory_space<vmem>>, vector<3x256xf32>
      tpu.vector_store %arg7[%swap3A_68, %swap3A_69], %add3A_67 {strides = array<i32>} : memref<3x256xf32, #tpu.memory_space<vmem>>, vector<3x256xf32>,
    } else {
    }
    return
  }
  func.func @transform_0(%arg0: i32) -> (i32, i32) {
    %c0_i32 = arith.constant 0 : i32
    %c0_i32_0 = arith.constant 0 : i32
    return %arg0, %c0_i32 : i32, i32
  }
  func.func @transform_1(%arg0: i32) -> (i32, i32) {
    %c0_i32 = arith.constant 0 : i32
    %c0_i32_0 = arith.constant 0 : i32
    %c0_i32_1 = arith.constant 0 : i32
    return %c0_i32, %c0_i32_0 : i32, i32
  }
  func.func @transform_2(%arg0: i32) -> (i32, i32) {
    %c0_i32 = arith.constant 0 : i32
    %c0_i32_0 = arith.constant 0 : i32
    %c0_i32_1 = arith.constant 0 : i32
    return %c0_i32, %c0_i32_0 : i32, i32
  }
  func.func @transform_3(%arg0: i32) -> (i32, i32) {
    %c0_i32 = arith.constant 0 : i32
    %c0_i32_0 = arith.constant 0 : i32
    %c0_i32_1 = arith.constant 0 : i32
    return %c0_i32, %c0_i32_0 : i32, i32
  }
  func.func @transform_4(%arg0: i32) -> (i32, i32) {
    %c0_i32 = arith.constant 0 : i32
    %c0_i32_0 = arith.constant 0 : i32
    %c0_i32_1 = arith.constant 0 : i32
    return %c0_i32, %c0_i32_0 : i32, i32
  }
  func.func @transform_5(%arg0: i32) -> (i32, i32) {
    %c0_i32 = arith.constant 0 : i32
    %c0_i32_0 = arith.constant 0 : i32
    return %arg0, %c0_i32 : i32, i32
  }
  func.func @transform_6(%arg0: i32) -> (i32, i32) {
    %c0_i32 = arith.constant 0 : i32
    %c0_i32_0 = arith.constant 0 : i32
    %c0_i32_1 = arith.constant 0 : i32
    return %c0_i32, %c0_i32_0 : i32, i32
  }
}

module attributes {stable_mosaic.version = 14 : i64} {
  func.func @_tc_a_body(%arg0: i32, %arg1: memref<2x2000x128xf32, #tpu.memory_space<vmem>>, %arg2: memref<2x2000x128xf32, #tpu.memory_space<vmem>>, %arg3: memref<256x256xf32, #tpu.memory_space<vmem>>, %arg4: memref<2000x256xf32, #tpu.memory_space<vmem>>, %arg5: memref<3x256xf32, #tpu.memory_space<vmem>>) attributes {dimension_semantics = [#tpu.dimension_semantics<arbitrary>], iteration_bounds = array<i64: 5>, scalar_prefetch = 0 : i64, scratch_operands = 0 : i64, tpu.core_type = #tpu.core_type<tc>, window_params = [{transform_indices = @transform_0, window_bounds = array<i64: 2, 2000, 128>}, {transform_indices = @transform_1, window_bounds = array<i64: 2, 2000, 128>}, {pipeline_mode = #tpu.pipeline_mode<synchronous>, transform_indices = @transform_2, window_bounds = array<i64: 256, 256>}, {transform_indices = @transform_3, window_bounds = array<i64: 2000, 256>}, {pipeline_mode = #tpu.pipeline_mode<synchronous>, transform_indices = @transform_4, window_bounds = array<i64: 3, 256>}]} {
    %get3A = arith.constant 0 : index
    %get3A_0 = arith.constant 0 : index
    %get3A_1 = arith.constant 0 : index
    %get3A_2 = vector.load %arg1[%get3A, %get3A_0, %get3A_1] : memref<2x2000x128xf32, #tpu.memory_space<vmem>>, vector<1x2000x128xf32>
    %get3A_3 = vector.shape_cast %get3A_2 : vector<1x2000x128xf32> to vector<2000x128xf32>
    %get3A_4 = arith.constant 0 : index
    %get3A_5 = arith.constant 0 : index
    %get3A_6 = arith.constant 0 : index
    %get3A_7 = vector.load %arg2[%get3A_4, %get3A_5, %get3A_6] : memref<2x2000x128xf32, #tpu.memory_space<vmem>>, vector<1x2000x128xf32>
    %get3A_8 = vector.shape_cast %get3A_7 : vector<1x2000x128xf32> to vector<2000x128xf32>
    %add3A = arith.addf %get3A_3, %get3A_8 : vector<2000x128xf32>
    %get3A_9 = arith.constant 1 : index
    %get3A_10 = arith.constant 0 : index
    %get3A_11 = arith.constant 0 : index
    %get3A_12 = vector.load %arg1[%get3A_9, %get3A_10, %get3A_11] : memref<2x2000x128xf32, #tpu.memory_space<vmem>>, vector<1x2000x128xf32>
    %get3A_13 = vector.shape_cast %get3A_12 : vector<1x2000x128xf32> to vector<2000x128xf32>
    %get3A_14 = arith.constant 1 : index
    %get3A_15 = arith.constant 0 : index
    %get3A_16 = arith.constant 0 : index
    %get3A_17 = vector.load %arg2[%get3A_14, %get3A_15, %get3A_16] : memref<2x2000x128xf32, #tpu.memory_space<vmem>>, vector<1x2000x128xf32>
    %get3A_18 = vector.shape_cast %get3A_17 : vector<1x2000x128xf32> to vector<2000x128xf32>
    %add3A_19 = arith.addf %get3A_13, %get3A_18 : vector<2000x128xf32>
    %concatenate3A = tpu.concatenate %add3A, %add3A_19 in 1 : vector<2000x128xf32>, vector<2000x128xf32> -> vector<2000x256xf32>
    %get3A_20 = arith.constant 0 : index
    %get3A_21 = arith.constant 0 : index
    %get3A_22 = vector.load %arg3[%get3A_20, %get3A_21] : memref<256x256xf32, #tpu.memory_space<vmem>>, vector<256x256xf32>
    %dot_general3A = arith.constant dense<0.000000e+00> : vector<2000x256xf32>
    %dot_general3A_23 = tpu.matmul %concatenate3A, %get3A_22, %dot_general3A {dimension_numbers = #tpu.dot_dimension_numbers<[1], [0], [0], [1], [0, 0, 1, 1], [], []>, transpose_lhs_hint = false} : vector<2000x256xf32>, vector<256x256xf32>, vector<2000x256xf32> -> vector<2000x256xf32>
    %swap3A = arith.constant 0 : index
    %swap3A_24 = arith.constant 0 : index
    %swap3A_25 = vector.load %arg4[%swap3A, %swap3A_24] : memref<2000x256xf32, #tpu.memory_space<vmem>>, vector<2000x256xf32>
    tpu.vector_store %arg4[%swap3A, %swap3A_24], %dot_general3A_23 {strides = array<i32>} : memref<2000x256xf32, #tpu.memory_space<vmem>>, vector<2000x256xf32>,
    %eq3A = arith.constant 0 : i32
    %eq3A_26 = arith.cmpi eq, %arg0, %eq3A : i32
    %convert_element_type3A = arith.extui %eq3A_26 : i1 to i32
    %cond3A = arith.constant 0 : i32
    %cond3A_27 = arith.cmpi ne, %convert_element_type3A, %cond3A : i32
    scf.if %cond3A_27 {
      %reduce_sum3A = arith.constant dense<0.000000e+00> : vector<256xf32>
      %reduce_sum3A_32 = vector.multi_reduction <add>, %dot_general3A_23, %reduce_sum3A [0] : vector<2000x256xf32> to vector<256xf32>
      %div3A = arith.constant 2.000000e+03 : f32
      %div3A_33 = vector.broadcast %div3A : f32 to vector<256xf32>
      %div3A_34 = arith.divf %reduce_sum3A_32, %div3A_33 : vector<256xf32>
      %broadcast_in_dim3A = vector.shape_cast %div3A_34 : vector<256xf32> to vector<1x256xf32>
      %sub3A = vector.broadcast %broadcast_in_dim3A : vector<1x256xf32> to vector<2000x256xf32>
      %sub3A_35 = arith.subf %dot_general3A_23, %sub3A : vector<2000x256xf32>
      %reduce_sum3A_36 = arith.constant dense<0.000000e+00> : vector<256xf32>
      %reduce_sum3A_37 = vector.multi_reduction <add>, %sub3A_35, %reduce_sum3A_36 [0] : vector<2000x256xf32> to vector<256xf32>
      %broadcast_in_dim3A_38 = vector.shape_cast %reduce_sum3A_37 : vector<256xf32> to vector<1x256xf32>
      %mul3A = arith.mulf %sub3A_35, %sub3A_35 : vector<2000x256xf32>
      %reduce_sum3A_39 = arith.constant dense<0.000000e+00> : vector<256xf32>
      %reduce_sum3A_40 = vector.multi_reduction <add>, %mul3A, %reduce_sum3A_39 [0] : vector<2000x256xf32> to vector<256xf32>
      %broadcast_in_dim3A_41 = vector.shape_cast %reduce_sum3A_40 : vector<256xf32> to vector<1x256xf32>
      %broadcast_in_dim3A_42 = vector.shape_cast %div3A_34 : vector<256xf32> to vector<1x256xf32>
      %concatenate3A_43 = tpu.concatenate %broadcast_in_dim3A_38, %broadcast_in_dim3A_41, %broadcast_in_dim3A_42 in 0 : vector<1x256xf32>, vector<1x256xf32>, vector<1x256xf32> -> vector<3x256xf32>
      %swap3A_44 = arith.constant 0 : index
      %swap3A_45 = arith.constant 0 : index
      %swap3A_46 = vector.load %arg5[%swap3A_44, %swap3A_45] : memref<3x256xf32, #tpu.memory_space<vmem>>, vector<3x256xf32>
      tpu.vector_store %arg5[%swap3A_44, %swap3A_45], %concatenate3A_43 {strides = array<i32>} : memref<3x256xf32, #tpu.memory_space<vmem>>, vector<3x256xf32>,
    } else {
    }
    %gt3A = arith.constant 0 : i32
    %gt3A_28 = arith.cmpi sgt, %arg0, %gt3A : i32
    %convert_element_type3A_29 = arith.extui %gt3A_28 : i1 to i32
    %cond3A_30 = arith.constant 0 : i32
    %cond3A_31 = arith.cmpi ne, %convert_element_type3A_29, %cond3A_30 : i32
    scf.if %cond3A_31 {
      %get3A_32 = arith.constant 2 : index
      %get3A_33 = arith.constant 0 : index
      %get3A_34 = vector.load %arg5[%get3A_32, %get3A_33] : memref<3x256xf32, #tpu.memory_space<vmem>>, vector<1x256xf32>
      %get3A_35 = vector.shape_cast %get3A_34 : vector<1x256xf32> to vector<256xf32>
      %broadcast_in_dim3A = vector.shape_cast %get3A_35 : vector<256xf32> to vector<1x256xf32>
      %sub3A = vector.broadcast %broadcast_in_dim3A : vector<1x256xf32> to vector<2000x256xf32>
      %sub3A_36 = arith.subf %dot_general3A_23, %sub3A : vector<2000x256xf32>
      %get3A_37 = arith.constant 0 : index
      %get3A_38 = arith.constant 0 : index
      %get3A_39 = vector.load %arg5[%get3A_37, %get3A_38] : memref<3x256xf32, #tpu.memory_space<vmem>>, vector<3x256xf32>
      %reduce_sum3A = arith.constant dense<0.000000e+00> : vector<256xf32>
      %reduce_sum3A_40 = vector.multi_reduction <add>, %sub3A_36, %reduce_sum3A [0] : vector<2000x256xf32> to vector<256xf32>
      %broadcast_in_dim3A_41 = vector.shape_cast %reduce_sum3A_40 : vector<256xf32> to vector<1x256xf32>
      %mul3A = arith.mulf %sub3A_36, %sub3A_36 : vector<2000x256xf32>
      %reduce_sum3A_42 = arith.constant dense<0.000000e+00> : vector<256xf32>
      %reduce_sum3A_43 = vector.multi_reduction <add>, %mul3A, %reduce_sum3A_42 [0] : vector<2000x256xf32> to vector<256xf32>
      %broadcast_in_dim3A_44 = vector.shape_cast %reduce_sum3A_43 : vector<256xf32> to vector<1x256xf32>
      %broadcast_in_dim3A_45 = arith.constant 0.000000e+00 : f32
      %broadcast_in_dim3A_46 = vector.broadcast %broadcast_in_dim3A_45 : f32 to vector<1x256xf32>
      %concatenate3A_47 = tpu.concatenate %broadcast_in_dim3A_41, %broadcast_in_dim3A_44, %broadcast_in_dim3A_46 in 0 : vector<1x256xf32>, vector<1x256xf32>, vector<1x256xf32> -> vector<3x256xf32>
      %add3A_48 = arith.addf %get3A_39, %concatenate3A_47 : vector<3x256xf32>
      %swap3A_49 = arith.constant 0 : index
      %swap3A_50 = arith.constant 0 : index
      %swap3A_51 = vector.load %arg5[%swap3A_49, %swap3A_50] : memref<3x256xf32, #tpu.memory_space<vmem>>, vector<3x256xf32>
      tpu.vector_store %arg5[%swap3A_49, %swap3A_50], %add3A_48 {strides = array<i32>} : memref<3x256xf32, #tpu.memory_space<vmem>>, vector<3x256xf32>,
    } else {
    }
    return
  }
  func.func @transform_0(%arg0: i32) -> (i32, i32, i32) {
    %c0_i32 = arith.constant 0 : i32
    %c0_i32_0 = arith.constant 0 : i32
    %c0_i32_1 = arith.constant 0 : i32
    return %c0_i32, %arg0, %c0_i32_0 : i32, i32, i32
  }
  func.func @transform_1(%arg0: i32) -> (i32, i32, i32) {
    %c0_i32 = arith.constant 0 : i32
    %c0_i32_0 = arith.constant 0 : i32
    %c0_i32_1 = arith.constant 0 : i32
    return %c0_i32, %arg0, %c0_i32_0 : i32, i32, i32
  }
  func.func @transform_2(%arg0: i32) -> (i32, i32) {
    %c0_i32 = arith.constant 0 : i32
    %c0_i32_0 = arith.constant 0 : i32
    %c0_i32_1 = arith.constant 0 : i32
    return %c0_i32, %c0_i32_0 : i32, i32
  }
  func.func @transform_3(%arg0: i32) -> (i32, i32) {
    %c0_i32 = arith.constant 0 : i32
    %c0_i32_0 = arith.constant 0 : i32
    return %arg0, %c0_i32 : i32, i32
  }
  func.func @transform_4(%arg0: i32) -> (i32, i32) {
    %c0_i32 = arith.constant 0 : i32
    %c0_i32_0 = arith.constant 0 : i32
    %c0_i32_1 = arith.constant 0 : i32
    return %c0_i32, %c0_i32_0 : i32, i32
  }
}

module attributes {stable_mosaic.version = 14 : i64} {
  func.func @_tc_c_body(%arg0: i32, %arg1: memref<2000x256xf32, #tpu.memory_space<vmem>>, %arg2: memref<3x256xf32, #tpu.memory_space<vmem>>, %arg3: memref<1x256xf32, #tpu.memory_space<vmem>>, %arg4: memref<1x256xf32, #tpu.memory_space<vmem>>, %arg5: memref<2x2000x128xf32, #tpu.memory_space<vmem>>) attributes {dimension_semantics = [#tpu.dimension_semantics<arbitrary>], iteration_bounds = array<i64: 5>, scalar_prefetch = 0 : i64, scratch_operands = 0 : i64, tpu.core_type = #tpu.core_type<tc>, window_params = [{transform_indices = @transform_0, window_bounds = array<i64: 2000, 256>}, {pipeline_mode = #tpu.pipeline_mode<synchronous>, transform_indices = @transform_1, window_bounds = array<i64: 3, 256>}, {pipeline_mode = #tpu.pipeline_mode<synchronous>, transform_indices = @transform_2, window_bounds = array<i64: 1, 256>}, {pipeline_mode = #tpu.pipeline_mode<synchronous>, transform_indices = @transform_3, window_bounds = array<i64: 1, 256>}, {transform_indices = @transform_4, window_bounds = array<i64: 2, 2000, 128>}]} {
    %get3A = arith.constant 0 : index
    %get3A_0 = arith.constant 0 : index
    %get3A_1 = vector.load %arg1[%get3A, %get3A_0] : memref<2000x256xf32, #tpu.memory_space<vmem>>, vector<2000x256xf32>
    %get3A_2 = arith.constant 0 : index
    %get3A_3 = arith.constant 0 : index
    %get3A_4 = vector.load %arg2[%get3A_2, %get3A_3] : memref<3x256xf32, #tpu.memory_space<vmem>>, vector<3x256xf32>
    %get3A_5 = arith.constant 0 : index
    %get3A_6 = arith.constant 0 : index
    %get3A_7 = vector.load %arg3[%get3A_5, %get3A_6] : memref<1x256xf32, #tpu.memory_space<vmem>>, vector<1x256xf32>
    %get3A_8 = vector.shape_cast %get3A_7 : vector<1x256xf32> to vector<256xf32>
    %get3A_9 = arith.constant 0 : index
    %get3A_10 = arith.constant 0 : index
    %get3A_11 = vector.load %arg4[%get3A_9, %get3A_10] : memref<1x256xf32, #tpu.memory_space<vmem>>, vector<1x256xf32>
    %get3A_12 = vector.shape_cast %get3A_11 : vector<1x256xf32> to vector<256xf32>
    %slice3A = vector.extract_strided_slice %get3A_4 {offsets = [0, 0], sizes = [1, 256], strides = [1, 1]} : vector<3x256xf32> to vector<1x256xf32>
    %squeeze3A = vector.shape_cast %slice3A : vector<1x256xf32> to vector<256xf32>
    %mul3A = arith.constant 9.99999974E-5 : f32
    %mul3A_13 = vector.broadcast %mul3A : f32 to vector<256xf32>
    %mul3A_14 = arith.mulf %squeeze3A, %mul3A_13 : vector<256xf32>
    %slice3A_15 = vector.extract_strided_slice %get3A_4 {offsets = [2, 0], sizes = [1, 256], strides = [1, 1]} : vector<3x256xf32> to vector<1x256xf32>
    %squeeze3A_16 = vector.shape_cast %slice3A_15 : vector<1x256xf32> to vector<256xf32>
    %add3A = arith.addf %squeeze3A_16, %mul3A_14 : vector<256xf32>
    %slice3A_17 = vector.extract_strided_slice %get3A_4 {offsets = [1, 0], sizes = [1, 256], strides = [1, 1]} : vector<3x256xf32> to vector<1x256xf32>
    %squeeze3A_18 = vector.shape_cast %slice3A_17 : vector<1x256xf32> to vector<256xf32>
    %mul3A_19 = arith.constant 9.99999974E-5 : f32
    %mul3A_20 = vector.broadcast %mul3A_19 : f32 to vector<256xf32>
    %mul3A_21 = arith.mulf %squeeze3A_18, %mul3A_20 : vector<256xf32>
    %mul3A_22 = arith.mulf %mul3A_14, %mul3A_14 : vector<256xf32>
    %sub3A = arith.subf %mul3A_21, %mul3A_22 : vector<256xf32>
    %add3A_23 = arith.constant 9.99999974E-6 : f32
    %add3A_24 = vector.broadcast %add3A_23 : f32 to vector<256xf32>
    %add3A_25 = arith.addf %sub3A, %add3A_24 : vector<256xf32>
    %rsqrt3A = math.rsqrt %add3A_25 : vector<256xf32>
    %broadcast_in_dim3A = vector.shape_cast %add3A : vector<256xf32> to vector<1x256xf32>
    %sub3A_26 = vector.broadcast %broadcast_in_dim3A : vector<1x256xf32> to vector<2000x256xf32>
    %sub3A_27 = arith.subf %get3A_1, %sub3A_26 : vector<2000x256xf32>
    %mul3A_28 = arith.mulf %get3A_8, %rsqrt3A : vector<256xf32>
    %broadcast_in_dim3A_29 = vector.shape_cast %mul3A_28 : vector<256xf32> to vector<1x256xf32>
    %mul3A_30 = vector.broadcast %broadcast_in_dim3A_29 : vector<1x256xf32> to vector<2000x256xf32>
    %mul3A_31 = arith.mulf %sub3A_27, %mul3A_30 : vector<2000x256xf32>
    %broadcast_in_dim3A_32 = vector.shape_cast %get3A_12 : vector<256xf32> to vector<1x256xf32>
    %add3A_33 = vector.broadcast %broadcast_in_dim3A_32 : vector<1x256xf32> to vector<2000x256xf32>
    %add3A_34 = arith.addf %mul3A_31, %add3A_33 : vector<2000x256xf32>
    %max3A = arith.constant 0.000000e+00 : f32
    %max3A_35 = vector.broadcast %max3A : f32 to vector<2000x256xf32>
    %max3A_36 = arith.maximumf %add3A_34, %max3A_35 : vector<2000x256xf32>
    %slice3A_37 = vector.extract_strided_slice %max3A_36 {offsets = [0, 0], sizes = [2000, 128], strides = [1, 1]} : vector<2000x256xf32> to vector<2000x128xf32>
    %swap3A = arith.constant 0 : index
    %swap3A_38 = arith.constant 0 : index
    %swap3A_39 = arith.constant 0 : index
    %swap3A_40 = vector.load %arg5[%swap3A, %swap3A_38, %swap3A_39] : memref<2x2000x128xf32, #tpu.memory_space<vmem>>, vector<1x2000x128xf32>
    %swap3A_41 = vector.shape_cast %swap3A_40 : vector<1x2000x128xf32> to vector<2000x128xf32>
    %swap3A_42 = vector.shape_cast %slice3A_37 : vector<2000x128xf32> to vector<1x2000x128xf32>
    tpu.vector_store %arg5[%swap3A, %swap3A_38, %swap3A_39], %swap3A_42 {strides = array<i32>} : memref<2x2000x128xf32, #tpu.memory_space<vmem>>, vector<1x2000x128xf32>,
    %slice3A_43 = vector.extract_strided_slice %max3A_36 {offsets = [0, 128], sizes = [2000, 128], strides = [1, 1]} : vector<2000x256xf32> to vector<2000x128xf32>
    %swap3A_44 = arith.constant 1 : index
    %swap3A_45 = arith.constant 0 : index
    %swap3A_46 = arith.constant 0 : index
    %swap3A_47 = vector.load %arg5[%swap3A_44, %swap3A_45, %swap3A_46] : memref<2x2000x128xf32, #tpu.memory_space<vmem>>, vector<1x2000x128xf32>
    %swap3A_48 = vector.shape_cast %swap3A_47 : vector<1x2000x128xf32> to vector<2000x128xf32>
    %swap3A_49 = vector.shape_cast %slice3A_43 : vector<2000x128xf32> to vector<1x2000x128xf32>
    tpu.vector_store %arg5[%swap3A_44, %swap3A_45, %swap3A_46], %swap3A_49 {strides = array<i32>} : memref<2x2000x128xf32, #tpu.memory_space<vmem>>, vector<1x2000x128xf32>,
    return
  }
  func.func @transform_0(%arg0: i32) -> (i32, i32) {
    %c0_i32 = arith.constant 0 : i32
    %c0_i32_0 = arith.constant 0 : i32
    return %arg0, %c0_i32 : i32, i32
  }
  func.func @transform_1(%arg0: i32) -> (i32, i32) {
    %c0_i32 = arith.constant 0 : i32
    %c0_i32_0 = arith.constant 0 : i32
    %c0_i32_1 = arith.constant 0 : i32
    return %c0_i32, %c0_i32_0 : i32, i32
  }
  func.func @transform_2(%arg0: i32) -> (i32, i32) {
    %c0_i32 = arith.constant 0 : i32
    %c0_i32_0 = arith.constant 0 : i32
    %c0_i32_1 = arith.constant 0 : i32
    return %c0_i32, %c0_i32_0 : i32, i32
  }
  func.func @transform_3(%arg0: i32) -> (i32, i32) {
    %c0_i32 = arith.constant 0 : i32
    %c0_i32_0 = arith.constant 0 : i32
    %c0_i32_1 = arith.constant 0 : i32
    return %c0_i32, %c0_i32_0 : i32, i32
  }
  func.func @transform_4(%arg0: i32) -> (i32, i32, i32) {
    %c0_i32 = arith.constant 0 : i32
    %c0_i32_0 = arith.constant 0 : i32
    %c0_i32_1 = arith.constant 0 : i32
    return %c0_i32, %arg0, %c0_i32_0 : i32, i32, i32
  }
}

module attributes {stable_mosaic.version = 14 : i64} {
  func.func @_tc_readout_body(%arg0: i32, %arg1: memref<2x2000x128xf32, #tpu.memory_space<vmem>>, %arg2: memref<2x2000x128xf32, #tpu.memory_space<vmem>>, %arg3: memref<2x2000x128xf32, #tpu.memory_space<vmem>>, %arg4: memref<2x2000x128xf32, #tpu.memory_space<vmem>>, %arg5: memref<2x2000x128xf32, #tpu.memory_space<vmem>>, %arg6: memref<5x256x256xf32, #tpu.memory_space<vmem>>, %arg7: memref<1x256xf32, #tpu.memory_space<vmem>>, %arg8: memref<256x128xf32, #tpu.memory_space<vmem>>, %arg9: memref<1x128xf32, #tpu.memory_space<vmem>>, %arg10: memref<2000x128xf32, #tpu.memory_space<vmem>>) attributes {dimension_semantics = [#tpu.dimension_semantics<arbitrary>], iteration_bounds = array<i64: 5>, scalar_prefetch = 0 : i64, scratch_operands = 0 : i64, tpu.core_type = #tpu.core_type<tc>, window_params = [{transform_indices = @transform_0, window_bounds = array<i64: 2, 2000, 128>}, {transform_indices = @transform_1, window_bounds = array<i64: 2, 2000, 128>}, {transform_indices = @transform_2, window_bounds = array<i64: 2, 2000, 128>}, {transform_indices = @transform_3, window_bounds = array<i64: 2, 2000, 128>}, {transform_indices = @transform_4, window_bounds = array<i64: 2, 2000, 128>}, {pipeline_mode = #tpu.pipeline_mode<synchronous>, transform_indices = @transform_5, window_bounds = array<i64: 5, 256, 256>}, {pipeline_mode = #tpu.pipeline_mode<synchronous>, transform_indices = @transform_6, window_bounds = array<i64: 1, 256>}, {pipeline_mode = #tpu.pipeline_mode<synchronous>, transform_indices = @transform_7, window_bounds = array<i64: 256, 128>}, {pipeline_mode = #tpu.pipeline_mode<synchronous>, transform_indices = @transform_8, window_bounds = array<i64: 1, 128>}, {transform_indices = @transform_9, window_bounds = array<i64: 2000, 128>}]} {
    %get3A = arith.constant 0 : index
    %get3A_0 = arith.constant 0 : index
    %get3A_1 = vector.load %arg7[%get3A, %get3A_0] : memref<1x256xf32, #tpu.memory_space<vmem>>, vector<1x256xf32>
    %get3A_2 = vector.shape_cast %get3A_1 : vector<1x256xf32> to vector<256xf32>
    %broadcast_in_dim3A = vector.shape_cast %get3A_2 : vector<256xf32> to vector<1x256xf32>
    %broadcast_in_dim3A_3 = vector.broadcast %broadcast_in_dim3A : vector<1x256xf32> to vector<2000x256xf32>
    %get3A_4 = arith.constant 0 : index
    %get3A_5 = arith.constant 0 : index
    %get3A_6 = arith.constant 0 : index
    %get3A_7 = vector.load %arg1[%get3A_4, %get3A_5, %get3A_6] : memref<2x2000x128xf32, #tpu.memory_space<vmem>>, vector<1x2000x128xf32>
    %get3A_8 = vector.shape_cast %get3A_7 : vector<1x2000x128xf32> to vector<2000x128xf32>
    %get3A_9 = arith.constant 1 : index
    %get3A_10 = arith.constant 0 : index
    %get3A_11 = arith.constant 0 : index
    %get3A_12 = vector.load %arg1[%get3A_9, %get3A_10, %get3A_11] : memref<2x2000x128xf32, #tpu.memory_space<vmem>>, vector<1x2000x128xf32>
    %get3A_13 = vector.shape_cast %get3A_12 : vector<1x2000x128xf32> to vector<2000x128xf32>
    %concatenate3A = tpu.concatenate %get3A_8, %get3A_13 in 1 : vector<2000x128xf32>, vector<2000x128xf32> -> vector<2000x256xf32>
    %get3A_14 = arith.constant 0 : index
    %get3A_15 = arith.constant 0 : index
    %get3A_16 = arith.constant 0 : index
    %get3A_17 = vector.load %arg6[%get3A_14, %get3A_15, %get3A_16] : memref<5x256x256xf32, #tpu.memory_space<vmem>>, vector<1x256x256xf32>
    %get3A_18 = vector.shape_cast %get3A_17 : vector<1x256x256xf32> to vector<256x256xf32>
    %dot_general3A = arith.constant dense<0.000000e+00> : vector<2000x256xf32>
    %dot_general3A_19 = tpu.matmul %concatenate3A, %get3A_18, %dot_general3A {dimension_numbers = #tpu.dot_dimension_numbers<[1], [0], [0], [1], [0, 0, 1, 1], [], []>, transpose_lhs_hint = false} : vector<2000x256xf32>, vector<256x256xf32>, vector<2000x256xf32> -> vector<2000x256xf32>
    %add3A = arith.addf %broadcast_in_dim3A_3, %dot_general3A_19 : vector<2000x256xf32>
    %get3A_20 = arith.constant 0 : index
    %get3A_21 = arith.constant 0 : index
    %get3A_22 = arith.constant 0 : index
    %get3A_23 = vector.load %arg2[%get3A_20, %get3A_21, %get3A_22] : memref<2x2000x128xf32, #tpu.memory_space<vmem>>, vector<1x2000x128xf32>
    %get3A_24 = vector.shape_cast %get3A_23 : vector<1x2000x128xf32> to vector<2000x128xf32>
    %get3A_25 = arith.constant 1 : index
    %get3A_26 = arith.constant 0 : index
    %get3A_27 = arith.constant 0 : index
    %get3A_28 = vector.load %arg2[%get3A_25, %get3A_26, %get3A_27] : memref<2x2000x128xf32, #tpu.memory_space<vmem>>, vector<1x2000x128xf32>
    %get3A_29 = vector.shape_cast %get3A_28 : vector<1x2000x128xf32> to vector<2000x128xf32>
    %concatenate3A_30 = tpu.concatenate %get3A_24, %get3A_29 in 1 : vector<2000x128xf32>, vector<2000x128xf32> -> vector<2000x256xf32>
    %get3A_31 = arith.constant 1 : index
    %get3A_32 = arith.constant 0 : index
    %get3A_33 = arith.constant 0 : index
    %get3A_34 = vector.load %arg6[%get3A_31, %get3A_32, %get3A_33] : memref<5x256x256xf32, #tpu.memory_space<vmem>>, vector<1x256x256xf32>
    %get3A_35 = vector.shape_cast %get3A_34 : vector<1x256x256xf32> to vector<256x256xf32>
    %dot_general3A_36 = arith.constant dense<0.000000e+00> : vector<2000x256xf32>
    %dot_general3A_37 = tpu.matmul %concatenate3A_30, %get3A_35, %dot_general3A_36 {dimension_numbers = #tpu.dot_dimension_numbers<[1], [0], [0], [1], [0, 0, 1, 1], [], []>, transpose_lhs_hint = false} : vector<2000x256xf32>, vector<256x256xf32>, vector<2000x256xf32> -> vector<2000x256xf32>
    %add3A_38 = arith.addf %add3A, %dot_general3A_37 : vector<2000x256xf32>
    %get3A_39 = arith.constant 0 : index
    %get3A_40 = arith.constant 0 : index
    %get3A_41 = arith.constant 0 : index
    %get3A_42 = vector.load %arg3[%get3A_39, %get3A_40, %get3A_41] : memref<2x2000x128xf32, #tpu.memory_space<vmem>>, vector<1x2000x128xf32>
    %get3A_43 = vector.shape_cast %get3A_42 : vector<1x2000x128xf32> to vector<2000x128xf32>
    %get3A_44 = arith.constant 1 : index
    %get3A_45 = arith.constant 0 : index
    %get3A_46 = arith.constant 0 : index
    %get3A_47 = vector.load %arg3[%get3A_44, %get3A_45, %get3A_46] : memref<2x2000x128xf32, #tpu.memory_space<vmem>>, vector<1x2000x128xf32>
    %get3A_48 = vector.shape_cast %get3A_47 : vector<1x2000x128xf32> to vector<2000x128xf32>
    %concatenate3A_49 = tpu.concatenate %get3A_43, %get3A_48 in 1 : vector<2000x128xf32>, vector<2000x128xf32> -> vector<2000x256xf32>
    %get3A_50 = arith.constant 2 : index
    %get3A_51 = arith.constant 0 : index
    %get3A_52 = arith.constant 0 : index
    %get3A_53 = vector.load %arg6[%get3A_50, %get3A_51, %get3A_52] : memref<5x256x256xf32, #tpu.memory_space<vmem>>, vector<1x256x256xf32>
    %get3A_54 = vector.shape_cast %get3A_53 : vector<1x256x256xf32> to vector<256x256xf32>
    %dot_general3A_55 = arith.constant dense<0.000000e+00> : vector<2000x256xf32>
    %dot_general3A_56 = tpu.matmul %concatenate3A_49, %get3A_54, %dot_general3A_55 {dimension_numbers = #tpu.dot_dimension_numbers<[1], [0], [0], [1], [0, 0, 1, 1], [], []>, transpose_lhs_hint = false} : vector<2000x256xf32>, vector<256x256xf32>, vector<2000x256xf32> -> vector<2000x256xf32>
    %add3A_57 = arith.addf %add3A_38, %dot_general3A_56 : vector<2000x256xf32>
    %get3A_58 = arith.constant 0 : index
    %get3A_59 = arith.constant 0 : index
    %get3A_60 = arith.constant 0 : index
    %get3A_61 = vector.load %arg4[%get3A_58, %get3A_59, %get3A_60] : memref<2x2000x128xf32, #tpu.memory_space<vmem>>, vector<1x2000x128xf32>
    %get3A_62 = vector.shape_cast %get3A_61 : vector<1x2000x128xf32> to vector<2000x128xf32>
    %get3A_63 = arith.constant 1 : index
    %get3A_64 = arith.constant 0 : index
    %get3A_65 = arith.constant 0 : index
    %get3A_66 = vector.load %arg4[%get3A_63, %get3A_64, %get3A_65] : memref<2x2000x128xf32, #tpu.memory_space<vmem>>, vector<1x2000x128xf32>
    %get3A_67 = vector.shape_cast %get3A_66 : vector<1x2000x128xf32> to vector<2000x128xf32>
    %concatenate3A_68 = tpu.concatenate %get3A_62, %get3A_67 in 1 : vector<2000x128xf32>, vector<2000x128xf32> -> vector<2000x256xf32>
    %get3A_69 = arith.constant 3 : index
    %get3A_70 = arith.constant 0 : index
    %get3A_71 = arith.constant 0 : index
    %get3A_72 = vector.load %arg6[%get3A_69, %get3A_70, %get3A_71] : memref<5x256x256xf32, #tpu.memory_space<vmem>>, vector<1x256x256xf32>
    %get3A_73 = vector.shape_cast %get3A_72 : vector<1x256x256xf32> to vector<256x256xf32>
    %dot_general3A_74 = arith.constant dense<0.000000e+00> : vector<2000x256xf32>
    %dot_general3A_75 = tpu.matmul %concatenate3A_68, %get3A_73, %dot_general3A_74 {dimension_numbers = #tpu.dot_dimension_numbers<[1], [0], [0], [1], [0, 0, 1, 1], [], []>, transpose_lhs_hint = false} : vector<2000x256xf32>, vector<256x256xf32>, vector<2000x256xf32> -> vector<2000x256xf32>
    %add3A_76 = arith.addf %add3A_57, %dot_general3A_75 : vector<2000x256xf32>
    %get3A_77 = arith.constant 0 : index
    %get3A_78 = arith.constant 0 : index
    %get3A_79 = arith.constant 0 : index
    %get3A_80 = vector.load %arg5[%get3A_77, %get3A_78, %get3A_79] : memref<2x2000x128xf32, #tpu.memory_space<vmem>>, vector<1x2000x128xf32>
    %get3A_81 = vector.shape_cast %get3A_80 : vector<1x2000x128xf32> to vector<2000x128xf32>
    %get3A_82 = arith.constant 1 : index
    %get3A_83 = arith.constant 0 : index
    %get3A_84 = arith.constant 0 : index
    %get3A_85 = vector.load %arg5[%get3A_82, %get3A_83, %get3A_84] : memref<2x2000x128xf32, #tpu.memory_space<vmem>>, vector<1x2000x128xf32>
    %get3A_86 = vector.shape_cast %get3A_85 : vector<1x2000x128xf32> to vector<2000x128xf32>
    %concatenate3A_87 = tpu.concatenate %get3A_81, %get3A_86 in 1 : vector<2000x128xf32>, vector<2000x128xf32> -> vector<2000x256xf32>
    %get3A_88 = arith.constant 4 : index
    %get3A_89 = arith.constant 0 : index
    %get3A_90 = arith.constant 0 : index
    %get3A_91 = vector.load %arg6[%get3A_88, %get3A_89, %get3A_90] : memref<5x256x256xf32, #tpu.memory_space<vmem>>, vector<1x256x256xf32>
    %get3A_92 = vector.shape_cast %get3A_91 : vector<1x256x256xf32> to vector<256x256xf32>
    %dot_general3A_93 = arith.constant dense<0.000000e+00> : vector<2000x256xf32>
    %dot_general3A_94 = tpu.matmul %concatenate3A_87, %get3A_92, %dot_general3A_93 {dimension_numbers = #tpu.dot_dimension_numbers<[1], [0], [0], [1], [0, 0, 1, 1], [], []>, transpose_lhs_hint = false} : vector<2000x256xf32>, vector<256x256xf32>, vector<2000x256xf32> -> vector<2000x256xf32>
    %add3A_95 = arith.addf %add3A_76, %dot_general3A_94 : vector<2000x256xf32>
    %max3A = arith.constant 0.000000e+00 : f32
    %max3A_96 = vector.broadcast %max3A : f32 to vector<2000x256xf32>
    %max3A_97 = arith.maximumf %add3A_95, %max3A_96 : vector<2000x256xf32>
    %get3A_98 = arith.constant 0 : index
    %get3A_99 = arith.constant 0 : index
    %get3A_100 = vector.load %arg8[%get3A_98, %get3A_99] : memref<256x128xf32, #tpu.memory_space<vmem>>, vector<256x128xf32>
    %dot_general3A_101 = arith.constant dense<0.000000e+00> : vector<2000x128xf32>
    %dot_general3A_102 = tpu.matmul %max3A_97, %get3A_100, %dot_general3A_101 {dimension_numbers = #tpu.dot_dimension_numbers<[1], [0], [0], [1], [0, 0, 1, 1], [], []>, transpose_lhs_hint = false} : vector<2000x256xf32>, vector<256x128xf32>, vector<2000x128xf32> -> vector<2000x128xf32>
    %get3A_103 = arith.constant 0 : index
    %get3A_104 = arith.constant 0 : index
    %get3A_105 = vector.load %arg9[%get3A_103, %get3A_104] : memref<1x128xf32, #tpu.memory_space<vmem>>, vector<1x128xf32>
    %get3A_106 = vector.shape_cast %get3A_105 : vector<1x128xf32> to vector<128xf32>
    %broadcast_in_dim3A_107 = vector.shape_cast %get3A_106 : vector<128xf32> to vector<1x128xf32>
    %add3A_108 = vector.broadcast %broadcast_in_dim3A_107 : vector<1x128xf32> to vector<2000x128xf32>
    %add3A_109 = arith.addf %dot_general3A_102, %add3A_108 : vector<2000x128xf32>
    %swap3A = arith.constant 0 : index
    %swap3A_110 = arith.constant 0 : index
    %swap3A_111 = vector.load %arg10[%swap3A, %swap3A_110] : memref<2000x128xf32, #tpu.memory_space<vmem>>, vector<2000x128xf32>
    tpu.vector_store %arg10[%swap3A, %swap3A_110], %add3A_109 {strides = array<i32>} : memref<2000x128xf32, #tpu.memory_space<vmem>>, vector<2000x128xf32>,
    return
  }
  func.func @transform_0(%arg0: i32) -> (i32, i32, i32) {
    %c0_i32 = arith.constant 0 : i32
    %c0_i32_0 = arith.constant 0 : i32
    %c0_i32_1 = arith.constant 0 : i32
    return %c0_i32, %arg0, %c0_i32_0 : i32, i32, i32
  }
  func.func @transform_1(%arg0: i32) -> (i32, i32, i32) {
    %c0_i32 = arith.constant 0 : i32
    %c0_i32_0 = arith.constant 0 : i32
    %c0_i32_1 = arith.constant 0 : i32
    return %c0_i32, %arg0, %c0_i32_0 : i32, i32, i32
  }
  func.func @transform_2(%arg0: i32) -> (i32, i32, i32) {
    %c0_i32 = arith.constant 0 : i32
    %c0_i32_0 = arith.constant 0 : i32
    %c0_i32_1 = arith.constant 0 : i32
    return %c0_i32, %arg0, %c0_i32_0 : i32, i32, i32
  }
  func.func @transform_3(%arg0: i32) -> (i32, i32, i32) {
    %c0_i32 = arith.constant 0 : i32
    %c0_i32_0 = arith.constant 0 : i32
    %c0_i32_1 = arith.constant 0 : i32
    return %c0_i32, %arg0, %c0_i32_0 : i32, i32, i32
  }
  func.func @transform_4(%arg0: i32) -> (i32, i32, i32) {
    %c0_i32 = arith.constant 0 : i32
    %c0_i32_0 = arith.constant 0 : i32
    %c0_i32_1 = arith.constant 0 : i32
    return %c0_i32, %arg0, %c0_i32_0 : i32, i32, i32
  }
  func.func @transform_5(%arg0: i32) -> (i32, i32, i32) {
    %c0_i32 = arith.constant 0 : i32
    %c0_i32_0 = arith.constant 0 : i32
    %c0_i32_1 = arith.constant 0 : i32
    %c0_i32_2 = arith.constant 0 : i32
    return %c0_i32, %c0_i32_0, %c0_i32_1 : i32, i32, i32
  }
  func.func @transform_6(%arg0: i32) -> (i32, i32) {
    %c0_i32 = arith.constant 0 : i32
    %c0_i32_0 = arith.constant 0 : i32
    %c0_i32_1 = arith.constant 0 : i32
    return %c0_i32, %c0_i32_0 : i32, i32
  }
  func.func @transform_7(%arg0: i32) -> (i32, i32) {
    %c0_i32 = arith.constant 0 : i32
    %c0_i32_0 = arith.constant 0 : i32
    %c0_i32_1 = arith.constant 0 : i32
    return %c0_i32, %c0_i32_0 : i32, i32
  }
  func.func @transform_8(%arg0: i32) -> (i32, i32) {
    %c0_i32 = arith.constant 0 : i32
    %c0_i32_0 = arith.constant 0 : i32
    %c0_i32_1 = arith.constant 0 : i32
    return %c0_i32, %c0_i32_0 : i32, i32
  }
  func.func @transform_9(%arg0: i32) -> (i32, i32) {
    %c0_i32 = arith.constant 0 : i32
    %c0_i32_0 = arith.constant 0 : i32
    return %arg0, %c0_i32 : i32, i32
  }
}

</mosaic_0001>

<sc_bundles>
// kernel: kernel.20.cloned.1.call-start
scs
__scs_entry_jumppad:
0x0: {  	(pc) =	sbr.rel $0x88, $3  }
0x1: {  	(tag) =	ssettag $0x0;
	lr =	simm.s32 $0x1  }
0x2: {  	[smem:$0x3F93] =	sst lr;
	_ =	strace $0xD0000000  }
0x3: {  	_ = 	snop  }
0x4: {  	_ = 	snop  }
0x5: {  	_ = 	snop  }
0x6: {  	_ = 	snop  }
0x7: {  	_ = 	snop  }
__scs_overlays_trampoline_lowered:
0x8: {  	[smem:$0x3FA2] =	sst s0  }
0x9: {  	[smem:$0x3FA3] =	sst s1  }
0xa: {  	[smem:$0x3FA4] =	sst s2  }
0xb: {  	[smem:$0x3FA5] =	sst s3  }
0xc: {  	[smem:$0x3FA6] =	sst s4  }
0xd: {  	[smem:$0x3FA7] =	sst s5  }
0xe: {  	[smem:$0x3FA8] =	sst s6  }
0xf: {  	[smem:$0x3FA9] =	sst s7  }
0x10: {  	[smem:$0x3FAA] =	sst s8  }
0x11: {  	[smem:$0x3FAB] =	sst s9;
	s0 =	simm.s32 @!p0 $0x0  }
0x12: {  	s1 =	sld [smem:$0x3F91];
	s0 =	simm.s32 @p0 $0x1  }
0x13: {  	[smem:$0x3FAC] =	sst s0;
	s0 =	simm.s32 @!p1 $0x0  }
0x14: {  	s2 =	sld [smem:$0x3F90];
	s0 =	simm.s32 @p1 $0x1  }
0x15: {  	[smem:$0x3FAD] =	sst s0;
	s0 =	simm.s32 @!p2 $0x0  }
0x16: {  	s3 =	sld [smem:$0x3FDB];
	s0 =	simm.s32 @p2 $0x1  }
0x17: {  	s4 =	simm.s32 $0x1BF5;
	[smem:$0x3FAF] =	sst s0  }
0x18: {  	s0 =	sld [smem:$0x3F92];
	_ =	swait.ge [sflag:s4], $0x0  }
0x19: {  	s7 =	sld [smem:$0x3F93]  }
0x1a: {  	s8 =	sadd.s32 $0xFFFFE003, lr  }
0x1b: {  	s9 =	sadd.s32 $0xFFFFFEF7, lr;
	s5 =	simm.s32 $0xFFFFFFFF;
	p2 =	slt.u32 s8, $0xFFFFF086  }
0x1c: {  	p1 =	slt.u32 s9, $0xF7A;
	s5 =	simm.s32 @!p2 $0x0  }
0x1d: {  	s5 =	simm.s32 @p1 $0x1;
	p0 =	seq.s32 s7, s2  }
0x1e: {  	s7 =	smul.u32 @!p0 $0xF7A, s2;
	p2 =	seq.s32 @!p0 s5, $0x0  }
0x1f: {  	s9 =	smul.u32 $0xF7A, s1;
	s8 =	simm.s32 @!p0 $0x1BF5;
	p2 =	por !p2, p0  }
0x20: {  	[sflag:s8] =	ssyncset.s32 @!p0 $0xFFFFF086;
	s6 =	sadd.s32 @!p0 s3, s7;
	s7 =	simm.s32 @!p0 $0x108  }
0x21: {  	s3 =	sadd.s32 s3, s9;
	s6 =	sadd.s32 @!p0 $0x88, s6;
	s7 =	simm.s32 @p2 $0x1082  }
0x22: {  	[simem:s7], [sflag:s8] =	dma.local @!p0 [hbm:s6], $0xF7A  }
0x23: {  	s9 =	sor.u32 $0xD0000000, s2;
	s6 =	simm.s32 $0x108;
	_ =	swait.ge @!p0 [sflag:s8], $0x0  }
0x24: {  	s3 =	sadd.s32 $0x88, s3;
	s6 =	simm.s32 @!p1 $0x1082;
	[sflag:s4] =	ssyncset.s32 $0xFFFFF086  }
0x25: {  	[simem:s6], [sflag:s4] =	dma.local [hbm:s3], $0xF7A  }
0x26: {  	[smem:$0x3F93] =	sst s1;
	(tag) =	ssettag s2;
	_ =	strace s9  }
0x27: {  	s1 =	sld [smem:$0x3FA3]  }
0x28: {  	s2 =	sld [smem:$0x3FA4]  }
0x29: {  	s4 =	sld [smem:$0x3FA6]  }
0x2a: {  	p0 =	seq.s32 s5, $0x0;
	s5 =	sld [smem:$0x3FA7]  }
0x2b: {  	s6 =	sld [smem:$0x3FA8]  }
0x2c: {  	s7 =	sld [smem:$0x3FA9]  }
0x2d: {  	s3 =	simm.s32 $0x108;
	s8 =	sld [smem:$0x3FAA]  }
0x2e: {  	s3 =	simm.s32 @!p0 $0x1082;
	s9 =	sld [smem:$0x3FAB]  }
0x2f: {  	lr =	sadd.s32 s0, s3;
	s0 =	sld [smem:$0x3FA2]  }
0x30: {  	s3 =	sld [smem:$0x3FA5]  }
0x31: {  	[smem:$0x3FAE] =	sst s10  }
0x32: {  	s10 =	sld [smem:$0x3FAC];
	_ =	sdelay $0x3  }
0x33: {  	p0 =	seq.s32 s10, $0x1;
	s10 =	sld [smem:$0x3FAE];
	_ =	sdelay $0x3  }
0x34: {  	[smem:$0x3FAE] =	sst s10  }
0x35: {  	s10 =	sld [smem:$0x3FAD];
	_ =	sdelay $0x3  }
0x36: {  	p1 =	seq.s32 s10, $0x1;
	s10 =	sld [smem:$0x3FAE];
	_ =	sdelay $0x3  }
0x37: {  	[smem:$0x3FAE] =	sst s10  }
0x38: {  	s10 =	sld [smem:$0x3FAF]  }
0x39: {  	_ = 	snop;
	(pc) =	sbr.ind lr, $3  }
0x3a: {  	_ = 	snop  }
0x3b: {  	_ = 	snop  }
0x3c: {  	p2 =	seq.s32 s10, $0x1;
	s10 =	sld [smem:$0x3FAE]  }
0x3d: {  	_ =	shalt  }
0x3e: {  	_ =	shalt  }
0x3f: {  	_ =	shalt  }
0x40: {  	_ =	shalt  }
0x41: {  	_ =	shalt  }
0x42: {  	_ =	shalt  }
0x43: {  	_ =	shalt  }
0x44: {  	_ =	shalt  }
0x45: {  	_ =	shalt  }
0x46: {  	_ =	shalt  }
0x47: {  	_ =	shalt  }
0x48: {  	_ =	shalt  }
0x49: {  	_ =	shalt  }
0x4a: {  	_ =	shalt  }
0x4b: {  	_ =	shalt  }
0x4c: {  	_ =	shalt  }
0x4d: {  	_ =	shalt  }
0x4e: {  	_ =	shalt  }
0x4f: {  	_ =	shalt  }
0x50: {  	_ =	shalt  }
0x51: {  	_ =	shalt  }
0x52: {  	_ =	shalt  }
0x53: {  	_ =	shalt  }
0x54: {  	_ =	shalt  }
0x55: {  	_ =	shalt  }
0x56: {  	_ =	shalt  }
0x57: {  	_ =	shalt  }
0x58: {  	_ =	shalt  }
0x59: {  	_ =	shalt  }
0x5a: {  	_ =	shalt  }
0x5b: {  	_ =	shalt  }
0x5c: {  	_ =	shalt  }
0x5d: {  	_ =	shalt  }
0x5e: {  	_ =	shalt  }
0x5f: {  	_ =	shalt  }
0x60: {  	_ =	shalt  }
0x61: {  	_ =	shalt  }
0x62: {  	_ =	shalt  }
0x63: {  	_ =	shalt  }
0x64: {  	_ =	shalt  }
0x65: {  	_ =	shalt  }
0x66: {  	_ =	shalt  }
0x67: {  	_ =	shalt  }
0x68: {  	_ =	shalt  }
0x69: {  	_ =	shalt  }
0x6a: {  	_ =	shalt  }
0x6b: {  	_ =	shalt  }
0x6c: {  	_ =	shalt  }
0x6d: {  	_ =	shalt  }
0x6e: {  	_ =	shalt  }
0x6f: {  	_ =	shalt  }
0x70: {  	_ =	shalt  }
0x71: {  	_ =	shalt  }
0x72: {  	_ =	shalt  }
0x73: {  	_ =	shalt  }
0x74: {  	_ =	shalt  }
0x75: {  	_ =	shalt  }
0x76: {  	_ =	shalt  }
0x77: {  	_ =	shalt  }
0x78: {  	_ =	shalt  }
0x79: {  	_ =	shalt  }
0x7a: {  	_ =	shalt  }
0x7b: {  	_ =	shalt  }
0x7c: {  	_ =	shalt  }
0x7d: {  	_ =	shalt  }
0x7e: {  	_ =	shalt  }
0x7f: {  	_ =	shalt  }
0x80: {  	_ =	shalt  }
0x81: {  	_ =	shalt  }
0x82: {  	_ =	shalt  }
0x83: {  	_ =	shalt  }
0x84: {  	_ =	shalt  }
0x85: {  	_ =	shalt  }
0x86: {  	_ =	shalt  }
0x87: {  	_ =	shalt  }
.Lfunc_end0:
.L_simem_size_0:
called_computation_lowered:
.L_overlay_start_0:
0x88: {  	s2 =	sld [smem:$0x3FD9]  }
0x89: {  	s3 =	sld [smem:$0x3FFE];
	_ =	sdelay $0x1  }
0x8a: {  	s1 =	srdreg.scid  }
0x8b: {  	s0 =	sand.u32 $0x1, s1  }
0x8c: {  	s17 =	sshll.u32 s0, $0xA;
	s2 =	sadd.s32 s3, s2  }
0x8d: {  	s2 =	sadd.s32 s2, s17  }
0x8e: {  	[smem:$0x3FBA] =	sst s2  }
0x8f: {  	_ = 	snop  }
0x90: {  	s2 =	sld [smem:$0x3FC7]  }
0x91: {  	s18 =	sld [smem:$0x3FC6];
	(tm) =	ssettm $0x1  }
0x92: {  	s4 =	sld [smem:$0x3FFB];
	_ =	sdelay $0x3  }
0x93: {  	_ =	strace s4  }
0x94: {  	s4 =	sld [smem:$0x3FFC];
	_ =	sdelay $0x3  }
0x95: {  	_ =	strace s4  }
0x96: {  	s4 =	sld [smem:$0x3FFD];
	_ =	sdelay $0x3  }
0x97: {  	_ =	strace s4  }
0x98: {  	_ =	strace $0x8FFFFFFF  }
0x99: {  	s19 =	sld [smem:$0x3FDB];
	_ =	sdelay $0x1  }
0x9a: {  	s5 =	simm.s32 $_scs_section_size  }
0x9b: {  	s6 =	simm.s32 $_size__tile_overlayer_lowered;
	s7 =	simm.s32 $_tile_overlayer_lowered  }
0x9c: {  	s22 =	simm.s32 $0x1BFF;
	s21 =	sshll.u32 s7, $0x1;
	s4 =	sadd.s32 s5, s19  }
0x9d: {  	s8 =	simm.s32 $0x0;
	s20 =	sshll.u32 s6, $0x1;
	s6 =	sadd.s32 s21, s4  }
0x9e: {  	[timem:s8], [sflag:s22] =	dma.local [hbm:s6], s20  }
0x9f: {  	_ =	swait.ge [sflag:s22], s20  }
0xa0: {  	s5 =	ssub.s32 $0x0, s20;
	[sflag:s22] =	ssyncset.done $0x0  }
0xa1: {  	[sflag:s22] =	ssyncadd.s32 s5;
	_ =	sdelay $0x1  }
0xa2: {  	s23 =	simm.s32 $0x1B8B  }
0xa3: {  	_ =	swait.ge [sflag:s23], $0x1  }
0xa4: {  	[sflag:s23] =	ssyncset.done $0x0  }
0xa5: {  	s25 =	simm.s32 $0x1B8E;
	s24 =	sld [smem:$0x3FFE];
	[sflag:s23] =	ssyncadd.s32 $0xFFFFFFFF  }
0xa6: {  	s26 =	simm.s32 $execute0_lowered;
	[smem:$0x3FD2] =	sst s25  }
0xa7: {  	s6 =	sshll.u32 s26, $0x1;
	_ =	strace $0x80000046;
	[dreg:$0x1] =	wrdreg $0xFFFFFFFF  }
0xa8: {  	s28 =	simm.s32 $_size_execute0_lowered;
	s4 =	sadd.s32 s4, s6;
	[dreg:$0x0] =	wrdreg $0x0  }
0xa9: {  	s6 =	sshll.u32 s28, $0x1;
	[dreg:$0x2] =	wrdreg s4  }
0xaa: {  	[dreg:$0x3] =	wrdreg s6  }
0xab: {  	[dreg:$0x4] =	wrdreg $0xC0  }
0xac: {  	_ =	task [dreg:s8], $0x5FFFF  }
0xad: {  	[dreg:$0x1] =	wrdreg $0xFFFFFFFF  }
0xae: {  	[dreg:$0x0] =	wrdreg $0x60  }
0xaf: {  	[dreg:$0x2] =	wrdreg s24  }
0xb0: {  	[dreg:$0x3] =	wrdreg s18  }
0xb1: {  	[dreg:$0x4] =	wrdreg s2  }
0xb2: {  	[dreg:$0x5] =	wrdreg $0x9  }
0xb3: {  	_ =	task.clear_ibuf [dreg:s8], $0x6FFFF;
	_ =	strace $0x90000046  }
0xb4: {  	s29 =	simm.s32 $0x9;
	_ =	strace $0x80000048  }
0xb5: {  	_ =	swait.ge [sflag:s29], $0x1  }
0xb6: {  	[sflag:s29] =	ssyncadd.s32 $0xFFFFFFFF  }
0xb7: {  	_ =	strace $0x90000048  }
0xb8: {  	_ =	sfence  }
0xb9: {  	s30 =	sld [smem:$0x0];
	_ =	sdelay $0x2  }
0xba: {  	s31 =	sshll.u32 s1, $0xD;
	s1 =	sshrl.u32 s1, $0x2  }
0xbb: {  	s3 =	sand.u32 $0x4000, s31;
	s1 =	sadd.s32 s1, s30  }
0xbc: {  	s0 =	sor.u32 s3, s0;
	s1 =	sshll.u32 s1, $0x11  }
0xbd: {  	s0 =	sor.u32 s1, s0  }
0xbe: {  	s0 =	sadd.s32 $0x8F2B, s0  }
0xbf: {  	[sflag:s0] =	ssyncadd.remote.s32 $0x1  }
0xc0: {  	_ =	sfence.sel $0xFFFF  }
0xc1: {  	[dreg:$0x0] =	wrdreg $0xFFFFFFFF;
	(pc) =	sbr.abs _section_cstart, $3  }
0xc2: {  	[dreg:$0x1] =	wrdreg $0xFFFFFFFF  }
0xc3: {  	_ =	task.clear_ibuf [dreg:s8], $0x2FFFF;
	_ =	strace $0x9FFFFFFF  }
0xc4: {  	(tm) =	ssettm $0x7FFFFFFF  }
0xc5: {  	_ =	shalt  }
tec
execute0_lowered:
.L_overlay_start_1:
0x0: {  	(tag) =	ssettag $0x1  }
0x1: {  	s0 =	rddreg [dreg:$0x0]  }
0x2: {  	s1 =	rddreg [dreg:$0x1]  }
0x3: {  	s4 =	simm.s32 $0x0;
	s2 =	srdreg.scid;
	s7 =	stileid.u32  }
0x4: {  	s29 =	simm.s32 $0x800;
	s30 =	simm.s32 $0x1;
	s31 =	simm.s32 $0x40  }
0x5: {  	[smem:$0x7FF] =	sst s4;
	s2 =	sand.u32 $0x1, s2;
	s3 =	sshll.u32 s7, $0x8  }
0x6: {  	s7 =	smul.u32 $0x14000, s7;
	s28 =	sadd.s32 $0x8200, s0;
	s5 =	ssub.s32 $0x2, s2  }
0x7: {  	_ =	strace $0x80000047;
	s3 =	sadd.s32 s3, s0;
	s6 =	sshrl.u32 s5, $0x1  }
0x8: {  	p0 =	seq.s32 s2, $0x1;
	s7 =	sshrl.u32 s7, $0x3;
	s8 =	ssub.s32 s5, s6  }
0x9: {  	s5 =	sadd.s32 $0x7200, s3;
	s6 =	sadd.s32 $0x30200, s0;
	s9 =	sadd.s32 s28, s7  }
0xa: {  	s10 =	sor.u32 $0x400, s7;
	s12 =	sadd.s32 $0x800, s7;
	s13 =	sadd.s32 $0xC00, s7  }
0xb: {  	s16 =	sadd.s32 $0x1000, s7;
	s18 =	sadd.s32 $0x1400, s7;
	s19 =	sadd.s32 $0x1800, s7  }
.Ltmp0:
0xc: {  	s22 =	sadd.s32 $0x1C00, s7;
	s24 =	sadd.s32 $0x2000, s7;
	(pc) =	sbr.rel .LBB2_1-.Ltmp0, $4  }
0xd: {  	s25 =	sadd.s32 $0x2400, s7;
	s0 =	simm.s32 $0x0;
	s8 =	smax.u32 s8, $0x1  }
0xe: {  	s11 =	sadd.s32 s28, s10;
	s14 =	sadd.s32 s28, s12;
	s15 =	sadd.s32 s28, s13  }
0xf: {  	s17 =	sadd.s32 s28, s16;
	s20 =	sadd.s32 s28, s18;
	s21 =	sadd.s32 s28, s19  }
0x10: {  	s23 =	sadd.s32 s28, s22;
	s26 =	sadd.s32 s28, s24;
	s28 =	sadd.s32 s28, s25  }
.LBB2_2:
0x11: {  	[tilespmem:s4], [sflag:$0x1] =	stream.linear.gather [hbm4b:s5+s4], $0x500, $0x38;
	[tilespmem:$0x2800] =	vst v63  }
0x12: {  	_ =	swait.ge [sflag:s30], $0x500  }
0x13: {  	[sflag:s30] =	ssyncset.done $0x0  }
0x14: {  	[sflag:s30] =	ssyncadd.s32 $0xFFFFFB00  }
0x15: {  	[tilespmem:s29], [sflag:$0x1] =	stream.indirect.gather [hbm4b:s1+s31], $0x80, s4, s31, $0xb8;
	[tilespmem:$0x2800] =	vst v63  }
0x16: {  	_ =	swait.ge [sflag:s30], $0x2000  }
0x17: {  	[sflag:s30] =	ssyncset.done $0x0  }
0x18: {  	[sflag:s30] =	ssyncadd.s32 $0xFFFFE000  }
0x19: {  	[hbm4b:s9+s4] =	stream.linear.scatter [tilespmem:s29], [sflag:$0x1], $0x2000, $0x38;
	[tilespmem:$0x2800] =	vst v63  }
0x1a: {  	_ =	swait.ge [sflag:s30], $0x2000  }
0x1b: {  	[sflag:s30] =	ssyncset.done $0x0  }
0x1c: {  	s2 =	simm.s32 $0x80;
	[sflag:s30] =	ssyncadd.s32 $0xFFFFE000  }
0x1d: {  	[tilespmem:s29], [sflag:$0x1] =	stream.indirect.gather [hbm4b:s1+s31], $0x80, s2, s31, $0xb8;
	[tilespmem:$0x2800] =	vst v63  }
0x1e: {  	_ =	swait.ge [sflag:s30], $0x2000  }
0x1f: {  	[sflag:s30] =	ssyncset.done $0x0  }
0x20: {  	[sflag:s30] =	ssyncadd.s32 $0xFFFFE000  }
0x21: {  	[hbm4b:s11+s4] =	stream.linear.scatter [tilespmem:s29], [sflag:$0x1], $0x2000, $0x38;
	[tilespmem:$0x2800] =	vst v63  }
0x22: {  	_ =	swait.ge [sflag:s30], $0x2000  }
0x23: {  	[sflag:s30] =	ssyncset.done $0x0  }
0x24: {  	s3 =	simm.s32 $0x100;
	[sflag:s30] =	ssyncadd.s32 $0xFFFFE000  }
0x25: {  	[tilespmem:s29], [sflag:$0x1] =	stream.indirect.gather [hbm4b:s1+s31], $0x80, s3, s31, $0xb8;
	[tilespmem:$0x2800] =	vst v63  }
0x26: {  	_ =	swait.ge [sflag:s30], $0x2000  }
0x27: {  	[sflag:s30] =	ssyncset.done $0x0  }
0x28: {  	[sflag:s30] =	ssyncadd.s32 $0xFFFFE000  }
0x29: {  	[hbm4b:s14+s4] =	stream.linear.scatter [tilespmem:s29], [sflag:$0x1], $0x2000, $0x38;
	[tilespmem:$0x2800] =	vst v63  }
0x2a: {  	_ =	swait.ge [sflag:s30], $0x2000  }
0x2b: {  	[sflag:s30] =	ssyncset.done $0x0  }
0x2c: {  	s3 =	simm.s32 $0x180;
	[sflag:s30] =	ssyncadd.s32 $0xFFFFE000  }
0x2d: {  	[tilespmem:s29], [sflag:$0x1] =	stream.indirect.gather [hbm4b:s1+s31], $0x80, s3, s31, $0xb8;
	[tilespmem:$0x2800] =	vst v63  }
0x2e: {  	_ =	swait.ge [sflag:s30], $0x2000  }
0x2f: {  	[sflag:s30] =	ssyncset.done $0x0  }
0x30: {  	[sflag:s30] =	ssyncadd.s32 $0xFFFFE000  }
0x31: {  	[hbm4b:s15+s4] =	stream.linear.scatter [tilespmem:s29], [sflag:$0x1], $0x2000, $0x38;
	[tilespmem:$0x2800] =	vst v63  }
0x32: {  	_ =	swait.ge [sflag:s30], $0x2000  }
0x33: {  	[sflag:s30] =	ssyncset.done $0x0  }
0x34: {  	s3 =	simm.s32 $0x200;
	[sflag:s30] =	ssyncadd.s32 $0xFFFFE000  }
0x35: {  	[tilespmem:s29], [sflag:$0x1] =	stream.indirect.gather [hbm4b:s1+s31], $0x80, s3, s31, $0xb8;
	[tilespmem:$0x2800] =	vst v63  }
0x36: {  	_ =	swait.ge [sflag:s30], $0x2000  }
0x37: {  	[sflag:s30] =	ssyncset.done $0x0  }
0x38: {  	[sflag:s30] =	ssyncadd.s32 $0xFFFFE000  }
0x39: {  	[hbm4b:s17+s4] =	stream.linear.scatter [tilespmem:s29], [sflag:$0x1], $0x2000, $0x38;
	[tilespmem:$0x2800] =	vst v63  }
0x3a: {  	_ =	swait.ge [sflag:s30], $0x2000  }
0x3b: {  	[sflag:s30] =	ssyncset.done $0x0  }
0x3c: {  	s3 =	simm.s32 $0x280;
	[sflag:s30] =	ssyncadd.s32 $0xFFFFE000  }
0x3d: {  	[tilespmem:s29], [sflag:$0x1] =	stream.indirect.gather [hbm4b:s1+s31], $0x80, s3, s31, $0xb8;
	[tilespmem:$0x2800] =	vst v63  }
0x3e: {  	_ =	swait.ge [sflag:s30], $0x2000  }
0x3f: {  	[sflag:s30] =	ssyncset.done $0x0  }
0x40: {  	[sflag:s30] =	ssyncadd.s32 $0xFFFFE000  }
0x41: {  	[hbm4b:s20+s4] =	stream.linear.scatter [tilespmem:s29], [sflag:$0x1], $0x2000, $0x38;
	[tilespmem:$0x2800] =	vst v63  }
0x42: {  	_ =	swait.ge [sflag:s30], $0x2000  }
0x43: {  	[sflag:s30] =	ssyncset.done $0x0  }
0x44: {  	s3 =	simm.s32 $0x300;
	[sflag:s30] =	ssyncadd.s32 $0xFFFFE000  }
0x45: {  	[tilespmem:s29], [sflag:$0x1] =	stream.indirect.gather [hbm4b:s1+s31], $0x80, s3, s31, $0xb8;
	[tilespmem:$0x2800] =	vst v63  }
0x46: {  	_ =	swait.ge [sflag:s30], $0x2000  }
0x47: {  	[sflag:s30] =	ssyncset.done $0x0  }
0x48: {  	[sflag:s30] =	ssyncadd.s32 $0xFFFFE000  }
0x49: {  	[hbm4b:s21+s4] =	stream.linear.scatter [tilespmem:s29], [sflag:$0x1], $0x2000, $0x38;
	[tilespmem:$0x2800] =	vst v63  }
0x4a: {  	_ =	swait.ge [sflag:s30], $0x2000  }
0x4b: {  	[sflag:s30] =	ssyncset.done $0x0  }
0x4c: {  	s3 =	simm.s32 $0x380;
	[sflag:s30] =	ssyncadd.s32 $0xFFFFE000  }
0x4d: {  	[tilespmem:s29], [sflag:$0x1] =	stream.indirect.gather [hbm4b:s1+s31], $0x80, s3, s31, $0xb8;
	[tilespmem:$0x2800] =	vst v63  }
0x4e: {  	_ =	swait.ge [sflag:s30], $0x2000  }
0x4f: {  	[sflag:s30] =	ssyncset.done $0x0  }
0x50: {  	[sflag:s30] =	ssyncadd.s32 $0xFFFFE000  }
0x51: {  	[hbm4b:s23+s4] =	stream.linear.scatter [tilespmem:s29], [sflag:$0x1], $0x2000, $0x38;
	[tilespmem:$0x2800] =	vst v63  }
0x52: {  	_ =	swait.ge [sflag:s30], $0x2000  }
0x53: {  	[sflag:s30] =	ssyncset.done $0x0  }
0x54: {  	s3 =	simm.s32 $0x400;
	[sflag:s30] =	ssyncadd.s32 $0xFFFFE000  }
0x55: {  	[tilespmem:s29], [sflag:$0x1] =	stream.indirect.gather [hbm4b:s1+s31], $0x80, s3, s31, $0xb8;
	[tilespmem:$0x2800] =	vst v63  }
0x56: {  	_ =	swait.ge [sflag:s30], $0x2000  }
0x57: {  	[sflag:s30] =	ssyncset.done $0x0  }
0x58: {  	[sflag:s30] =	ssyncadd.s32 $0xFFFFE000  }
0x59: {  	[hbm4b:s26+s4] =	stream.linear.scatter [tilespmem:s29], [sflag:$0x1], $0x2000, $0x38;
	[tilespmem:$0x2800] =	vst v63  }
0x5a: {  	_ =	swait.ge [sflag:s30], $0x2000  }
0x5b: {  	[sflag:s30] =	ssyncset.done $0x0  }
0x5c: {  	s3 =	simm.s32 $0x480;
	[sflag:s30] =	ssyncadd.s32 $0xFFFFE000  }
0x5d: {  	[tilespmem:s29], [sflag:$0x1] =	stream.indirect.gather [hbm4b:s1+s31], $0x80, s3, s31, $0xb8;
	[tilespmem:$0x2800] =	vst v63  }
0x5e: {  	_ =	swait.ge [sflag:s30], $0x2000  }
0x5f: {  	[sflag:s30] =	ssyncset.done $0x0  }
0x60: {  	s2 =	smov.u32 s28;
	[sflag:s30] =	ssyncadd.s32 $0xFFFFE000  }
.LBB2_6:
0x61: {  	s0 =	sadd.s32 $0x1, s0  }
0x62: {  	p1 =	sne.s32 s0, s8  }
.Ltmp1:
0x63: {  	_ = 	snop;
	(pc) =	sbr.rel @!p1 .LBB2_7-.Ltmp1, $4  }
0x64: {  	[hbm4b:s2+s4] =	stream.linear.scatter [tilespmem:s29], [sflag:$0x1], $0x2000, $0x38;
	[tilespmem:$0x2800] =	vst v63  }
0x65: {  	_ =	swait.ge [sflag:s30], $0x2000  }
0x66: {  	[sflag:s30] =	ssyncset.done $0x0  }
0x67: {  	[sflag:s30] =	ssyncadd.s32 $0xFFFFE000  }
.LBB2_1:
.Ltmp2:
0x68: {  	(pc) =	sbr.rel @!p0 .LBB2_2-.Ltmp2, $1  }
0x69: {  	_ =	sdelay $0x3  }
0x6a: {  	s2 =	simm.s32 $0x0;
	s3 =	rddreg [dreg:$0x2]  }
0x6b: {  	[tilespmem:s29], [sflag:$0x1] =	stream.linear.gather [hbm4b:s3+s2], $0x80, $0x38;
	[tilespmem:$0x2800] =	vst v63  }
0x6c: {  	_ =	swait.ge [sflag:s30], $0x80  }
0x6d: {  	[sflag:s30] =	ssyncset.done $0x0  }
0x6e: {  	[sflag:s30] =	ssyncadd.s32 $0xFFFFFF80  }
0x6f: {  	v0 =	vld [tilespmem:$0x800]  }
0x70: {  	v1 =	vld [tilespmem:$0x810]  }
0x71: {  	v2 =	vld [tilespmem:$0x820]  }
0x72: {  	v7 =	vld [tilespmem:$0x870]  }
0x73: {  	v3 =	vld [tilespmem:$0x830]  }
0x74: {  	v4 =	vld [tilespmem:$0x840]  }
0x75: {  	v5 =	vld [tilespmem:$0x850]  }
0x76: {  	s3 =	simm.s32 $0x0;
	s2 =	simm.s32 $0x200;
	v6 =	vld [tilespmem:$0x860]  }
.LBB2_4:
0x77: {  	p1 =	seq.s32 s2, $0x7C00;
	[tilespmem:s3+$0x8F0] =	vst v7  }
0x78: {  	[tilespmem:s3+$0x880] =	vst v0  }
0x79: {  	[tilespmem:s3+$0x890] =	vst v1  }
.Ltmp3:
0x7a: {  	[tilespmem:s3+$0x8A0] =	vst v2;
	(pc) =	sbr.rel @!p1 .LBB2_4-.Ltmp3, $4  }
0x7b: {  	[tilespmem:s3+$0x8B0] =	vst v3  }
0x7c: {  	[tilespmem:s3+$0x8C0] =	vst v4  }
0x7d: {  	[tilespmem:s3+$0x8D0] =	vst v5  }
0x7e: {  	[tilespmem:s3+$0x8E0] =	vst v6;
	s3 =	sshra.s32 s2, $0x2;
	s2 =	sadd.s32 $0x200, s2  }
0x7f: {  	[tilespmem:s3+$0x8F0] =	vst v7  }
0x80: {  	[tilespmem:s3+$0x880] =	vst v0  }
0x81: {  	[tilespmem:s3+$0x890] =	vst v1  }
0x82: {  	[tilespmem:s3+$0x8A0] =	vst v2  }
0x83: {  	[tilespmem:s3+$0x8B0] =	vst v3  }
0x84: {  	[tilespmem:s3+$0x8C0] =	vst v4  }
0x85: {  	[tilespmem:s3+$0x8D0] =	vst v5  }
0x86: {  	[tilespmem:s3+$0x8E0] =	vst v6;
	s2 =	sadd.s32 s7, s6  }
0x87: {  	[hbm4b:s2+s4] =	stream.linear.scatter [tilespmem:s29], [sflag:$0x1], $0x2000, $0x38;
	[tilespmem:$0x2800] =	vst v63  }
0x88: {  	_ =	swait.ge [sflag:s30], $0x2000  }
0x89: {  	[sflag:s30] =	ssyncset.done $0x0  }
0x8a: {  	s3 =	sadd.s32 s10, s6;
	[sflag:s30] =	ssyncadd.s32 $0xFFFFE000  }
0x8b: {  	[hbm4b:s3+s4] =	stream.linear.scatter [tilespmem:s29], [sflag:$0x1], $0x2000, $0x38;
	[tilespmem:$0x2800] =	vst v63  }
0x8c: {  	_ =	swait.ge [sflag:s30], $0x2000  }
0x8d: {  	[sflag:s30] =	ssyncset.done $0x0  }
0x8e: {  	s3 =	sadd.s32 s12, s6;
	[sflag:s30] =	ssyncadd.s32 $0xFFFFE000  }
0x8f: {  	[hbm4b:s3+s4] =	stream.linear.scatter [tilespmem:s29], [sflag:$0x1], $0x2000, $0x38;
	[tilespmem:$0x2800] =	vst v63  }
0x90: {  	_ =	swait.ge [sflag:s30], $0x2000  }
0x91: {  	[sflag:s30] =	ssyncset.done $0x0  }
0x92: {  	s3 =	sadd.s32 s13, s6;
	[sflag:s30] =	ssyncadd.s32 $0xFFFFE000  }
0x93: {  	[hbm4b:s3+s4] =	stream.linear.scatter [tilespmem:s29], [sflag:$0x1], $0x2000, $0x38;
	[tilespmem:$0x2800] =	vst v63  }
0x94: {  	_ =	swait.ge [sflag:s30], $0x2000  }
0x95: {  	[sflag:s30] =	ssyncset.done $0x0  }
0x96: {  	s3 =	sadd.s32 s16, s6;
	[sflag:s30] =	ssyncadd.s32 $0xFFFFE000  }
0x97: {  	[hbm4b:s3+s4] =	stream.linear.scatter [tilespmem:s29], [sflag:$0x1], $0x2000, $0x38;
	[tilespmem:$0x2800] =	vst v63  }
0x98: {  	_ =	swait.ge [sflag:s30], $0x2000  }
0x99: {  	[sflag:s30] =	ssyncset.done $0x0  }
0x9a: {  	s3 =	sadd.s32 s18, s6;
	[sflag:s30] =	ssyncadd.s32 $0xFFFFE000  }
0x9b: {  	[hbm4b:s3+s4] =	stream.linear.scatter [tilespmem:s29], [sflag:$0x1], $0x2000, $0x38;
	[tilespmem:$0x2800] =	vst v63  }
0x9c: {  	_ =	swait.ge [sflag:s30], $0x2000  }
0x9d: {  	[sflag:s30] =	ssyncset.done $0x0  }
0x9e: {  	s3 =	sadd.s32 s19, s6;
	[sflag:s30] =	ssyncadd.s32 $0xFFFFE000  }
0x9f: {  	[hbm4b:s3+s4] =	stream.linear.scatter [tilespmem:s29], [sflag:$0x1], $0x2000, $0x38;
	[tilespmem:$0x2800] =	vst v63  }
0xa0: {  	_ =	swait.ge [sflag:s30], $0x2000  }
0xa1: {  	[sflag:s30] =	ssyncset.done $0x0  }
0xa2: {  	s3 =	sadd.s32 s22, s6;
	[sflag:s30] =	ssyncadd.s32 $0xFFFFE000  }
0xa3: {  	[hbm4b:s3+s4] =	stream.linear.scatter [tilespmem:s29], [sflag:$0x1], $0x2000, $0x38;
	[tilespmem:$0x2800] =	vst v63  }
0xa4: {  	_ =	swait.ge [sflag:s30], $0x2000  }
0xa5: {  	[sflag:s30] =	ssyncset.done $0x0  }
.Ltmp4:
0xa6: {  	s3 =	sadd.s32 s24, s6;
	[sflag:s30] =	ssyncadd.s32 $0xFFFFE000;
	(pc) =	sbr.rel .LBB2_6-.Ltmp4, $4  }
0xa7: {  	[hbm4b:s3+s4] =	stream.linear.scatter [tilespmem:s29], [sflag:$0x1], $0x2000, $0x38;
	[tilespmem:$0x2800] =	vst v63  }
0xa8: {  	_ =	swait.ge [sflag:s30], $0x2000  }
0xa9: {  	[sflag:s30] =	ssyncset.done $0x0  }
0xaa: {  	s2 =	sadd.s32 s25, s6;
	[sflag:s30] =	ssyncadd.s32 $0xFFFFE000  }
.LBB2_7:
0xab: {  	_ =	sfence.sel $0x180000  }
0xac: {  	[bflag:$0x0] =	sbarrier.arrive $0xFFFF  }
0xad: {  	_ =	strace $0x90000047  }
0xae: {  	s0 =	stileid.u32;
	[bflag:$0x2] =	sbarrier.arrive $0xFFFF  }
0xaf: {  	p0 =	sne.s32 s0, $0x0;
	s0 =	rddreg [dreg:$0x3]  }
0xb0: {  	s0 =	sadd.s32 @!p0 $0x100000, s0  }
0xb1: {  	[sflag:s0] =	ssyncadd.tile.s32 @!p0 $0x1;
	_ =	shalt  }
.Lfunc_end2:
_tile_overlayer_lowered:
.L_overlay_start_2:
0xb2: {  	(tag) =	ssettag $0x2  }
0xb3: {  	s0 =	rddreg [dreg:$0x0];
	s2 =	stileid.u32  }
0xb4: {  	s1 =	rddreg [dreg:$0x1];
	p0 =	sne.s32 s2, $0x0  }
0xb5: {  	s3 =	rddreg [dreg:$0x2];
	[bflag:$0x3] =	sbarrier.arrive $0xFFFF;
	s2 =	simm.s32 @!p0 $0x1C01  }
0xb6: {  	[timem:s3], [sflag:s2] =	dma.local @!p0 [hbm:s0], s1  }
0xb7: {  	s0 =	simm.s32 @!p0 $0x1  }
0xb8: {  	_ =	swait.ge @!p0 [sflag:s0], s1  }
0xb9: {  	s1 =	ssub.s32 @!p0 $0x0, s1;
	[sflag:s0] =	ssyncset.done @!p0 $0x0  }
0xba: {  	[sflag:s0] =	ssyncadd.s32 @!p0 s1  }
0xbb: {  	[bflag:$0x3] =	sbarrier.arrive $0xFFFF  }
0xbc: {  	_ =	shalt  }

// kernel: kernel.23.cloned.1.call-start
scs
__scs_entry_jumppad:
0x0: {  	(pc) =	sbr.rel $0x88, $3  }
0x1: {  	(tag) =	ssettag $0x0;
	lr =	simm.s32 $0x1  }
0x2: {  	[smem:$0x3F93] =	sst lr;
	_ =	strace $0xD0000000  }
0x3: {  	_ = 	snop  }
0x4: {  	_ = 	snop  }
0x5: {  	_ = 	snop  }
0x6: {  	_ = 	snop  }
0x7: {  	_ = 	snop  }
__scs_overlays_trampoline_lowered:
0x8: {  	[smem:$0x3FA2] =	sst s0  }
0x9: {  	[smem:$0x3FA3] =	sst s1  }
0xa: {  	[smem:$0x3FA4] =	sst s2  }
0xb: {  	[smem:$0x3FA5] =	sst s3  }
0xc: {  	[smem:$0x3FA6] =	sst s4  }
0xd: {  	[smem:$0x3FA7] =	sst s5  }
0xe: {  	[smem:$0x3FA8] =	sst s6  }
0xf: {  	[smem:$0x3FA9] =	sst s7  }
0x10: {  	[smem:$0x3FAA] =	sst s8  }
0x11: {  	[smem:$0x3FAB] =	sst s9;
	s0 =	simm.s32 @!p0 $0x0  }
0x12: {  	s1 =	sld [smem:$0x3F91];
	s0 =	simm.s32 @p0 $0x1  }
0x13: {  	[smem:$0x3FAC] =	sst s0;
	s0 =	simm.s32 @!p1 $0x0  }
0x14: {  	s2 =	sld [smem:$0x3F90];
	s0 =	simm.s32 @p1 $0x1  }
0x15: {  	[smem:$0x3FAD] =	sst s0;
	s0 =	simm.s32 @!p2 $0x0  }
0x16: {  	s3 =	sld [smem:$0x3FDB];
	s0 =	simm.s32 @p2 $0x1  }
0x17: {  	s4 =	simm.s32 $0x1BF5;
	[smem:$0x3FAF] =	sst s0  }
0x18: {  	s0 =	sld [smem:$0x3F92];
	_ =	swait.ge [sflag:s4], $0x0  }
0x19: {  	s7 =	sld [smem:$0x3F93]  }
0x1a: {  	s8 =	sadd.s32 $0xFFFFE003, lr  }
0x1b: {  	s9 =	sadd.s32 $0xFFFFFEF7, lr;
	s5 =	simm.s32 $0xFFFFFFFF;
	p2 =	slt.u32 s8, $0xFFFFF086  }
0x1c: {  	p1 =	slt.u32 s9, $0xF7A;
	s5 =	simm.s32 @!p2 $0x0  }
0x1d: {  	s5 =	simm.s32 @p1 $0x1;
	p0 =	seq.s32 s7, s2  }
0x1e: {  	s7 =	smul.u32 @!p0 $0xF7A, s2;
	p2 =	seq.s32 @!p0 s5, $0x0  }
0x1f: {  	s9 =	smul.u32 $0xF7A, s1;
	s8 =	simm.s32 @!p0 $0x1BF5;
	p2 =	por !p2, p0  }
0x20: {  	[sflag:s8] =	ssyncset.s32 @!p0 $0xFFFFF086;
	s6 =	sadd.s32 @!p0 s3, s7;
	s7 =	simm.s32 @!p0 $0x108  }
0x21: {  	s3 =	sadd.s32 s3, s9;
	s6 =	sadd.s32 @!p0 $0x88, s6;
	s7 =	simm.s32 @p2 $0x1082  }
0x22: {  	[simem:s7], [sflag:s8] =	dma.local @!p0 [hbm:s6], $0xF7A  }
0x23: {  	s9 =	sor.u32 $0xD0000000, s2;
	s6 =	simm.s32 $0x108;
	_ =	swait.ge @!p0 [sflag:s8], $0x0  }
0x24: {  	s3 =	sadd.s32 $0x88, s3;
	s6 =	simm.s32 @!p1 $0x1082;
	[sflag:s4] =	ssyncset.s32 $0xFFFFF086  }
0x25: {  	[simem:s6], [sflag:s4] =	dma.local [hbm:s3], $0xF7A  }
0x26: {  	[smem:$0x3F93] =	sst s1;
	(tag) =	ssettag s2;
	_ =	strace s9  }
0x27: {  	s1 =	sld [smem:$0x3FA3]  }
0x28: {  	s2 =	sld [smem:$0x3FA4]  }
0x29: {  	s4 =	sld [smem:$0x3FA6]  }
0x2a: {  	p0 =	seq.s32 s5, $0x0;
	s5 =	sld [smem:$0x3FA7]  }
0x2b: {  	s6 =	sld [smem:$0x3FA8]  }
0x2c: {  	s7 =	sld [smem:$0x3FA9]  }
0x2d: {  	s3 =	simm.s32 $0x108;
	s8 =	sld [smem:$0x3FAA]  }
0x2e: {  	s3 =	simm.s32 @!p0 $0x1082;
	s9 =	sld [smem:$0x3FAB]  }
0x2f: {  	lr =	sadd.s32 s0, s3;
	s0 =	sld [smem:$0x3FA2]  }
0x30: {  	s3 =	sld [smem:$0x3FA5]  }
0x31: {  	[smem:$0x3FAE] =	sst s10  }
0x32: {  	s10 =	sld [smem:$0x3FAC];
	_ =	sdelay $0x3  }
0x33: {  	p0 =	seq.s32 s10, $0x1;
	s10 =	sld [smem:$0x3FAE];
	_ =	sdelay $0x3  }
0x34: {  	[smem:$0x3FAE] =	sst s10  }
0x35: {  	s10 =	sld [smem:$0x3FAD];
	_ =	sdelay $0x3  }
0x36: {  	p1 =	seq.s32 s10, $0x1;
	s10 =	sld [smem:$0x3FAE];
	_ =	sdelay $0x3  }
0x37: {  	[smem:$0x3FAE] =	sst s10  }
0x38: {  	s10 =	sld [smem:$0x3FAF]  }
0x39: {  	_ = 	snop;
	(pc) =	sbr.ind lr, $3  }
0x3a: {  	_ = 	snop  }
0x3b: {  	_ = 	snop  }
0x3c: {  	p2 =	seq.s32 s10, $0x1;
	s10 =	sld [smem:$0x3FAE]  }
0x3d: {  	_ =	shalt  }
0x3e: {  	_ =	shalt  }
0x3f: {  	_ =	shalt  }
0x40: {  	_ =	shalt  }
0x41: {  	_ =	shalt  }
0x42: {  	_ =	shalt  }
0x43: {  	_ =	shalt  }
0x44: {  	_ =	shalt  }
0x45: {  	_ =	shalt  }
0x46: {  	_ =	shalt  }
0x47: {  	_ =	shalt  }
0x48: {  	_ =	shalt  }
0x49: {  	_ =	shalt  }
0x4a: {  	_ =	shalt  }
0x4b: {  	_ =	shalt  }
0x4c: {  	_ =	shalt  }
0x4d: {  	_ =	shalt  }
0x4e: {  	_ =	shalt  }
0x4f: {  	_ =	shalt  }
0x50: {  	_ =	shalt  }
0x51: {  	_ =	shalt  }
0x52: {  	_ =	shalt  }
0x53: {  	_ =	shalt  }
0x54: {  	_ =	shalt  }
0x55: {  	_ =	shalt  }
0x56: {  	_ =	shalt  }
0x57: {  	_ =	shalt  }
0x58: {  	_ =	shalt  }
0x59: {  	_ =	shalt  }
0x5a: {  	_ =	shalt  }
0x5b: {  	_ =	shalt  }
0x5c: {  	_ =	shalt  }
0x5d: {  	_ =	shalt  }
0x5e: {  	_ =	shalt  }
0x5f: {  	_ =	shalt  }
0x60: {  	_ =	shalt  }
0x61: {  	_ =	shalt  }
0x62: {  	_ =	shalt  }
0x63: {  	_ =	shalt  }
0x64: {  	_ =	shalt  }
0x65: {  	_ =	shalt  }
0x66: {  	_ =	shalt  }
0x67: {  	_ =	shalt  }
0x68: {  	_ =	shalt  }
0x69: {  	_ =	shalt  }
0x6a: {  	_ =	shalt  }
0x6b: {  	_ =	shalt  }
0x6c: {  	_ =	shalt  }
0x6d: {  	_ =	shalt  }
0x6e: {  	_ =	shalt  }
0x6f: {  	_ =	shalt  }
0x70: {  	_ =	shalt  }
0x71: {  	_ =	shalt  }
0x72: {  	_ =	shalt  }
0x73: {  	_ =	shalt  }
0x74: {  	_ =	shalt  }
0x75: {  	_ =	shalt  }
0x76: {  	_ =	shalt  }
0x77: {  	_ =	shalt  }
0x78: {  	_ =	shalt  }
0x79: {  	_ =	shalt  }
0x7a: {  	_ =	shalt  }
0x7b: {  	_ =	shalt  }
0x7c: {  	_ =	shalt  }
0x7d: {  	_ =	shalt  }
0x7e: {  	_ =	shalt  }
0x7f: {  	_ =	shalt  }
0x80: {  	_ =	shalt  }
0x81: {  	_ =	shalt  }
0x82: {  	_ =	shalt  }
0x83: {  	_ =	shalt  }
0x84: {  	_ =	shalt  }
0x85: {  	_ =	shalt  }
0x86: {  	_ =	shalt  }
0x87: {  	_ =	shalt  }
.Lfunc_end0:
.L_simem_size_0:
called_computation.1_lowered:
.L_overlay_start_0:
0x88: {  	s2 =	sld [smem:$0x3FD9]  }
0x89: {  	s3 =	sld [smem:$0x3FFE];
	_ =	sdelay $0x1  }
0x8a: {  	s1 =	srdreg.scid  }
0x8b: {  	s0 =	sand.u32 $0x1, s1  }
0x8c: {  	s17 =	sshll.u32 s0, $0xA;
	s2 =	sadd.s32 s3, s2  }
0x8d: {  	s2 =	sadd.s32 s2, s17  }
0x8e: {  	[smem:$0x3FBA] =	sst s2  }
0x8f: {  	_ = 	snop  }
0x90: {  	s2 =	sld [smem:$0x3FD0];
	(tm) =	ssettm $0x1  }
0x91: {  	s18 =	sld [smem:$0x3FFB];
	_ =	sdelay $0x3  }
0x92: {  	_ =	strace s18  }
0x93: {  	s3 =	sld [smem:$0x3FFC];
	_ =	sdelay $0x3  }
0x94: {  	_ =	strace s3  }
0x95: {  	s3 =	sld [smem:$0x3FFD];
	_ =	sdelay $0x3  }
0x96: {  	_ =	strace s3  }
0x97: {  	_ =	strace $0x8FFFFFFF  }
0x98: {  	s19 =	sld [smem:$0x3FDB];
	_ =	sdelay $0x1  }
0x99: {  	s4 =	simm.s32 $_scs_section_size  }
0x9a: {  	s5 =	simm.s32 $_size__tile_overlayer_lowered;
	s6 =	simm.s32 $_tile_overlayer_lowered  }
0x9b: {  	s22 =	simm.s32 $0x1BFF;
	s21 =	sshll.u32 s6, $0x1;
	s3 =	sadd.s32 s4, s19  }
0x9c: {  	s7 =	simm.s32 $0x0;
	s20 =	sshll.u32 s5, $0x1;
	s5 =	sadd.s32 s21, s3  }
0x9d: {  	[timem:s7], [sflag:s22] =	dma.local [hbm:s5], s20  }
0x9e: {  	_ =	swait.ge [sflag:s22], s20  }
0x9f: {  	s4 =	ssub.s32 $0x0, s20;
	[sflag:s22] =	ssyncset.done $0x0  }
0xa0: {  	[sflag:s22] =	ssyncadd.s32 s4;
	_ =	sdelay $0x1  }
0xa1: {  	s23 =	simm.s32 $0x1B8B  }
0xa2: {  	_ =	swait.ge [sflag:s23], $0x1  }
0xa3: {  	[sflag:s23] =	ssyncset.done $0x0  }
0xa4: {  	s25 =	simm.s32 $0x1B8E;
	s24 =	sld [smem:$0x3FFE];
	[sflag:s23] =	ssyncadd.s32 $0xFFFFFFFF  }
0xa5: {  	s26 =	simm.s32 $execute0_lowered;
	[smem:$0x3FD2] =	sst s25  }
0xa6: {  	s5 =	sshll.u32 s26, $0x1;
	_ =	strace $0x80000049;
	[dreg:$0x1] =	wrdreg $0xFFFFFFFF  }
0xa7: {  	s28 =	simm.s32 $_size_execute0_lowered;
	s3 =	sadd.s32 s3, s5;
	[dreg:$0x0] =	wrdreg $0x0  }
0xa8: {  	s5 =	sshll.u32 s28, $0x1;
	[dreg:$0x2] =	wrdreg s3  }
0xa9: {  	[dreg:$0x3] =	wrdreg s5  }
0xaa: {  	[dreg:$0x4] =	wrdreg $0xC0  }
0xab: {  	_ =	task [dreg:s7], $0x5FFFF  }
0xac: {  	[dreg:$0x1] =	wrdreg $0xFFFFFFFF  }
0xad: {  	[dreg:$0x0] =	wrdreg $0x60  }
0xae: {  	[dreg:$0x2] =	wrdreg s24  }
0xaf: {  	[dreg:$0x3] =	wrdreg s2  }
0xb0: {  	[dreg:$0x4] =	wrdreg $0x90000  }
0xb1: {  	[dreg:$0x5] =	wrdreg $0x9  }
0xb2: {  	_ =	task.clear_ibuf [dreg:s7], $0x6FFFF;
	_ =	strace $0x90000049  }
0xb3: {  	s29 =	simm.s32 $0x9;
	_ =	strace $0x8000004B  }
0xb4: {  	_ =	swait.ge [sflag:s29], $0x1  }
0xb5: {  	[sflag:s29] =	ssyncadd.s32 $0xFFFFFFFF  }
0xb6: {  	_ =	strace $0x9000004B  }
0xb7: {  	_ =	sfence  }
0xb8: {  	s30 =	sld [smem:$0x0];
	_ =	sdelay $0x2  }
0xb9: {  	s31 =	sshll.u32 s1, $0xD;
	s1 =	sshrl.u32 s1, $0x2  }
0xba: {  	s3 =	sand.u32 $0x4000, s31;
	s1 =	sadd.s32 s1, s30  }
0xbb: {  	s0 =	sor.u32 s3, s0;
	s1 =	sshll.u32 s1, $0x11  }
0xbc: {  	s0 =	sor.u32 s1, s0  }
0xbd: {  	s0 =	sadd.s32 $0x8F2B, s0  }
0xbe: {  	[sflag:s0] =	ssyncadd.remote.s32 $0x1  }
0xbf: {  	_ =	sfence.sel $0xFFFF  }
0xc0: {  	[dreg:$0x0] =	wrdreg $0xFFFFFFFF;
	(pc) =	sbr.abs _section_cstart, $3  }
0xc1: {  	[dreg:$0x1] =	wrdreg $0xFFFFFFFF  }
0xc2: {  	_ =	task.clear_ibuf [dreg:s7], $0x2FFFF;
	_ =	strace $0x9FFFFFFF  }
0xc3: {  	(tm) =	ssettm $0x7FFFFFFF  }
tec
execute0_lowered:
.L_overlay_start_1:
0x0: {  	(tag) =	ssettag $0x1  }
0x1: {  	s4 =	rddreg [dreg:$0x0]  }
0x2: {  	s5 =	rddreg [dreg:$0x1]  }
0x3: {  	s2 =	rddreg [dreg:$0x2]  }
0x4: {  	s0 =	rddreg [dreg:$0x3]  }
0x5: {  	s1 =	stileid.u32;
	s6 =	srdreg.scid  }
0x6: {  	s3 =	simm.s32 $0x0;
	s13 =	simm.s32 $0x1;
	s14 =	simm.s32 $0x2800  }
0x7: {  	s15 =	simm.s32 $0x5000;
	s16 =	simm.s32 $0x80;
	s7 =	smul.u32 $0x500, s1  }
0x8: {  	s20 =	simm.s32 $0x0;
	s6 =	sand.u32 $0x1, s6;
	s10 =	smul.u32 $0x50000, s1  }
0x9: {  	[smem:$0x7FF] =	sst s3;
	s18 =	smul.u32 $0x2800, s1;
	s31 =	sshll.u32 s1, $0x6  }
0xa: {  	s8 =	smul.u32 $0x28000, s6;
	s6 =	ssub.s32 $0x2, s6;
	_ =	strace $0x8000004A  }
0xb: {  	s9 =	sshrl.u32 s6, $0x1;
	s11 =	sadd.s32 s7, s4;
	s30 =	sshrl.u32 s10, $0x2  }
0xc: {  	s8 =	sadd.s32 s8, s4;
	s9 =	ssub.s32 s6, s9;
	s4 =	sadd.s32 s5, s7  }
0xd: {  	s5 =	sadd.s32 $0x58200, s11;
	s6 =	sadd.s32 s30, s2;
	s7 =	sadd.s32 $0x8200, s8  }
0xe: {  	s17 =	sadd.s32 $0x5D200, s8;
	s8 =	smax.u32 s9, $0x1;
	s9 =	sadd.s32 $0x4000, s6  }
0xf: {  	s10 =	sadd.s32 $0x8000, s6;
	s11 =	sadd.s32 $0xC000, s6;
	s12 =	sadd.s32 $0x10000, s6  }
0x10: {  	v0 =	vimm.f32 $0.0e+00;
	s19 =	sshrl.u32 s6, $0x3;
	s17 =	sadd.s32 s18, s17;
	s18 =	sor.u32 $0x1C01, s31  }
.LBB2_1:
0x11: {  	[tilespmem:s3], [sflag:$0x1] =	stream.linear.gather [hbm4b:s4+s3], $0x2780, $0x38;
	[tilespmem:$0x1D000] =	vst v63  }
0x12: {  	_ =	swait.ge [sflag:s13], $0x2780  }
0x13: {  	[sflag:s13] =	ssyncset.done $0x0  }
0x14: {  	[sflag:s13] =	ssyncadd.s32 $0xFFFFD880  }
0x15: {  	[tilespmem:s14], [sflag:$0x1] =	stream.linear.gather [hbm4b:s5+s3], $0x2780, $0x38;
	[tilespmem:$0x1D000] =	vst v63  }
0x16: {  	_ =	swait.ge [sflag:s13], $0x2780  }
0x17: {  	[sflag:s13] =	ssyncset.done $0x0  }
0x18: {  	s21 =	simm.s32 $0x0;
	s22 =	simm.s32 $0x200;
	[sflag:s13] =	ssyncadd.s32 $0xFFFFD880  }
.LBB2_2:
0x19: {  	p0 =	sne.s32 s22, $0xFE00;
	[tilespmem:s21+$0x5070] =	vst v0  }
0x1a: {  	[tilespmem:s21+$0x5000] =	vst v0  }
0x1b: {  	[tilespmem:s21+$0x5010] =	vst v0  }
.Ltmp0:
0x1c: {  	[tilespmem:s21+$0x5020] =	vst v0;
	(pc) =	sbr.rel @p0 .LBB2_2-.Ltmp0, $4  }
0x1d: {  	[tilespmem:s21+$0x5030] =	vst v0  }
0x1e: {  	[tilespmem:s21+$0x5040] =	vst v0  }
0x1f: {  	[tilespmem:s21+$0x5050] =	vst v0  }
0x20: {  	[tilespmem:s21+$0x5060] =	vst v0;
	s21 =	sshra.s32 s22, $0x2;
	s22 =	sadd.s32 $0x200, s22  }
0x21: {  	[tilespmem:s21+$0x5070] =	vst v0  }
0x22: {  	[tilespmem:s21+$0x5000] =	vst v0  }
0x23: {  	[tilespmem:s21+$0x5010] =	vst v0  }
0x24: {  	[tilespmem:s21+$0x5020] =	vst v0  }
0x25: {  	[tilespmem:s21+$0x5030] =	vst v0  }
0x26: {  	[tilespmem:s21+$0x5040] =	vst v0  }
0x27: {  	[tilespmem:s21+$0x5050] =	vst v0  }
0x28: {  	[tilespmem:s21+$0x5060] =	vst v0  }
0x29: {  	[spmem:s6] =	stream.linear.scatter [tilespmem:s15], [sflag:$0x1], $0x4000, $0x38;
	[tilespmem:$0x1D000] =	vst v63  }
0x2a: {  	_ =	swait.ge [sflag:s13], $0x4000  }
0x2b: {  	[sflag:s13] =	ssyncset.done $0x0  }
0x2c: {  	[sflag:s13] =	ssyncadd.s32 $0xFFFFC000  }
0x2d: {  	[spmem:s9] =	stream.linear.scatter [tilespmem:s15], [sflag:$0x1], $0x4000, $0x38;
	[tilespmem:$0x1D000] =	vst v63  }
0x2e: {  	_ =	swait.ge [sflag:s13], $0x4000  }
0x2f: {  	[sflag:s13] =	ssyncset.done $0x0  }
0x30: {  	[sflag:s13] =	ssyncadd.s32 $0xFFFFC000  }
0x31: {  	[spmem:s10] =	stream.linear.scatter [tilespmem:s15], [sflag:$0x1], $0x4000, $0x38;
	[tilespmem:$0x1D000] =	vst v63  }
0x32: {  	_ =	swait.ge [sflag:s13], $0x4000  }
0x33: {  	[sflag:s13] =	ssyncset.done $0x0  }
0x34: {  	[sflag:s13] =	ssyncadd.s32 $0xFFFFC000  }
0x35: {  	[spmem:s11] =	stream.linear.scatter [tilespmem:s15], [sflag:$0x1], $0x4000, $0x38;
	[tilespmem:$0x1D000] =	vst v63  }
0x36: {  	_ =	swait.ge [sflag:s13], $0x4000  }
0x37: {  	[sflag:s13] =	ssyncset.done $0x0  }
0x38: {  	[sflag:s13] =	ssyncadd.s32 $0xFFFFC000  }
0x39: {  	[spmem:s12] =	stream.linear.scatter [tilespmem:s15], [sflag:$0x1], $0x4000, $0x38;
	[tilespmem:$0x1D000] =	vst v63  }
0x3a: {  	_ =	swait.ge [sflag:s13], $0x4000  }
0x3b: {  	[sflag:s13] =	ssyncset.done $0x0  }
0x3c: {  	[sflag:s13] =	ssyncadd.s32 $0xFFFFC000  }
0x3d: {  	s30 =	simm.s32 $0x0;
	[bflag:$0x0] =	sbarrier.arrive $0xFFFF  }
0x3e: {  	[tilespmem:s15], [sflag:$0x1] =	stream.indirect.gather [hbm4b:s7+s16], $0x80, s30, s16, $0xb8;
	[tilespmem:$0x1D000] =	vst v63  }
0x3f: {  	_ =	swait.ge [sflag:s13], $0x4000  }
0x40: {  	[sflag:s13] =	ssyncset.done $0x0  }
0x41: {  	s31 =	simm.s32 $0x2800;
	[sflag:s13] =	ssyncadd.s32 $0xFFFFC000  }
0x42: {  	[spmem:s2] =	stream.indirect.scatter.add.f32 [tilespmem:s15], [sflag:$0x1], $0x80, s31, s16, $0xb8;
	[tilespmem:$0x1D000] =	vst v63  }
0x43: {  	_ =	swait.ge [sflag:s13], $0x4000  }
0x44: {  	s21 =	simm.s32 $0x200;
	s22 =	simm.s32 $0x400;
	[sflag:s13] =	ssyncset.done $0x0  }
.LBB2_4:
0x45: {  	s23 =	sshra.s32 s21, $0x2  }
0x46: {  	[sflag:s13] =	ssyncadd.s32 $0xFFFFC000;
	s21 =	smov.u32 s22;
	s24 =	sadd.s32 $0x200, s22  }
0x47: {  	[tilespmem:s15], [sflag:$0x1] =	stream.indirect.gather [hbm4b:s7+s16], $0x80, s23, s16, $0xb8;
	[tilespmem:$0x1D000] =	vst v63  }
0x48: {  	p0 =	sne.s32 s22, $0x9C00;
	_ =	swait.ge [sflag:s13], $0x4000  }
.Ltmp1:
0x49: {  	[sflag:s13] =	ssyncset.done $0x0;
	(pc) =	sbr.rel @p0 .LBB2_4-.Ltmp1, $4  }
0x4a: {  	s22 =	sadd.s32 $0x2800, s23;
	[sflag:s13] =	ssyncadd.s32 $0xFFFFC000  }
0x4b: {  	[spmem:s2] =	stream.indirect.scatter.add.f32 [tilespmem:s15], [sflag:$0x1], $0x80, s22, s16, $0xb8;
	[tilespmem:$0x1D000] =	vst v63  }
0x4c: {  	_ =	swait.ge [sflag:s13], $0x4000  }
0x4d: {  	s22 =	smov.u32 s24;
	[sflag:s13] =	ssyncset.done $0x0  }
0x4e: {  	s21 =	sshra.s32 s21, $0x2;
	[sflag:s13] =	ssyncadd.s32 $0xFFFFC000  }
0x4f: {  	[tilespmem:s15], [sflag:$0x1] =	stream.indirect.gather [hbm4b:s7+s16], $0x80, s21, s16, $0xb8;
	[tilespmem:$0x1D000] =	vst v63  }
0x50: {  	_ =	swait.ge [sflag:s13], $0x4000  }
0x51: {  	[sflag:s13] =	ssyncset.done $0x0  }
0x52: {  	s21 =	sadd.s32 $0x2800, s21;
	[sflag:s13] =	ssyncadd.s32 $0xFFFFC000  }
0x53: {  	[spmem:s2] =	stream.indirect.scatter.add.f32 [tilespmem:s15], [sflag:$0x1], $0x80, s21, s16, $0xb8;
	[tilespmem:$0x1D000] =	vst v63  }
0x54: {  	_ =	swait.ge [sflag:s13], $0x4000  }
0x55: {  	s20 =	sadd.s32 $0x1, s20;
	[sflag:s13] =	ssyncset.done $0x0  }
0x56: {  	p0 =	sne.s32 s20, s8;
	[sflag:s13] =	ssyncadd.s32 $0xFFFFC000  }
.Ltmp2:
0x57: {  	[bflag:$0x0] =	sbarrier.arrive $0xFFFF;
	(pc) =	sbr.rel @p0 .LBB2_1-.Ltmp2, $4  }
0x58: {  	[hbm:s17], [sflag:s18] =	dma.local [spmem:s19], $0x2800  }
0x59: {  	_ =	swait.ge [sflag:s13], $0x2800  }
0x5a: {  	[sflag:s13] =	ssyncset.done $0x0  }
0x5b: {  	[sflag:s13] =	ssyncadd.s32 $0xFFFFD800  }
0x5c: {  	_ =	sfence.sel $0x180000  }
0x5d: {  	[bflag:$0x0] =	sbarrier.arrive $0xFFFF  }
0x5e: {  	p0 =	sne.s32 s1, $0x0;
	_ =	strace $0x9000004A  }
0x5f: {  	s0 =	sadd.s32 @!p0 $0x100000, s0;
	[bflag:$0x2] =	sbarrier.arrive $0xFFFF  }
0x60: {  	[sflag:s0] =	ssyncadd.tile.s32 @!p0 $0x1;
	_ =	shalt  }
.Lfunc_end2:
_tile_overlayer_lowered:
.L_overlay_start_2:
0x61: {  	(tag) =	ssettag $0x2  }
0x62: {  	s0 =	rddreg [dreg:$0x0];
	s2 =	stileid.u32  }
0x63: {  	s1 =	rddreg [dreg:$0x1];
	p0 =	sne.s32 s2, $0x0  }
0x64: {  	s3 =	rddreg [dreg:$0x2];
	[bflag:$0x3] =	sbarrier.arrive $0xFFFF;
	s2 =	simm.s32 @!p0 $0x1C01  }
0x65: {  	[timem:s3], [sflag:s2] =	dma.local @!p0 [hbm:s0], s1  }
0x66: {  	s0 =	simm.s32 @!p0 $0x1  }
0x67: {  	_ =	swait.ge @!p0 [sflag:s0], s1  }
0x68: {  	s1 =	ssub.s32 @!p0 $0x0, s1;
	[sflag:s0] =	ssyncset.done @!p0 $0x0  }
0x69: {  	[sflag:s0] =	ssyncadd.s32 @!p0 s1  }
0x6a: {  	[bflag:$0x3] =	sbarrier.arrive $0xFFFF  }
0x6b: {  	_ =	shalt  }

// kernel: kernel.26.cloned.1.call-start
scs
__scs_entry_jumppad:
0x0: {  	(pc) =	sbr.rel $0x88, $3  }
0x1: {  	(tag) =	ssettag $0x0;
	lr =	simm.s32 $0x1  }
0x2: {  	[smem:$0x3F93] =	sst lr;
	_ =	strace $0xD0000000  }
0x3: {  	_ = 	snop  }
0x4: {  	_ = 	snop  }
0x5: {  	_ = 	snop  }
0x6: {  	_ = 	snop  }
0x7: {  	_ = 	snop  }
__scs_overlays_trampoline_lowered:
0x8: {  	[smem:$0x3FA2] =	sst s0  }
0x9: {  	[smem:$0x3FA3] =	sst s1  }
0xa: {  	[smem:$0x3FA4] =	sst s2  }
0xb: {  	[smem:$0x3FA5] =	sst s3  }
0xc: {  	[smem:$0x3FA6] =	sst s4  }
0xd: {  	[smem:$0x3FA7] =	sst s5  }
0xe: {  	[smem:$0x3FA8] =	sst s6  }
0xf: {  	[smem:$0x3FA9] =	sst s7  }
0x10: {  	[smem:$0x3FAA] =	sst s8  }
0x11: {  	[smem:$0x3FAB] =	sst s9;
	s0 =	simm.s32 @!p0 $0x0  }
0x12: {  	s1 =	sld [smem:$0x3F91];
	s0 =	simm.s32 @p0 $0x1  }
0x13: {  	[smem:$0x3FAC] =	sst s0;
	s0 =	simm.s32 @!p1 $0x0  }
0x14: {  	s2 =	sld [smem:$0x3F90];
	s0 =	simm.s32 @p1 $0x1  }
0x15: {  	[smem:$0x3FAD] =	sst s0;
	s0 =	simm.s32 @!p2 $0x0  }
0x16: {  	s3 =	sld [smem:$0x3FDB];
	s0 =	simm.s32 @p2 $0x1  }
0x17: {  	s4 =	simm.s32 $0x1BF5;
	[smem:$0x3FAF] =	sst s0  }
0x18: {  	s0 =	sld [smem:$0x3F92];
	_ =	swait.ge [sflag:s4], $0x0  }
0x19: {  	s7 =	sld [smem:$0x3F93]  }
0x1a: {  	s8 =	sadd.s32 $0xFFFFE003, lr  }
0x1b: {  	s9 =	sadd.s32 $0xFFFFFEF7, lr;
	s5 =	simm.s32 $0xFFFFFFFF;
	p2 =	slt.u32 s8, $0xFFFFF086  }
0x1c: {  	p1 =	slt.u32 s9, $0xF7A;
	s5 =	simm.s32 @!p2 $0x0  }
0x1d: {  	s5 =	simm.s32 @p1 $0x1;
	p0 =	seq.s32 s7, s2  }
0x1e: {  	s7 =	smul.u32 @!p0 $0xF7A, s2;
	p2 =	seq.s32 @!p0 s5, $0x0  }
0x1f: {  	s9 =	smul.u32 $0xF7A, s1;
	s8 =	simm.s32 @!p0 $0x1BF5;
	p2 =	por !p2, p0  }
0x20: {  	[sflag:s8] =	ssyncset.s32 @!p0 $0xFFFFF086;
	s6 =	sadd.s32 @!p0 s3, s7;
	s7 =	simm.s32 @!p0 $0x108  }
0x21: {  	s3 =	sadd.s32 s3, s9;
	s6 =	sadd.s32 @!p0 $0x88, s6;
	s7 =	simm.s32 @p2 $0x1082  }
0x22: {  	[simem:s7], [sflag:s8] =	dma.local @!p0 [hbm:s6], $0xF7A  }
0x23: {  	s9 =	sor.u32 $0xD0000000, s2;
	s6 =	simm.s32 $0x108;
	_ =	swait.ge @!p0 [sflag:s8], $0x0  }
0x24: {  	s3 =	sadd.s32 $0x88, s3;
	s6 =	simm.s32 @!p1 $0x1082;
	[sflag:s4] =	ssyncset.s32 $0xFFFFF086  }
0x25: {  	[simem:s6], [sflag:s4] =	dma.local [hbm:s3], $0xF7A  }
0x26: {  	[smem:$0x3F93] =	sst s1;
	(tag) =	ssettag s2;
	_ =	strace s9  }
0x27: {  	s1 =	sld [smem:$0x3FA3]  }
0x28: {  	s2 =	sld [smem:$0x3FA4]  }
0x29: {  	s4 =	sld [smem:$0x3FA6]  }
0x2a: {  	p0 =	seq.s32 s5, $0x0;
	s5 =	sld [smem:$0x3FA7]  }
0x2b: {  	s6 =	sld [smem:$0x3FA8]  }
0x2c: {  	s7 =	sld [smem:$0x3FA9]  }
0x2d: {  	s3 =	simm.s32 $0x108;
	s8 =	sld [smem:$0x3FAA]  }
0x2e: {  	s3 =	simm.s32 @!p0 $0x1082;
	s9 =	sld [smem:$0x3FAB]  }
0x2f: {  	lr =	sadd.s32 s0, s3;
	s0 =	sld [smem:$0x3FA2]  }
0x30: {  	s3 =	sld [smem:$0x3FA5]  }
0x31: {  	[smem:$0x3FAE] =	sst s10  }
0x32: {  	s10 =	sld [smem:$0x3FAC];
	_ =	sdelay $0x3  }
0x33: {  	p0 =	seq.s32 s10, $0x1;
	s10 =	sld [smem:$0x3FAE];
	_ =	sdelay $0x3  }
0x34: {  	[smem:$0x3FAE] =	sst s10  }
0x35: {  	s10 =	sld [smem:$0x3FAD];
	_ =	sdelay $0x3  }
0x36: {  	p1 =	seq.s32 s10, $0x1;
	s10 =	sld [smem:$0x3FAE];
	_ =	sdelay $0x3  }
0x37: {  	[smem:$0x3FAE] =	sst s10  }
0x38: {  	s10 =	sld [smem:$0x3FAF]  }
0x39: {  	_ = 	snop;
	(pc) =	sbr.ind lr, $3  }
0x3a: {  	_ = 	snop  }
0x3b: {  	_ = 	snop  }
0x3c: {  	p2 =	seq.s32 s10, $0x1;
	s10 =	sld [smem:$0x3FAE]  }
0x3d: {  	_ =	shalt  }
0x3e: {  	_ =	shalt  }
0x3f: {  	_ =	shalt  }
0x40: {  	_ =	shalt  }
0x41: {  	_ =	shalt  }
0x42: {  	_ =	shalt  }
0x43: {  	_ =	shalt  }
0x44: {  	_ =	shalt  }
0x45: {  	_ =	shalt  }
0x46: {  	_ =	shalt  }
0x47: {  	_ =	shalt  }
0x48: {  	_ =	shalt  }
0x49: {  	_ =	shalt  }
0x4a: {  	_ =	shalt  }
0x4b: {  	_ =	shalt  }
0x4c: {  	_ =	shalt  }
0x4d: {  	_ =	shalt  }
0x4e: {  	_ =	shalt  }
0x4f: {  	_ =	shalt  }
0x50: {  	_ =	shalt  }
0x51: {  	_ =	shalt  }
0x52: {  	_ =	shalt  }
0x53: {  	_ =	shalt  }
0x54: {  	_ =	shalt  }
0x55: {  	_ =	shalt  }
0x56: {  	_ =	shalt  }
0x57: {  	_ =	shalt  }
0x58: {  	_ =	shalt  }
0x59: {  	_ =	shalt  }
0x5a: {  	_ =	shalt  }
0x5b: {  	_ =	shalt  }
0x5c: {  	_ =	shalt  }
0x5d: {  	_ =	shalt  }
0x5e: {  	_ =	shalt  }
0x5f: {  	_ =	shalt  }
0x60: {  	_ =	shalt  }
0x61: {  	_ =	shalt  }
0x62: {  	_ =	shalt  }
0x63: {  	_ =	shalt  }
0x64: {  	_ =	shalt  }
0x65: {  	_ =	shalt  }
0x66: {  	_ =	shalt  }
0x67: {  	_ =	shalt  }
0x68: {  	_ =	shalt  }
0x69: {  	_ =	shalt  }
0x6a: {  	_ =	shalt  }
0x6b: {  	_ =	shalt  }
0x6c: {  	_ =	shalt  }
0x6d: {  	_ =	shalt  }
0x6e: {  	_ =	shalt  }
0x6f: {  	_ =	shalt  }
0x70: {  	_ =	shalt  }
0x71: {  	_ =	shalt  }
0x72: {  	_ =	shalt  }
0x73: {  	_ =	shalt  }
0x74: {  	_ =	shalt  }
0x75: {  	_ =	shalt  }
0x76: {  	_ =	shalt  }
0x77: {  	_ =	shalt  }
0x78: {  	_ =	shalt  }
0x79: {  	_ =	shalt  }
0x7a: {  	_ =	shalt  }
0x7b: {  	_ =	shalt  }
0x7c: {  	_ =	shalt  }
0x7d: {  	_ =	shalt  }
0x7e: {  	_ =	shalt  }
0x7f: {  	_ =	shalt  }
0x80: {  	_ =	shalt  }
0x81: {  	_ =	shalt  }
0x82: {  	_ =	shalt  }
0x83: {  	_ =	shalt  }
0x84: {  	_ =	shalt  }
0x85: {  	_ =	shalt  }
0x86: {  	_ =	shalt  }
0x87: {  	_ =	shalt  }
.Lfunc_end0:
.L_simem_size_0:
called_computation.2_lowered:
.L_overlay_start_0:
0x88: {  	s2 =	sld [smem:$0x3FD9]  }
0x89: {  	s3 =	sld [smem:$0x3FFE];
	_ =	sdelay $0x1  }
0x8a: {  	s1 =	srdreg.scid  }
0x8b: {  	s0 =	sand.u32 $0x1, s1  }
0x8c: {  	s17 =	sshll.u32 s0, $0xA;
	s2 =	sadd.s32 s3, s2  }
0x8d: {  	s2 =	sadd.s32 s2, s17  }
0x8e: {  	[smem:$0x3FBA] =	sst s2  }
0x8f: {  	_ = 	snop  }
0x90: {  	s2 =	sld [smem:$0x3FD0];
	(tm) =	ssettm $0x1  }
0x91: {  	s18 =	sld [smem:$0x3FFB];
	_ =	sdelay $0x3  }
0x92: {  	_ =	strace s18  }
0x93: {  	s3 =	sld [smem:$0x3FFC];
	_ =	sdelay $0x3  }
0x94: {  	_ =	strace s3  }
0x95: {  	s3 =	sld [smem:$0x3FFD];
	_ =	sdelay $0x3  }
0x96: {  	_ =	strace s3  }
0x97: {  	_ =	strace $0x8FFFFFFF  }
0x98: {  	s19 =	sld [smem:$0x3FDB];
	_ =	sdelay $0x1  }
0x99: {  	s4 =	simm.s32 $_scs_section_size  }
0x9a: {  	s5 =	simm.s32 $_size__tile_overlayer_lowered;
	s6 =	simm.s32 $_tile_overlayer_lowered  }
0x9b: {  	s22 =	simm.s32 $0x1BFF;
	s21 =	sshll.u32 s6, $0x1;
	s3 =	sadd.s32 s4, s19  }
0x9c: {  	s7 =	simm.s32 $0x0;
	s20 =	sshll.u32 s5, $0x1;
	s5 =	sadd.s32 s21, s3  }
0x9d: {  	[timem:s7], [sflag:s22] =	dma.local [hbm:s5], s20  }
0x9e: {  	_ =	swait.ge [sflag:s22], s20  }
0x9f: {  	s4 =	ssub.s32 $0x0, s20;
	[sflag:s22] =	ssyncset.done $0x0  }
0xa0: {  	[sflag:s22] =	ssyncadd.s32 s4;
	_ =	sdelay $0x1  }
0xa1: {  	s23 =	simm.s32 $0x1B8B  }
0xa2: {  	_ =	swait.ge [sflag:s23], $0x1  }
0xa3: {  	[sflag:s23] =	ssyncset.done $0x0  }
0xa4: {  	s25 =	simm.s32 $0x1B8E;
	s24 =	sld [smem:$0x3FFE];
	[sflag:s23] =	ssyncadd.s32 $0xFFFFFFFF  }
0xa5: {  	s26 =	simm.s32 $execute0_lowered;
	[smem:$0x3FD2] =	sst s25  }
0xa6: {  	s5 =	sshll.u32 s26, $0x1;
	_ =	strace $0x8000004C;
	[dreg:$0x1] =	wrdreg $0xFFFFFFFF  }
0xa7: {  	s28 =	simm.s32 $_size_execute0_lowered;
	s3 =	sadd.s32 s3, s5;
	[dreg:$0x0] =	wrdreg $0x0  }
0xa8: {  	s5 =	sshll.u32 s28, $0x1;
	[dreg:$0x2] =	wrdreg s3  }
0xa9: {  	[dreg:$0x3] =	wrdreg s5  }
0xaa: {  	[dreg:$0x4] =	wrdreg $0xC0  }
0xab: {  	_ =	task [dreg:s7], $0x5FFFF  }
0xac: {  	[dreg:$0x1] =	wrdreg $0xFFFFFFFF  }
0xad: {  	[dreg:$0x0] =	wrdreg $0x60  }
0xae: {  	[dreg:$0x2] =	wrdreg s24  }
0xaf: {  	[dreg:$0x3] =	wrdreg s2  }
0xb0: {  	[dreg:$0x4] =	wrdreg $0x90000  }
0xb1: {  	[dreg:$0x5] =	wrdreg $0x9  }
0xb2: {  	_ =	task.clear_ibuf [dreg:s7], $0x6FFFF;
	_ =	strace $0x9000004C  }
0xb3: {  	s29 =	simm.s32 $0x9;
	_ =	strace $0x8000004E  }
0xb4: {  	_ =	swait.ge [sflag:s29], $0x1  }
0xb5: {  	[sflag:s29] =	ssyncadd.s32 $0xFFFFFFFF  }
0xb6: {  	_ =	strace $0x9000004E  }
0xb7: {  	_ =	sfence  }
0xb8: {  	s30 =	sld [smem:$0x0];
	_ =	sdelay $0x2  }
0xb9: {  	s31 =	sshll.u32 s1, $0xD;
	s1 =	sshrl.u32 s1, $0x2  }
0xba: {  	s3 =	sand.u32 $0x4000, s31;
	s1 =	sadd.s32 s1, s30  }
0xbb: {  	s0 =	sor.u32 s3, s0;
	s1 =	sshll.u32 s1, $0x11  }
0xbc: {  	s0 =	sor.u32 s1, s0  }
0xbd: {  	s0 =	sadd.s32 $0x8F2B, s0  }
0xbe: {  	[sflag:s0] =	ssyncadd.remote.s32 $0x1  }
0xbf: {  	_ =	sfence.sel $0xFFFF  }
0xc0: {  	[dreg:$0x0] =	wrdreg $0xFFFFFFFF;
	(pc) =	sbr.abs _section_cstart, $3  }
0xc1: {  	[dreg:$0x1] =	wrdreg $0xFFFFFFFF  }
0xc2: {  	_ =	task.clear_ibuf [dreg:s7], $0x2FFFF;
	_ =	strace $0x9FFFFFFF  }
0xc3: {  	(tm) =	ssettm $0x7FFFFFFF  }
tec
execute0_lowered:
.L_overlay_start_1:
0x0: {  	(tag) =	ssettag $0x1  }
0x1: {  	s4 =	rddreg [dreg:$0x0]  }
0x2: {  	s5 =	rddreg [dreg:$0x1]  }
0x3: {  	s2 =	rddreg [dreg:$0x2]  }
0x4: {  	s0 =	rddreg [dreg:$0x3]  }
0x5: {  	s1 =	stileid.u32;
	s6 =	srdreg.scid  }
0x6: {  	s3 =	simm.s32 $0x0;
	s13 =	simm.s32 $0x1;
	s14 =	simm.s32 $0x2800  }
0x7: {  	s15 =	simm.s32 $0x5000;
	s16 =	simm.s32 $0x80;
	s7 =	smul.u32 $0x500, s1  }
0x8: {  	s20 =	simm.s32 $0x0;
	s6 =	sand.u32 $0x1, s6;
	s10 =	smul.u32 $0x50000, s1  }
0x9: {  	[smem:$0x7FF] =	sst s3;
	s18 =	smul.u32 $0x2800, s1;
	s31 =	sshll.u32 s1, $0x6  }
0xa: {  	s8 =	smul.u32 $0x28000, s6;
	s6 =	ssub.s32 $0x2, s6;
	_ =	strace $0x8000004D  }
0xb: {  	s9 =	sshrl.u32 s6, $0x1;
	s11 =	sadd.s32 s7, s4;
	s30 =	sshrl.u32 s10, $0x2  }
0xc: {  	s8 =	sadd.s32 s8, s4;
	s9 =	ssub.s32 s6, s9;
	s4 =	sadd.s32 s5, s7  }
0xd: {  	s5 =	sadd.s32 $0x58200, s11;
	s6 =	sadd.s32 s30, s2;
	s7 =	sadd.s32 $0x7200, s8  }
0xe: {  	s17 =	sadd.s32 $0x5D200, s8;
	s8 =	smax.u32 s9, $0x1;
	s9 =	sadd.s32 $0x4000, s6  }
0xf: {  	s10 =	sadd.s32 $0x8000, s6;
	s11 =	sadd.s32 $0xC000, s6;
	s12 =	sadd.s32 $0x10000, s6  }
0x10: {  	v0 =	vimm.f32 $0.0e+00;
	s19 =	sshrl.u32 s6, $0x3;
	s17 =	sadd.s32 s18, s17;
	s18 =	sor.u32 $0x1C01, s31  }
.LBB2_1:
0x11: {  	[tilespmem:s3], [sflag:$0x1] =	stream.linear.gather [hbm4b:s4+s3], $0x2780, $0x38;
	[tilespmem:$0x1D000] =	vst v63  }
0x12: {  	_ =	swait.ge [sflag:s13], $0x2780  }
0x13: {  	[sflag:s13] =	ssyncset.done $0x0  }
0x14: {  	[sflag:s13] =	ssyncadd.s32 $0xFFFFD880  }
0x15: {  	[tilespmem:s14], [sflag:$0x1] =	stream.linear.gather [hbm4b:s5+s3], $0x2780, $0x38;
	[tilespmem:$0x1D000] =	vst v63  }
0x16: {  	_ =	swait.ge [sflag:s13], $0x2780  }
0x17: {  	[sflag:s13] =	ssyncset.done $0x0  }
0x18: {  	s21 =	simm.s32 $0x0;
	s22 =	simm.s32 $0x200;
	[sflag:s13] =	ssyncadd.s32 $0xFFFFD880  }
.LBB2_2:
0x19: {  	p0 =	sne.s32 s22, $0xFE00;
	[tilespmem:s21+$0x5070] =	vst v0  }
0x1a: {  	[tilespmem:s21+$0x5000] =	vst v0  }
0x1b: {  	[tilespmem:s21+$0x5010] =	vst v0  }
.Ltmp0:
0x1c: {  	[tilespmem:s21+$0x5020] =	vst v0;
	(pc) =	sbr.rel @p0 .LBB2_2-.Ltmp0, $4  }
0x1d: {  	[tilespmem:s21+$0x5030] =	vst v0  }
0x1e: {  	[tilespmem:s21+$0x5040] =	vst v0  }
0x1f: {  	[tilespmem:s21+$0x5050] =	vst v0  }
0x20: {  	[tilespmem:s21+$0x5060] =	vst v0;
	s21 =	sshra.s32 s22, $0x2;
	s22 =	sadd.s32 $0x200, s22  }
0x21: {  	[tilespmem:s21+$0x5070] =	vst v0  }
0x22: {  	[tilespmem:s21+$0x5000] =	vst v0  }
0x23: {  	[tilespmem:s21+$0x5010] =	vst v0  }
0x24: {  	[tilespmem:s21+$0x5020] =	vst v0  }
0x25: {  	[tilespmem:s21+$0x5030] =	vst v0  }
0x26: {  	[tilespmem:s21+$0x5040] =	vst v0  }
0x27: {  	[tilespmem:s21+$0x5050] =	vst v0  }
0x28: {  	[tilespmem:s21+$0x5060] =	vst v0  }
0x29: {  	[spmem:s6] =	stream.linear.scatter [tilespmem:s15], [sflag:$0x1], $0x4000, $0x38;
	[tilespmem:$0x1D000] =	vst v63  }
0x2a: {  	_ =	swait.ge [sflag:s13], $0x4000  }
0x2b: {  	[sflag:s13] =	ssyncset.done $0x0  }
0x2c: {  	[sflag:s13] =	ssyncadd.s32 $0xFFFFC000  }
0x2d: {  	[spmem:s9] =	stream.linear.scatter [tilespmem:s15], [sflag:$0x1], $0x4000, $0x38;
	[tilespmem:$0x1D000] =	vst v63  }
0x2e: {  	_ =	swait.ge [sflag:s13], $0x4000  }
0x2f: {  	[sflag:s13] =	ssyncset.done $0x0  }
0x30: {  	[sflag:s13] =	ssyncadd.s32 $0xFFFFC000  }
0x31: {  	[spmem:s10] =	stream.linear.scatter [tilespmem:s15], [sflag:$0x1], $0x4000, $0x38;
	[tilespmem:$0x1D000] =	vst v63  }
0x32: {  	_ =	swait.ge [sflag:s13], $0x4000  }
0x33: {  	[sflag:s13] =	ssyncset.done $0x0  }
0x34: {  	[sflag:s13] =	ssyncadd.s32 $0xFFFFC000  }
0x35: {  	[spmem:s11] =	stream.linear.scatter [tilespmem:s15], [sflag:$0x1], $0x4000, $0x38;
	[tilespmem:$0x1D000] =	vst v63  }
0x36: {  	_ =	swait.ge [sflag:s13], $0x4000  }
0x37: {  	[sflag:s13] =	ssyncset.done $0x0  }
0x38: {  	[sflag:s13] =	ssyncadd.s32 $0xFFFFC000  }
0x39: {  	[spmem:s12] =	stream.linear.scatter [tilespmem:s15], [sflag:$0x1], $0x4000, $0x38;
	[tilespmem:$0x1D000] =	vst v63  }
0x3a: {  	_ =	swait.ge [sflag:s13], $0x4000  }
0x3b: {  	[sflag:s13] =	ssyncset.done $0x0  }
0x3c: {  	[sflag:s13] =	ssyncadd.s32 $0xFFFFC000  }
0x3d: {  	s30 =	simm.s32 $0x0;
	[bflag:$0x0] =	sbarrier.arrive $0xFFFF  }
0x3e: {  	[tilespmem:s15], [sflag:$0x1] =	stream.indirect.gather [hbm4b:s7+s16], $0x80, s30, s16, $0xb8;
	[tilespmem:$0x1D000] =	vst v63  }
0x3f: {  	_ =	swait.ge [sflag:s13], $0x4000  }
0x40: {  	[sflag:s13] =	ssyncset.done $0x0  }
0x41: {  	s31 =	simm.s32 $0x2800;
	[sflag:s13] =	ssyncadd.s32 $0xFFFFC000  }
0x42: {  	[spmem:s2] =	stream.indirect.scatter.add.f32 [tilespmem:s15], [sflag:$0x1], $0x80, s31, s16, $0xb8;
	[tilespmem:$0x1D000] =	vst v63  }
0x43: {  	_ =	swait.ge [sflag:s13], $0x4000  }
0x44: {  	s21 =	simm.s32 $0x200;
	s22 =	simm.s32 $0x400;
	[sflag:s13] =	ssyncset.done $0x0  }
.LBB2_4:
0x45: {  	s23 =	sshra.s32 s21, $0x2  }
0x46: {  	[sflag:s13] =	ssyncadd.s32 $0xFFFFC000;
	s21 =	smov.u32 s22;
	s24 =	sadd.s32 $0x200, s22  }
0x47: {  	[tilespmem:s15], [sflag:$0x1] =	stream.indirect.gather [hbm4b:s7+s16], $0x80, s23, s16, $0xb8;
	[tilespmem:$0x1D000] =	vst v63  }
0x48: {  	p0 =	sne.s32 s22, $0x9C00;
	_ =	swait.ge [sflag:s13], $0x4000  }
.Ltmp1:
0x49: {  	[sflag:s13] =	ssyncset.done $0x0;
	(pc) =	sbr.rel @p0 .LBB2_4-.Ltmp1, $4  }
0x4a: {  	s22 =	sadd.s32 $0x2800, s23;
	[sflag:s13] =	ssyncadd.s32 $0xFFFFC000  }
0x4b: {  	[spmem:s2] =	stream.indirect.scatter.add.f32 [tilespmem:s15], [sflag:$0x1], $0x80, s22, s16, $0xb8;
	[tilespmem:$0x1D000] =	vst v63  }
0x4c: {  	_ =	swait.ge [sflag:s13], $0x4000  }
0x4d: {  	s22 =	smov.u32 s24;
	[sflag:s13] =	ssyncset.done $0x0  }
0x4e: {  	s21 =	sshra.s32 s21, $0x2;
	[sflag:s13] =	ssyncadd.s32 $0xFFFFC000  }
0x4f: {  	[tilespmem:s15], [sflag:$0x1] =	stream.indirect.gather [hbm4b:s7+s16], $0x80, s21, s16, $0xb8;
	[tilespmem:$0x1D000] =	vst v63  }
0x50: {  	_ =	swait.ge [sflag:s13], $0x4000  }
0x51: {  	[sflag:s13] =	ssyncset.done $0x0  }
0x52: {  	s21 =	sadd.s32 $0x2800, s21;
	[sflag:s13] =	ssyncadd.s32 $0xFFFFC000  }
0x53: {  	[spmem:s2] =	stream.indirect.scatter.add.f32 [tilespmem:s15], [sflag:$0x1], $0x80, s21, s16, $0xb8;
	[tilespmem:$0x1D000] =	vst v63  }
0x54: {  	_ =	swait.ge [sflag:s13], $0x4000  }
0x55: {  	s20 =	sadd.s32 $0x1, s20;
	[sflag:s13] =	ssyncset.done $0x0  }
0x56: {  	p0 =	sne.s32 s20, s8;
	[sflag:s13] =	ssyncadd.s32 $0xFFFFC000  }
.Ltmp2:
0x57: {  	[bflag:$0x0] =	sbarrier.arrive $0xFFFF;
	(pc) =	sbr.rel @p0 .LBB2_1-.Ltmp2, $4  }
0x58: {  	[hbm:s17], [sflag:s18] =	dma.local [spmem:s19], $0x2800  }
0x59: {  	_ =	swait.ge [sflag:s13], $0x2800  }
0x5a: {  	[sflag:s13] =	ssyncset.done $0x0  }
0x5b: {  	[sflag:s13] =	ssyncadd.s32 $0xFFFFD800  }
0x5c: {  	_ =	sfence.sel $0x180000  }
0x5d: {  	[bflag:$0x0] =	sbarrier.arrive $0xFFFF  }
0x5e: {  	p0 =	sne.s32 s1, $0x0;
	_ =	strace $0x9000004D  }
0x5f: {  	s0 =	sadd.s32 @!p0 $0x100000, s0;
	[bflag:$0x2] =	sbarrier.arrive $0xFFFF  }
0x60: {  	[sflag:s0] =	ssyncadd.tile.s32 @!p0 $0x1;
	_ =	shalt  }
.Lfunc_end2:
_tile_overlayer_lowered:
.L_overlay_start_2:
0x61: {  	(tag) =	ssettag $0x2  }
0x62: {  	s0 =	rddreg [dreg:$0x0];
	s2 =	stileid.u32  }
0x63: {  	s1 =	rddreg [dreg:$0x1];
	p0 =	sne.s32 s2, $0x0  }
0x64: {  	s3 =	rddreg [dreg:$0x2];
	[bflag:$0x3] =	sbarrier.arrive $0xFFFF;
	s2 =	simm.s32 @!p0 $0x1C01  }
0x65: {  	[timem:s3], [sflag:s2] =	dma.local @!p0 [hbm:s0], s1  }
0x66: {  	s0 =	simm.s32 @!p0 $0x1  }
0x67: {  	_ =	swait.ge @!p0 [sflag:s0], s1  }
0x68: {  	s1 =	ssub.s32 @!p0 $0x0, s1;
	[sflag:s0] =	ssyncset.done @!p0 $0x0  }
0x69: {  	[sflag:s0] =	ssyncadd.s32 @!p0 s1  }
0x6a: {  	[bflag:$0x3] =	sbarrier.arrive $0xFFFF  }
0x6b: {  	_ =	shalt  }

// kernel: kernel.29.cloned.1.call-start
scs
__scs_entry_jumppad:
0x0: {  	(pc) =	sbr.rel $0x88, $3  }
0x1: {  	(tag) =	ssettag $0x0;
	lr =	simm.s32 $0x1  }
0x2: {  	[smem:$0x3F93] =	sst lr;
	_ =	strace $0xD0000000  }
0x3: {  	_ = 	snop  }
0x4: {  	_ = 	snop  }
0x5: {  	_ = 	snop  }
0x6: {  	_ = 	snop  }
0x7: {  	_ = 	snop  }
__scs_overlays_trampoline_lowered:
0x8: {  	[smem:$0x3FA2] =	sst s0  }
0x9: {  	[smem:$0x3FA3] =	sst s1  }
0xa: {  	[smem:$0x3FA4] =	sst s2  }
0xb: {  	[smem:$0x3FA5] =	sst s3  }
0xc: {  	[smem:$0x3FA6] =	sst s4  }
0xd: {  	[smem:$0x3FA7] =	sst s5  }
0xe: {  	[smem:$0x3FA8] =	sst s6  }
0xf: {  	[smem:$0x3FA9] =	sst s7  }
0x10: {  	[smem:$0x3FAA] =	sst s8  }
0x11: {  	[smem:$0x3FAB] =	sst s9;
	s0 =	simm.s32 @!p0 $0x0  }
0x12: {  	s1 =	sld [smem:$0x3F91];
	s0 =	simm.s32 @p0 $0x1  }
0x13: {  	[smem:$0x3FAC] =	sst s0;
	s0 =	simm.s32 @!p1 $0x0  }
0x14: {  	s2 =	sld [smem:$0x3F90];
	s0 =	simm.s32 @p1 $0x1  }
0x15: {  	[smem:$0x3FAD] =	sst s0;
	s0 =	simm.s32 @!p2 $0x0  }
0x16: {  	s3 =	sld [smem:$0x3FDB];
	s0 =	simm.s32 @p2 $0x1  }
0x17: {  	s4 =	simm.s32 $0x1BF5;
	[smem:$0x3FAF] =	sst s0  }
0x18: {  	s0 =	sld [smem:$0x3F92];
	_ =	swait.ge [sflag:s4], $0x0  }
0x19: {  	s7 =	sld [smem:$0x3F93]  }
0x1a: {  	s8 =	sadd.s32 $0xFFFFE003, lr  }
0x1b: {  	s9 =	sadd.s32 $0xFFFFFEF7, lr;
	s5 =	simm.s32 $0xFFFFFFFF;
	p2 =	slt.u32 s8, $0xFFFFF086  }
0x1c: {  	p1 =	slt.u32 s9, $0xF7A;
	s5 =	simm.s32 @!p2 $0x0  }
0x1d: {  	s5 =	simm.s32 @p1 $0x1;
	p0 =	seq.s32 s7, s2  }
0x1e: {  	s7 =	smul.u32 @!p0 $0xF7A, s2;
	p2 =	seq.s32 @!p0 s5, $0x0  }
0x1f: {  	s9 =	smul.u32 $0xF7A, s1;
	s8 =	simm.s32 @!p0 $0x1BF5;
	p2 =	por !p2, p0  }
0x20: {  	[sflag:s8] =	ssyncset.s32 @!p0 $0xFFFFF086;
	s6 =	sadd.s32 @!p0 s3, s7;
	s7 =	simm.s32 @!p0 $0x108  }
0x21: {  	s3 =	sadd.s32 s3, s9;
	s6 =	sadd.s32 @!p0 $0x88, s6;
	s7 =	simm.s32 @p2 $0x1082  }
0x22: {  	[simem:s7], [sflag:s8] =	dma.local @!p0 [hbm:s6], $0xF7A  }
0x23: {  	s9 =	sor.u32 $0xD0000000, s2;
	s6 =	simm.s32 $0x108;
	_ =	swait.ge @!p0 [sflag:s8], $0x0  }
0x24: {  	s3 =	sadd.s32 $0x88, s3;
	s6 =	simm.s32 @!p1 $0x1082;
	[sflag:s4] =	ssyncset.s32 $0xFFFFF086  }
0x25: {  	[simem:s6], [sflag:s4] =	dma.local [hbm:s3], $0xF7A  }
0x26: {  	[smem:$0x3F93] =	sst s1;
	(tag) =	ssettag s2;
	_ =	strace s9  }
0x27: {  	s1 =	sld [smem:$0x3FA3]  }
0x28: {  	s2 =	sld [smem:$0x3FA4]  }
0x29: {  	s4 =	sld [smem:$0x3FA6]  }
0x2a: {  	p0 =	seq.s32 s5, $0x0;
	s5 =	sld [smem:$0x3FA7]  }
0x2b: {  	s6 =	sld [smem:$0x3FA8]  }
0x2c: {  	s7 =	sld [smem:$0x3FA9]  }
0x2d: {  	s3 =	simm.s32 $0x108;
	s8 =	sld [smem:$0x3FAA]  }
0x2e: {  	s3 =	simm.s32 @!p0 $0x1082;
	s9 =	sld [smem:$0x3FAB]  }
0x2f: {  	lr =	sadd.s32 s0, s3;
	s0 =	sld [smem:$0x3FA2]  }
0x30: {  	s3 =	sld [smem:$0x3FA5]  }
0x31: {  	[smem:$0x3FAE] =	sst s10  }
0x32: {  	s10 =	sld [smem:$0x3FAC];
	_ =	sdelay $0x3  }
0x33: {  	p0 =	seq.s32 s10, $0x1;
	s10 =	sld [smem:$0x3FAE];
	_ =	sdelay $0x3  }
0x34: {  	[smem:$0x3FAE] =	sst s10  }
0x35: {  	s10 =	sld [smem:$0x3FAD];
	_ =	sdelay $0x3  }
0x36: {  	p1 =	seq.s32 s10, $0x1;
	s10 =	sld [smem:$0x3FAE];
	_ =	sdelay $0x3  }
0x37: {  	[smem:$0x3FAE] =	sst s10  }
0x38: {  	s10 =	sld [smem:$0x3FAF]  }
0x39: {  	_ = 	snop;
	(pc) =	sbr.ind lr, $3  }
0x3a: {  	_ = 	snop  }
0x3b: {  	_ = 	snop  }
0x3c: {  	p2 =	seq.s32 s10, $0x1;
	s10 =	sld [smem:$0x3FAE]  }
0x3d: {  	_ =	shalt  }
0x3e: {  	_ =	shalt  }
0x3f: {  	_ =	shalt  }
0x40: {  	_ =	shalt  }
0x41: {  	_ =	shalt  }
0x42: {  	_ =	shalt  }
0x43: {  	_ =	shalt  }
0x44: {  	_ =	shalt  }
0x45: {  	_ =	shalt  }
0x46: {  	_ =	shalt  }
0x47: {  	_ =	shalt  }
0x48: {  	_ =	shalt  }
0x49: {  	_ =	shalt  }
0x4a: {  	_ =	shalt  }
0x4b: {  	_ =	shalt  }
0x4c: {  	_ =	shalt  }
0x4d: {  	_ =	shalt  }
0x4e: {  	_ =	shalt  }
0x4f: {  	_ =	shalt  }
0x50: {  	_ =	shalt  }
0x51: {  	_ =	shalt  }
0x52: {  	_ =	shalt  }
0x53: {  	_ =	shalt  }
0x54: {  	_ =	shalt  }
0x55: {  	_ =	shalt  }
0x56: {  	_ =	shalt  }
0x57: {  	_ =	shalt  }
0x58: {  	_ =	shalt  }
0x59: {  	_ =	shalt  }
0x5a: {  	_ =	shalt  }
0x5b: {  	_ =	shalt  }
0x5c: {  	_ =	shalt  }
0x5d: {  	_ =	shalt  }
0x5e: {  	_ =	shalt  }
0x5f: {  	_ =	shalt  }
0x60: {  	_ =	shalt  }
0x61: {  	_ =	shalt  }
0x62: {  	_ =	shalt  }
0x63: {  	_ =	shalt  }
0x64: {  	_ =	shalt  }
0x65: {  	_ =	shalt  }
0x66: {  	_ =	shalt  }
0x67: {  	_ =	shalt  }
0x68: {  	_ =	shalt  }
0x69: {  	_ =	shalt  }
0x6a: {  	_ =	shalt  }
0x6b: {  	_ =	shalt  }
0x6c: {  	_ =	shalt  }
0x6d: {  	_ =	shalt  }
0x6e: {  	_ =	shalt  }
0x6f: {  	_ =	shalt  }
0x70: {  	_ =	shalt  }
0x71: {  	_ =	shalt  }
0x72: {  	_ =	shalt  }
0x73: {  	_ =	shalt  }
0x74: {  	_ =	shalt  }
0x75: {  	_ =	shalt  }
0x76: {  	_ =	shalt  }
0x77: {  	_ =	shalt  }
0x78: {  	_ =	shalt  }
0x79: {  	_ =	shalt  }
0x7a: {  	_ =	shalt  }
0x7b: {  	_ =	shalt  }
0x7c: {  	_ =	shalt  }
0x7d: {  	_ =	shalt  }
0x7e: {  	_ =	shalt  }
0x7f: {  	_ =	shalt  }
0x80: {  	_ =	shalt  }
0x81: {  	_ =	shalt  }
0x82: {  	_ =	shalt  }
0x83: {  	_ =	shalt  }
0x84: {  	_ =	shalt  }
0x85: {  	_ =	shalt  }
0x86: {  	_ =	shalt  }
0x87: {  	_ =	shalt  }
.Lfunc_end0:
.L_simem_size_0:
called_computation.3_lowered:
.L_overlay_start_0:
0x88: {  	s2 =	sld [smem:$0x3FD9]  }
0x89: {  	s3 =	sld [smem:$0x3FFE];
	_ =	sdelay $0x1  }
0x8a: {  	s1 =	srdreg.scid  }
0x8b: {  	s0 =	sand.u32 $0x1, s1  }
0x8c: {  	s17 =	sshll.u32 s0, $0xA;
	s2 =	sadd.s32 s3, s2  }
0x8d: {  	s2 =	sadd.s32 s2, s17  }
0x8e: {  	[smem:$0x3FBA] =	sst s2  }
0x8f: {  	_ = 	snop  }
0x90: {  	s2 =	sld [smem:$0x3FD0];
	(tm) =	ssettm $0x1  }
0x91: {  	s18 =	sld [smem:$0x3FFB];
	_ =	sdelay $0x3  }
0x92: {  	_ =	strace s18  }
0x93: {  	s3 =	sld [smem:$0x3FFC];
	_ =	sdelay $0x3  }
0x94: {  	_ =	strace s3  }
0x95: {  	s3 =	sld [smem:$0x3FFD];
	_ =	sdelay $0x3  }
0x96: {  	_ =	strace s3  }
0x97: {  	_ =	strace $0x8FFFFFFF  }
0x98: {  	s19 =	sld [smem:$0x3FDB];
	_ =	sdelay $0x1  }
0x99: {  	s4 =	simm.s32 $_scs_section_size  }
0x9a: {  	s5 =	simm.s32 $_size__tile_overlayer_lowered;
	s6 =	simm.s32 $_tile_overlayer_lowered  }
0x9b: {  	s22 =	simm.s32 $0x1BFF;
	s21 =	sshll.u32 s6, $0x1;
	s3 =	sadd.s32 s4, s19  }
0x9c: {  	s7 =	simm.s32 $0x0;
	s20 =	sshll.u32 s5, $0x1;
	s5 =	sadd.s32 s21, s3  }
0x9d: {  	[timem:s7], [sflag:s22] =	dma.local [hbm:s5], s20  }
0x9e: {  	_ =	swait.ge [sflag:s22], s20  }
0x9f: {  	s4 =	ssub.s32 $0x0, s20;
	[sflag:s22] =	ssyncset.done $0x0  }
0xa0: {  	[sflag:s22] =	ssyncadd.s32 s4;
	_ =	sdelay $0x1  }
0xa1: {  	s23 =	simm.s32 $0x1B8B  }
0xa2: {  	_ =	swait.ge [sflag:s23], $0x1  }
0xa3: {  	[sflag:s23] =	ssyncset.done $0x0  }
0xa4: {  	s25 =	simm.s32 $0x1B8E;
	s24 =	sld [smem:$0x3FFE];
	[sflag:s23] =	ssyncadd.s32 $0xFFFFFFFF  }
0xa5: {  	s26 =	simm.s32 $execute0_lowered;
	[smem:$0x3FD2] =	sst s25  }
0xa6: {  	s5 =	sshll.u32 s26, $0x1;
	_ =	strace $0x8000004F;
	[dreg:$0x1] =	wrdreg $0xFFFFFFFF  }
0xa7: {  	s28 =	simm.s32 $_size_execute0_lowered;
	s3 =	sadd.s32 s3, s5;
	[dreg:$0x0] =	wrdreg $0x0  }
0xa8: {  	s5 =	sshll.u32 s28, $0x1;
	[dreg:$0x2] =	wrdreg s3  }
0xa9: {  	[dreg:$0x3] =	wrdreg s5  }
0xaa: {  	[dreg:$0x4] =	wrdreg $0xC0  }
0xab: {  	_ =	task [dreg:s7], $0x5FFFF  }
0xac: {  	[dreg:$0x1] =	wrdreg $0xFFFFFFFF  }
0xad: {  	[dreg:$0x0] =	wrdreg $0x60  }
0xae: {  	[dreg:$0x2] =	wrdreg s24  }
0xaf: {  	[dreg:$0x3] =	wrdreg s2  }
0xb0: {  	[dreg:$0x4] =	wrdreg $0x90000  }
0xb1: {  	[dreg:$0x5] =	wrdreg $0x9  }
0xb2: {  	_ =	task.clear_ibuf [dreg:s7], $0x6FFFF;
	_ =	strace $0x9000004F  }
0xb3: {  	s29 =	simm.s32 $0x9;
	_ =	strace $0x80000051  }
0xb4: {  	_ =	swait.ge [sflag:s29], $0x1  }
0xb5: {  	[sflag:s29] =	ssyncadd.s32 $0xFFFFFFFF  }
0xb6: {  	_ =	strace $0x90000051  }
0xb7: {  	_ =	sfence  }
0xb8: {  	s30 =	sld [smem:$0x0];
	_ =	sdelay $0x2  }
0xb9: {  	s31 =	sshll.u32 s1, $0xD;
	s1 =	sshrl.u32 s1, $0x2  }
0xba: {  	s3 =	sand.u32 $0x4000, s31;
	s1 =	sadd.s32 s1, s30  }
0xbb: {  	s0 =	sor.u32 s3, s0;
	s1 =	sshll.u32 s1, $0x11  }
0xbc: {  	s0 =	sor.u32 s1, s0  }
0xbd: {  	s0 =	sadd.s32 $0x8F2B, s0  }
0xbe: {  	[sflag:s0] =	ssyncadd.remote.s32 $0x1  }
0xbf: {  	_ =	sfence.sel $0xFFFF  }
0xc0: {  	[dreg:$0x0] =	wrdreg $0xFFFFFFFF;
	(pc) =	sbr.abs _section_cstart, $3  }
0xc1: {  	[dreg:$0x1] =	wrdreg $0xFFFFFFFF  }
0xc2: {  	_ =	task.clear_ibuf [dreg:s7], $0x2FFFF;
	_ =	strace $0x9FFFFFFF  }
0xc3: {  	(tm) =	ssettm $0x7FFFFFFF  }
tec
execute0_lowered:
.L_overlay_start_1:
0x0: {  	(tag) =	ssettag $0x1  }
0x1: {  	s4 =	rddreg [dreg:$0x0]  }
0x2: {  	s5 =	rddreg [dreg:$0x1]  }
0x3: {  	s2 =	rddreg [dreg:$0x2]  }
0x4: {  	s0 =	rddreg [dreg:$0x3]  }
0x5: {  	s1 =	stileid.u32;
	s6 =	srdreg.scid  }
0x6: {  	s3 =	simm.s32 $0x0;
	s13 =	simm.s32 $0x1;
	s14 =	simm.s32 $0x2800  }
0x7: {  	s15 =	simm.s32 $0x5000;
	s16 =	simm.s32 $0x80;
	s7 =	smul.u32 $0x500, s1  }
0x8: {  	s20 =	simm.s32 $0x0;
	s6 =	sand.u32 $0x1, s6;
	s10 =	smul.u32 $0x50000, s1  }
0x9: {  	[smem:$0x7FF] =	sst s3;
	s18 =	smul.u32 $0x2800, s1;
	s31 =	sshll.u32 s1, $0x6  }
0xa: {  	s8 =	smul.u32 $0x28000, s6;
	s6 =	ssub.s32 $0x2, s6;
	_ =	strace $0x80000050  }
0xb: {  	s9 =	sshrl.u32 s6, $0x1;
	s11 =	sadd.s32 s7, s4;
	s30 =	sshrl.u32 s10, $0x2  }
0xc: {  	s8 =	sadd.s32 s8, s4;
	s9 =	ssub.s32 s6, s9;
	s4 =	sadd.s32 s5, s7  }
0xd: {  	s5 =	sadd.s32 $0x58200, s11;
	s6 =	sadd.s32 s30, s2;
	s7 =	sadd.s32 $0x5D200, s8  }
0xe: {  	s17 =	sadd.s32 $0xAD200, s8;
	s8 =	smax.u32 s9, $0x1;
	s9 =	sadd.s32 $0x4000, s6  }
0xf: {  	s10 =	sadd.s32 $0x8000, s6;
	s11 =	sadd.s32 $0xC000, s6;
	s12 =	sadd.s32 $0x10000, s6  }
0x10: {  	v0 =	vimm.f32 $0.0e+00;
	s19 =	sshrl.u32 s6, $0x3;
	s17 =	sadd.s32 s18, s17;
	s18 =	sor.u32 $0x1C01, s31  }
.LBB2_1:
0x11: {  	[tilespmem:s3], [sflag:$0x1] =	stream.linear.gather [hbm4b:s4+s3], $0x2780, $0x38;
	[tilespmem:$0x1D000] =	vst v63  }
0x12: {  	_ =	swait.ge [sflag:s13], $0x2780  }
0x13: {  	[sflag:s13] =	ssyncset.done $0x0  }
0x14: {  	[sflag:s13] =	ssyncadd.s32 $0xFFFFD880  }
0x15: {  	[tilespmem:s14], [sflag:$0x1] =	stream.linear.gather [hbm4b:s5+s3], $0x2780, $0x38;
	[tilespmem:$0x1D000] =	vst v63  }
0x16: {  	_ =	swait.ge [sflag:s13], $0x2780  }
0x17: {  	[sflag:s13] =	ssyncset.done $0x0  }
0x18: {  	s21 =	simm.s32 $0x0;
	s22 =	simm.s32 $0x200;
	[sflag:s13] =	ssyncadd.s32 $0xFFFFD880  }
.LBB2_2:
0x19: {  	p0 =	sne.s32 s22, $0xFE00;
	[tilespmem:s21+$0x5070] =	vst v0  }
0x1a: {  	[tilespmem:s21+$0x5000] =	vst v0  }
0x1b: {  	[tilespmem:s21+$0x5010] =	vst v0  }
.Ltmp0:
0x1c: {  	[tilespmem:s21+$0x5020] =	vst v0;
	(pc) =	sbr.rel @p0 .LBB2_2-.Ltmp0, $4  }
0x1d: {  	[tilespmem:s21+$0x5030] =	vst v0  }
0x1e: {  	[tilespmem:s21+$0x5040] =	vst v0  }
0x1f: {  	[tilespmem:s21+$0x5050] =	vst v0  }
0x20: {  	[tilespmem:s21+$0x5060] =	vst v0;
	s21 =	sshra.s32 s22, $0x2;
	s22 =	sadd.s32 $0x200, s22  }
0x21: {  	[tilespmem:s21+$0x5070] =	vst v0  }
0x22: {  	[tilespmem:s21+$0x5000] =	vst v0  }
0x23: {  	[tilespmem:s21+$0x5010] =	vst v0  }
0x24: {  	[tilespmem:s21+$0x5020] =	vst v0  }
0x25: {  	[tilespmem:s21+$0x5030] =	vst v0  }
0x26: {  	[tilespmem:s21+$0x5040] =	vst v0  }
0x27: {  	[tilespmem:s21+$0x5050] =	vst v0  }
0x28: {  	[tilespmem:s21+$0x5060] =	vst v0  }
0x29: {  	[spmem:s6] =	stream.linear.scatter [tilespmem:s15], [sflag:$0x1], $0x4000, $0x38;
	[tilespmem:$0x1D000] =	vst v63  }
0x2a: {  	_ =	swait.ge [sflag:s13], $0x4000  }
0x2b: {  	[sflag:s13] =	ssyncset.done $0x0  }
0x2c: {  	[sflag:s13] =	ssyncadd.s32 $0xFFFFC000  }
0x2d: {  	[spmem:s9] =	stream.linear.scatter [tilespmem:s15], [sflag:$0x1], $0x4000, $0x38;
	[tilespmem:$0x1D000] =	vst v63  }
0x2e: {  	_ =	swait.ge [sflag:s13], $0x4000  }
0x2f: {  	[sflag:s13] =	ssyncset.done $0x0  }
0x30: {  	[sflag:s13] =	ssyncadd.s32 $0xFFFFC000  }
0x31: {  	[spmem:s10] =	stream.linear.scatter [tilespmem:s15], [sflag:$0x1], $0x4000, $0x38;
	[tilespmem:$0x1D000] =	vst v63  }
0x32: {  	_ =	swait.ge [sflag:s13], $0x4000  }
0x33: {  	[sflag:s13] =	ssyncset.done $0x0  }
0x34: {  	[sflag:s13] =	ssyncadd.s32 $0xFFFFC000  }
0x35: {  	[spmem:s11] =	stream.linear.scatter [tilespmem:s15], [sflag:$0x1], $0x4000, $0x38;
	[tilespmem:$0x1D000] =	vst v63  }
0x36: {  	_ =	swait.ge [sflag:s13], $0x4000  }
0x37: {  	[sflag:s13] =	ssyncset.done $0x0  }
0x38: {  	[sflag:s13] =	ssyncadd.s32 $0xFFFFC000  }
0x39: {  	[spmem:s12] =	stream.linear.scatter [tilespmem:s15], [sflag:$0x1], $0x4000, $0x38;
	[tilespmem:$0x1D000] =	vst v63  }
0x3a: {  	_ =	swait.ge [sflag:s13], $0x4000  }
0x3b: {  	[sflag:s13] =	ssyncset.done $0x0  }
0x3c: {  	[sflag:s13] =	ssyncadd.s32 $0xFFFFC000  }
0x3d: {  	s30 =	simm.s32 $0x0;
	[bflag:$0x0] =	sbarrier.arrive $0xFFFF  }
0x3e: {  	[tilespmem:s15], [sflag:$0x1] =	stream.indirect.gather [hbm4b:s7+s16], $0x80, s30, s16, $0xb8;
	[tilespmem:$0x1D000] =	vst v63  }
0x3f: {  	_ =	swait.ge [sflag:s13], $0x4000  }
0x40: {  	[sflag:s13] =	ssyncset.done $0x0  }
0x41: {  	s31 =	simm.s32 $0x2800;
	[sflag:s13] =	ssyncadd.s32 $0xFFFFC000  }
0x42: {  	[spmem:s2] =	stream.indirect.scatter.add.f32 [tilespmem:s15], [sflag:$0x1], $0x80, s31, s16, $0xb8;
	[tilespmem:$0x1D000] =	vst v63  }
0x43: {  	_ =	swait.ge [sflag:s13], $0x4000  }
0x44: {  	s21 =	simm.s32 $0x200;
	s22 =	simm.s32 $0x400;
	[sflag:s13] =	ssyncset.done $0x0  }
.LBB2_4:
0x45: {  	s23 =	sshra.s32 s21, $0x2  }
0x46: {  	[sflag:s13] =	ssyncadd.s32 $0xFFFFC000;
	s21 =	smov.u32 s22;
	s24 =	sadd.s32 $0x200, s22  }
0x47: {  	[tilespmem:s15], [sflag:$0x1] =	stream.indirect.gather [hbm4b:s7+s16], $0x80, s23, s16, $0xb8;
	[tilespmem:$0x1D000] =	vst v63  }
0x48: {  	p0 =	sne.s32 s22, $0x9C00;
	_ =	swait.ge [sflag:s13], $0x4000  }
.Ltmp1:
0x49: {  	[sflag:s13] =	ssyncset.done $0x0;
	(pc) =	sbr.rel @p0 .LBB2_4-.Ltmp1, $4  }
0x4a: {  	s22 =	sadd.s32 $0x2800, s23;
	[sflag:s13] =	ssyncadd.s32 $0xFFFFC000  }
0x4b: {  	[spmem:s2] =	stream.indirect.scatter.add.f32 [tilespmem:s15], [sflag:$0x1], $0x80, s22, s16, $0xb8;
	[tilespmem:$0x1D000] =	vst v63  }
0x4c: {  	_ =	swait.ge [sflag:s13], $0x4000  }
0x4d: {  	s22 =	smov.u32 s24;
	[sflag:s13] =	ssyncset.done $0x0  }
0x4e: {  	s21 =	sshra.s32 s21, $0x2;
	[sflag:s13] =	ssyncadd.s32 $0xFFFFC000  }
0x4f: {  	[tilespmem:s15], [sflag:$0x1] =	stream.indirect.gather [hbm4b:s7+s16], $0x80, s21, s16, $0xb8;
	[tilespmem:$0x1D000] =	vst v63  }
0x50: {  	_ =	swait.ge [sflag:s13], $0x4000  }
0x51: {  	[sflag:s13] =	ssyncset.done $0x0  }
0x52: {  	s21 =	sadd.s32 $0x2800, s21;
	[sflag:s13] =	ssyncadd.s32 $0xFFFFC000  }
0x53: {  	[spmem:s2] =	stream.indirect.scatter.add.f32 [tilespmem:s15], [sflag:$0x1], $0x80, s21, s16, $0xb8;
	[tilespmem:$0x1D000] =	vst v63  }
0x54: {  	_ =	swait.ge [sflag:s13], $0x4000  }
0x55: {  	s20 =	sadd.s32 $0x1, s20;
	[sflag:s13] =	ssyncset.done $0x0  }
0x56: {  	p0 =	sne.s32 s20, s8;
	[sflag:s13] =	ssyncadd.s32 $0xFFFFC000  }
.Ltmp2:
0x57: {  	[bflag:$0x0] =	sbarrier.arrive $0xFFFF;
	(pc) =	sbr.rel @p0 .LBB2_1-.Ltmp2, $4  }
0x58: {  	[hbm:s17], [sflag:s18] =	dma.local [spmem:s19], $0x2800  }
0x59: {  	_ =	swait.ge [sflag:s13], $0x2800  }
0x5a: {  	[sflag:s13] =	ssyncset.done $0x0  }
0x5b: {  	[sflag:s13] =	ssyncadd.s32 $0xFFFFD800  }
0x5c: {  	_ =	sfence.sel $0x180000  }
0x5d: {  	[bflag:$0x0] =	sbarrier.arrive $0xFFFF  }
0x5e: {  	p0 =	sne.s32 s1, $0x0;
	_ =	strace $0x90000050  }
0x5f: {  	s0 =	sadd.s32 @!p0 $0x100000, s0;
	[bflag:$0x2] =	sbarrier.arrive $0xFFFF  }
0x60: {  	[sflag:s0] =	ssyncadd.tile.s32 @!p0 $0x1;
	_ =	shalt  }
.Lfunc_end2:
_tile_overlayer_lowered:
.L_overlay_start_2:
0x61: {  	(tag) =	ssettag $0x2  }
0x62: {  	s0 =	rddreg [dreg:$0x0];
	s2 =	stileid.u32  }
0x63: {  	s1 =	rddreg [dreg:$0x1];
	p0 =	sne.s32 s2, $0x0  }
0x64: {  	s3 =	rddreg [dreg:$0x2];
	[bflag:$0x3] =	sbarrier.arrive $0xFFFF;
	s2 =	simm.s32 @!p0 $0x1C01  }
0x65: {  	[timem:s3], [sflag:s2] =	dma.local @!p0 [hbm:s0], s1  }
0x66: {  	s0 =	simm.s32 @!p0 $0x1  }
0x67: {  	_ =	swait.ge @!p0 [sflag:s0], s1  }
0x68: {  	s1 =	ssub.s32 @!p0 $0x0, s1;
	[sflag:s0] =	ssyncset.done @!p0 $0x0  }
0x69: {  	[sflag:s0] =	ssyncadd.s32 @!p0 s1  }
0x6a: {  	[bflag:$0x3] =	sbarrier.arrive $0xFFFF  }
0x6b: {  	_ =	shalt  }

// kernel: kernel.32.cloned.1.call-start
scs
__scs_entry_jumppad:
0x0: {  	(pc) =	sbr.rel $0x88, $3  }
0x1: {  	(tag) =	ssettag $0x0;
	lr =	simm.s32 $0x1  }
0x2: {  	[smem:$0x3F93] =	sst lr;
	_ =	strace $0xD0000000  }
0x3: {  	_ = 	snop  }
0x4: {  	_ = 	snop  }
0x5: {  	_ = 	snop  }
0x6: {  	_ = 	snop  }
0x7: {  	_ = 	snop  }
__scs_overlays_trampoline_lowered:
0x8: {  	[smem:$0x3FA2] =	sst s0  }
0x9: {  	[smem:$0x3FA3] =	sst s1  }
0xa: {  	[smem:$0x3FA4] =	sst s2  }
0xb: {  	[smem:$0x3FA5] =	sst s3  }
0xc: {  	[smem:$0x3FA6] =	sst s4  }
0xd: {  	[smem:$0x3FA7] =	sst s5  }
0xe: {  	[smem:$0x3FA8] =	sst s6  }
0xf: {  	[smem:$0x3FA9] =	sst s7  }
0x10: {  	[smem:$0x3FAA] =	sst s8  }
0x11: {  	[smem:$0x3FAB] =	sst s9;
	s0 =	simm.s32 @!p0 $0x0  }
0x12: {  	s1 =	sld [smem:$0x3F91];
	s0 =	simm.s32 @p0 $0x1  }
0x13: {  	[smem:$0x3FAC] =	sst s0;
	s0 =	simm.s32 @!p1 $0x0  }
0x14: {  	s2 =	sld [smem:$0x3F90];
	s0 =	simm.s32 @p1 $0x1  }
0x15: {  	[smem:$0x3FAD] =	sst s0;
	s0 =	simm.s32 @!p2 $0x0  }
0x16: {  	s3 =	sld [smem:$0x3FDB];
	s0 =	simm.s32 @p2 $0x1  }
0x17: {  	s4 =	simm.s32 $0x1BF5;
	[smem:$0x3FAF] =	sst s0  }
0x18: {  	s0 =	sld [smem:$0x3F92];
	_ =	swait.ge [sflag:s4], $0x0  }
0x19: {  	s7 =	sld [smem:$0x3F93]  }
0x1a: {  	s8 =	sadd.s32 $0xFFFFE003, lr  }
0x1b: {  	s9 =	sadd.s32 $0xFFFFFEF7, lr;
	s5 =	simm.s32 $0xFFFFFFFF;
	p2 =	slt.u32 s8, $0xFFFFF086  }
0x1c: {  	p1 =	slt.u32 s9, $0xF7A;
	s5 =	simm.s32 @!p2 $0x0  }
0x1d: {  	s5 =	simm.s32 @p1 $0x1;
	p0 =	seq.s32 s7, s2  }
0x1e: {  	s7 =	smul.u32 @!p0 $0xF7A, s2;
	p2 =	seq.s32 @!p0 s5, $0x0  }
0x1f: {  	s9 =	smul.u32 $0xF7A, s1;
	s8 =	simm.s32 @!p0 $0x1BF5;
	p2 =	por !p2, p0  }
0x20: {  	[sflag:s8] =	ssyncset.s32 @!p0 $0xFFFFF086;
	s6 =	sadd.s32 @!p0 s3, s7;
	s7 =	simm.s32 @!p0 $0x108  }
0x21: {  	s3 =	sadd.s32 s3, s9;
	s6 =	sadd.s32 @!p0 $0x88, s6;
	s7 =	simm.s32 @p2 $0x1082  }
0x22: {  	[simem:s7], [sflag:s8] =	dma.local @!p0 [hbm:s6], $0xF7A  }
0x23: {  	s9 =	sor.u32 $0xD0000000, s2;
	s6 =	simm.s32 $0x108;
	_ =	swait.ge @!p0 [sflag:s8], $0x0  }
0x24: {  	s3 =	sadd.s32 $0x88, s3;
	s6 =	simm.s32 @!p1 $0x1082;
	[sflag:s4] =	ssyncset.s32 $0xFFFFF086  }
0x25: {  	[simem:s6], [sflag:s4] =	dma.local [hbm:s3], $0xF7A  }
0x26: {  	[smem:$0x3F93] =	sst s1;
	(tag) =	ssettag s2;
	_ =	strace s9  }
0x27: {  	s1 =	sld [smem:$0x3FA3]  }
0x28: {  	s2 =	sld [smem:$0x3FA4]  }
0x29: {  	s4 =	sld [smem:$0x3FA6]  }
0x2a: {  	p0 =	seq.s32 s5, $0x0;
	s5 =	sld [smem:$0x3FA7]  }
0x2b: {  	s6 =	sld [smem:$0x3FA8]  }
0x2c: {  	s7 =	sld [smem:$0x3FA9]  }
0x2d: {  	s3 =	simm.s32 $0x108;
	s8 =	sld [smem:$0x3FAA]  }
0x2e: {  	s3 =	simm.s32 @!p0 $0x1082;
	s9 =	sld [smem:$0x3FAB]  }
0x2f: {  	lr =	sadd.s32 s0, s3;
	s0 =	sld [smem:$0x3FA2]  }
0x30: {  	s3 =	sld [smem:$0x3FA5]  }
0x31: {  	[smem:$0x3FAE] =	sst s10  }
0x32: {  	s10 =	sld [smem:$0x3FAC];
	_ =	sdelay $0x3  }
0x33: {  	p0 =	seq.s32 s10, $0x1;
	s10 =	sld [smem:$0x3FAE];
	_ =	sdelay $0x3  }
0x34: {  	[smem:$0x3FAE] =	sst s10  }
0x35: {  	s10 =	sld [smem:$0x3FAD];
	_ =	sdelay $0x3  }
0x36: {  	p1 =	seq.s32 s10, $0x1;
	s10 =	sld [smem:$0x3FAE];
	_ =	sdelay $0x3  }
0x37: {  	[smem:$0x3FAE] =	sst s10  }
0x38: {  	s10 =	sld [smem:$0x3FAF]  }
0x39: {  	_ = 	snop;
	(pc) =	sbr.ind lr, $3  }
0x3a: {  	_ = 	snop  }
0x3b: {  	_ = 	snop  }
0x3c: {  	p2 =	seq.s32 s10, $0x1;
	s10 =	sld [smem:$0x3FAE]  }
0x3d: {  	_ =	shalt  }
0x3e: {  	_ =	shalt  }
0x3f: {  	_ =	shalt  }
0x40: {  	_ =	shalt  }
0x41: {  	_ =	shalt  }
0x42: {  	_ =	shalt  }
0x43: {  	_ =	shalt  }
0x44: {  	_ =	shalt  }
0x45: {  	_ =	shalt  }
0x46: {  	_ =	shalt  }
0x47: {  	_ =	shalt  }
0x48: {  	_ =	shalt  }
0x49: {  	_ =	shalt  }
0x4a: {  	_ =	shalt  }
0x4b: {  	_ =	shalt  }
0x4c: {  	_ =	shalt  }
0x4d: {  	_ =	shalt  }
0x4e: {  	_ =	shalt  }
0x4f: {  	_ =	shalt  }
0x50: {  	_ =	shalt  }
0x51: {  	_ =	shalt  }
0x52: {  	_ =	shalt  }
0x53: {  	_ =	shalt  }
0x54: {  	_ =	shalt  }
0x55: {  	_ =	shalt  }
0x56: {  	_ =	shalt  }
0x57: {  	_ =	shalt  }
0x58: {  	_ =	shalt  }
0x59: {  	_ =	shalt  }
0x5a: {  	_ =	shalt  }
0x5b: {  	_ =	shalt  }
0x5c: {  	_ =	shalt  }
0x5d: {  	_ =	shalt  }
0x5e: {  	_ =	shalt  }
0x5f: {  	_ =	shalt  }
0x60: {  	_ =	shalt  }
0x61: {  	_ =	shalt  }
0x62: {  	_ =	shalt  }
0x63: {  	_ =	shalt  }
0x64: {  	_ =	shalt  }
0x65: {  	_ =	shalt  }
0x66: {  	_ =	shalt  }
0x67: {  	_ =	shalt  }
0x68: {  	_ =	shalt  }
0x69: {  	_ =	shalt  }
0x6a: {  	_ =	shalt  }
0x6b: {  	_ =	shalt  }
0x6c: {  	_ =	shalt  }
0x6d: {  	_ =	shalt  }
0x6e: {  	_ =	shalt  }
0x6f: {  	_ =	shalt  }
0x70: {  	_ =	shalt  }
0x71: {  	_ =	shalt  }
0x72: {  	_ =	shalt  }
0x73: {  	_ =	shalt  }
0x74: {  	_ =	shalt  }
0x75: {  	_ =	shalt  }
0x76: {  	_ =	shalt  }
0x77: {  	_ =	shalt  }
0x78: {  	_ =	shalt  }
0x79: {  	_ =	shalt  }
0x7a: {  	_ =	shalt  }
0x7b: {  	_ =	shalt  }
0x7c: {  	_ =	shalt  }
0x7d: {  	_ =	shalt  }
0x7e: {  	_ =	shalt  }
0x7f: {  	_ =	shalt  }
0x80: {  	_ =	shalt  }
0x81: {  	_ =	shalt  }
0x82: {  	_ =	shalt  }
0x83: {  	_ =	shalt  }
0x84: {  	_ =	shalt  }
0x85: {  	_ =	shalt  }
0x86: {  	_ =	shalt  }
0x87: {  	_ =	shalt  }
.Lfunc_end0:
.L_simem_size_0:
called_computation.4_lowered:
.L_overlay_start_0:
0x88: {  	s2 =	sld [smem:$0x3FD9]  }
0x89: {  	s3 =	sld [smem:$0x3FFE];
	_ =	sdelay $0x1  }
0x8a: {  	s1 =	srdreg.scid  }
0x8b: {  	s0 =	sand.u32 $0x1, s1  }
0x8c: {  	s17 =	sshll.u32 s0, $0xA;
	s2 =	sadd.s32 s3, s2  }
0x8d: {  	s2 =	sadd.s32 s2, s17  }
0x8e: {  	[smem:$0x3FBA] =	sst s2  }
0x8f: {  	_ = 	snop  }
0x90: {  	s2 =	sld [smem:$0x3FD0];
	(tm) =	ssettm $0x1  }
0x91: {  	s18 =	sld [smem:$0x3FFB];
	_ =	sdelay $0x3  }
0x92: {  	_ =	strace s18  }
0x93: {  	s3 =	sld [smem:$0x3FFC];
	_ =	sdelay $0x3  }
0x94: {  	_ =	strace s3  }
0x95: {  	s3 =	sld [smem:$0x3FFD];
	_ =	sdelay $0x3  }
0x96: {  	_ =	strace s3  }
0x97: {  	_ =	strace $0x8FFFFFFF  }
0x98: {  	s19 =	sld [smem:$0x3FDB];
	_ =	sdelay $0x1  }
0x99: {  	s4 =	simm.s32 $_scs_section_size  }
0x9a: {  	s5 =	simm.s32 $_size__tile_overlayer_lowered;
	s6 =	simm.s32 $_tile_overlayer_lowered  }
0x9b: {  	s22 =	simm.s32 $0x1BFF;
	s21 =	sshll.u32 s6, $0x1;
	s3 =	sadd.s32 s4, s19  }
0x9c: {  	s7 =	simm.s32 $0x0;
	s20 =	sshll.u32 s5, $0x1;
	s5 =	sadd.s32 s21, s3  }
0x9d: {  	[timem:s7], [sflag:s22] =	dma.local [hbm:s5], s20  }
0x9e: {  	_ =	swait.ge [sflag:s22], s20  }
0x9f: {  	s4 =	ssub.s32 $0x0, s20;
	[sflag:s22] =	ssyncset.done $0x0  }
0xa0: {  	[sflag:s22] =	ssyncadd.s32 s4;
	_ =	sdelay $0x1  }
0xa1: {  	s23 =	simm.s32 $0x1B8B  }
0xa2: {  	_ =	swait.ge [sflag:s23], $0x1  }
0xa3: {  	[sflag:s23] =	ssyncset.done $0x0  }
0xa4: {  	s25 =	simm.s32 $0x1B8E;
	s24 =	sld [smem:$0x3FFE];
	[sflag:s23] =	ssyncadd.s32 $0xFFFFFFFF  }
0xa5: {  	s26 =	simm.s32 $execute0_lowered;
	[smem:$0x3FD2] =	sst s25  }
0xa6: {  	s5 =	sshll.u32 s26, $0x1;
	_ =	strace $0x80000052;
	[dreg:$0x1] =	wrdreg $0xFFFFFFFF  }
0xa7: {  	s28 =	simm.s32 $_size_execute0_lowered;
	s3 =	sadd.s32 s3, s5;
	[dreg:$0x0] =	wrdreg $0x0  }
0xa8: {  	s5 =	sshll.u32 s28, $0x1;
	[dreg:$0x2] =	wrdreg s3  }
0xa9: {  	[dreg:$0x3] =	wrdreg s5  }
0xaa: {  	[dreg:$0x4] =	wrdreg $0xC0  }
0xab: {  	_ =	task [dreg:s7], $0x5FFFF  }
0xac: {  	[dreg:$0x1] =	wrdreg $0xFFFFFFFF  }
0xad: {  	[dreg:$0x0] =	wrdreg $0x60  }
0xae: {  	[dreg:$0x2] =	wrdreg s24  }
0xaf: {  	[dreg:$0x3] =	wrdreg s2  }
0xb0: {  	[dreg:$0x4] =	wrdreg $0x90000  }
0xb1: {  	[dreg:$0x5] =	wrdreg $0x9  }
0xb2: {  	_ =	task.clear_ibuf [dreg:s7], $0x6FFFF;
	_ =	strace $0x90000052  }
0xb3: {  	s29 =	simm.s32 $0x9;
	_ =	strace $0x80000054  }
0xb4: {  	_ =	swait.ge [sflag:s29], $0x1  }
0xb5: {  	[sflag:s29] =	ssyncadd.s32 $0xFFFFFFFF  }
0xb6: {  	_ =	strace $0x90000054  }
0xb7: {  	_ =	sfence  }
0xb8: {  	s30 =	sld [smem:$0x0];
	_ =	sdelay $0x2  }
0xb9: {  	s31 =	sshll.u32 s1, $0xD;
	s1 =	sshrl.u32 s1, $0x2  }
0xba: {  	s3 =	sand.u32 $0x4000, s31;
	s1 =	sadd.s32 s1, s30  }
0xbb: {  	s0 =	sor.u32 s3, s0;
	s1 =	sshll.u32 s1, $0x11  }
0xbc: {  	s0 =	sor.u32 s1, s0  }
0xbd: {  	s0 =	sadd.s32 $0x8F2B, s0  }
0xbe: {  	[sflag:s0] =	ssyncadd.remote.s32 $0x1  }
0xbf: {  	_ =	sfence.sel $0xFFFF  }
0xc0: {  	[dreg:$0x0] =	wrdreg $0xFFFFFFFF;
	(pc) =	sbr.abs _section_cstart, $3  }
0xc1: {  	[dreg:$0x1] =	wrdreg $0xFFFFFFFF  }
0xc2: {  	_ =	task.clear_ibuf [dreg:s7], $0x2FFFF;
	_ =	strace $0x9FFFFFFF  }
0xc3: {  	(tm) =	ssettm $0x7FFFFFFF  }
tec
execute0_lowered:
.L_overlay_start_1:
0x0: {  	(tag) =	ssettag $0x1  }
0x1: {  	s4 =	rddreg [dreg:$0x0]  }
0x2: {  	s5 =	rddreg [dreg:$0x1]  }
0x3: {  	s2 =	rddreg [dreg:$0x2]  }
0x4: {  	s0 =	rddreg [dreg:$0x3]  }
0x5: {  	s1 =	stileid.u32;
	s6 =	srdreg.scid  }
0x6: {  	s3 =	simm.s32 $0x0;
	s13 =	simm.s32 $0x1;
	s14 =	simm.s32 $0x2800  }
0x7: {  	s15 =	simm.s32 $0x5000;
	s16 =	simm.s32 $0x80;
	s7 =	smul.u32 $0x500, s1  }
0x8: {  	s20 =	simm.s32 $0x0;
	s6 =	sand.u32 $0x1, s6;
	s10 =	smul.u32 $0x50000, s1  }
0x9: {  	[smem:$0x7FF] =	sst s3;
	s18 =	smul.u32 $0x2800, s1;
	s31 =	sshll.u32 s1, $0x6  }
0xa: {  	s8 =	smul.u32 $0x28000, s6;
	s6 =	ssub.s32 $0x2, s6;
	_ =	strace $0x80000053  }
0xb: {  	s9 =	sshrl.u32 s6, $0x1;
	s11 =	sadd.s32 s7, s4;
	s30 =	sshrl.u32 s10, $0x2  }
0xc: {  	s8 =	sadd.s32 s8, s4;
	s9 =	ssub.s32 s6, s9;
	s4 =	sadd.s32 s5, s7  }
0xd: {  	s5 =	sadd.s32 $0x58200, s11;
	s6 =	sadd.s32 s30, s2;
	s7 =	sadd.s32 $0xAD200, s8  }
0xe: {  	s17 =	sadd.s32 $0xFD200, s8;
	s8 =	smax.u32 s9, $0x1;
	s9 =	sadd.s32 $0x4000, s6  }
0xf: {  	s10 =	sadd.s32 $0x8000, s6;
	s11 =	sadd.s32 $0xC000, s6;
	s12 =	sadd.s32 $0x10000, s6  }
0x10: {  	v0 =	vimm.f32 $0.0e+00;
	s19 =	sshrl.u32 s6, $0x3;
	s17 =	sadd.s32 s18, s17;
	s18 =	sor.u32 $0x1C01, s31  }
.LBB2_1:
0x11: {  	[tilespmem:s3], [sflag:$0x1] =	stream.linear.gather [hbm4b:s4+s3], $0x2780, $0x38;
	[tilespmem:$0x1D000] =	vst v63  }
0x12: {  	_ =	swait.ge [sflag:s13], $0x2780  }
0x13: {  	[sflag:s13] =	ssyncset.done $0x0  }
0x14: {  	[sflag:s13] =	ssyncadd.s32 $0xFFFFD880  }
0x15: {  	[tilespmem:s14], [sflag:$0x1] =	stream.linear.gather [hbm4b:s5+s3], $0x2780, $0x38;
	[tilespmem:$0x1D000] =	vst v63  }
0x16: {  	_ =	swait.ge [sflag:s13], $0x2780  }
0x17: {  	[sflag:s13] =	ssyncset.done $0x0  }
0x18: {  	s21 =	simm.s32 $0x0;
	s22 =	simm.s32 $0x200;
	[sflag:s13] =	ssyncadd.s32 $0xFFFFD880  }
.LBB2_2:
0x19: {  	p0 =	sne.s32 s22, $0xFE00;
	[tilespmem:s21+$0x5070] =	vst v0  }
0x1a: {  	[tilespmem:s21+$0x5000] =	vst v0  }
0x1b: {  	[tilespmem:s21+$0x5010] =	vst v0  }
.Ltmp0:
0x1c: {  	[tilespmem:s21+$0x5020] =	vst v0;
	(pc) =	sbr.rel @p0 .LBB2_2-.Ltmp0, $4  }
0x1d: {  	[tilespmem:s21+$0x5030] =	vst v0  }
0x1e: {  	[tilespmem:s21+$0x5040] =	vst v0  }
0x1f: {  	[tilespmem:s21+$0x5050] =	vst v0  }
0x20: {  	[tilespmem:s21+$0x5060] =	vst v0;
	s21 =	sshra.s32 s22, $0x2;
	s22 =	sadd.s32 $0x200, s22  }
0x21: {  	[tilespmem:s21+$0x5070] =	vst v0  }
0x22: {  	[tilespmem:s21+$0x5000] =	vst v0  }
0x23: {  	[tilespmem:s21+$0x5010] =	vst v0  }
0x24: {  	[tilespmem:s21+$0x5020] =	vst v0  }
0x25: {  	[tilespmem:s21+$0x5030] =	vst v0  }
0x26: {  	[tilespmem:s21+$0x5040] =	vst v0  }
0x27: {  	[tilespmem:s21+$0x5050] =	vst v0  }
0x28: {  	[tilespmem:s21+$0x5060] =	vst v0  }
0x29: {  	[spmem:s6] =	stream.linear.scatter [tilespmem:s15], [sflag:$0x1], $0x4000, $0x38;
	[tilespmem:$0x1D000] =	vst v63  }
0x2a: {  	_ =	swait.ge [sflag:s13], $0x4000  }
0x2b: {  	[sflag:s13] =	ssyncset.done $0x0  }
0x2c: {  	[sflag:s13] =	ssyncadd.s32 $0xFFFFC000  }
0x2d: {  	[spmem:s9] =	stream.linear.scatter [tilespmem:s15], [sflag:$0x1], $0x4000, $0x38;
	[tilespmem:$0x1D000] =	vst v63  }
0x2e: {  	_ =	swait.ge [sflag:s13], $0x4000  }
0x2f: {  	[sflag:s13] =	ssyncset.done $0x0  }
0x30: {  	[sflag:s13] =	ssyncadd.s32 $0xFFFFC000  }
0x31: {  	[spmem:s10] =	stream.linear.scatter [tilespmem:s15], [sflag:$0x1], $0x4000, $0x38;
	[tilespmem:$0x1D000] =	vst v63  }
0x32: {  	_ =	swait.ge [sflag:s13], $0x4000  }
0x33: {  	[sflag:s13] =	ssyncset.done $0x0  }
0x34: {  	[sflag:s13] =	ssyncadd.s32 $0xFFFFC000  }
0x35: {  	[spmem:s11] =	stream.linear.scatter [tilespmem:s15], [sflag:$0x1], $0x4000, $0x38;
	[tilespmem:$0x1D000] =	vst v63  }
0x36: {  	_ =	swait.ge [sflag:s13], $0x4000  }
0x37: {  	[sflag:s13] =	ssyncset.done $0x0  }
0x38: {  	[sflag:s13] =	ssyncadd.s32 $0xFFFFC000  }
0x39: {  	[spmem:s12] =	stream.linear.scatter [tilespmem:s15], [sflag:$0x1], $0x4000, $0x38;
	[tilespmem:$0x1D000] =	vst v63  }
0x3a: {  	_ =	swait.ge [sflag:s13], $0x4000  }
0x3b: {  	[sflag:s13] =	ssyncset.done $0x0  }
0x3c: {  	[sflag:s13] =	ssyncadd.s32 $0xFFFFC000  }
0x3d: {  	s30 =	simm.s32 $0x0;
	[bflag:$0x0] =	sbarrier.arrive $0xFFFF  }
0x3e: {  	[tilespmem:s15], [sflag:$0x1] =	stream.indirect.gather [hbm4b:s7+s16], $0x80, s30, s16, $0xb8;
	[tilespmem:$0x1D000] =	vst v63  }
0x3f: {  	_ =	swait.ge [sflag:s13], $0x4000  }
0x40: {  	[sflag:s13] =	ssyncset.done $0x0  }
0x41: {  	s31 =	simm.s32 $0x2800;
	[sflag:s13] =	ssyncadd.s32 $0xFFFFC000  }
0x42: {  	[spmem:s2] =	stream.indirect.scatter.add.f32 [tilespmem:s15], [sflag:$0x1], $0x80, s31, s16, $0xb8;
	[tilespmem:$0x1D000] =	vst v63  }
0x43: {  	_ =	swait.ge [sflag:s13], $0x4000  }
0x44: {  	s21 =	simm.s32 $0x200;
	s22 =	simm.s32 $0x400;
	[sflag:s13] =	ssyncset.done $0x0  }
.LBB2_4:
0x45: {  	s23 =	sshra.s32 s21, $0x2  }
0x46: {  	[sflag:s13] =	ssyncadd.s32 $0xFFFFC000;
	s21 =	smov.u32 s22;
	s24 =	sadd.s32 $0x200, s22  }
0x47: {  	[tilespmem:s15], [sflag:$0x1] =	stream.indirect.gather [hbm4b:s7+s16], $0x80, s23, s16, $0xb8;
	[tilespmem:$0x1D000] =	vst v63  }
0x48: {  	p0 =	sne.s32 s22, $0x9C00;
	_ =	swait.ge [sflag:s13], $0x4000  }
.Ltmp1:
0x49: {  	[sflag:s13] =	ssyncset.done $0x0;
	(pc) =	sbr.rel @p0 .LBB2_4-.Ltmp1, $4  }
0x4a: {  	s22 =	sadd.s32 $0x2800, s23;
	[sflag:s13] =	ssyncadd.s32 $0xFFFFC000  }
0x4b: {  	[spmem:s2] =	stream.indirect.scatter.add.f32 [tilespmem:s15], [sflag:$0x1], $0x80, s22, s16, $0xb8;
	[tilespmem:$0x1D000] =	vst v63  }
0x4c: {  	_ =	swait.ge [sflag:s13], $0x4000  }
0x4d: {  	s22 =	smov.u32 s24;
	[sflag:s13] =	ssyncset.done $0x0  }
0x4e: {  	s21 =	sshra.s32 s21, $0x2;
	[sflag:s13] =	ssyncadd.s32 $0xFFFFC000  }
0x4f: {  	[tilespmem:s15], [sflag:$0x1] =	stream.indirect.gather [hbm4b:s7+s16], $0x80, s21, s16, $0xb8;
	[tilespmem:$0x1D000] =	vst v63  }
0x50: {  	_ =	swait.ge [sflag:s13], $0x4000  }
0x51: {  	[sflag:s13] =	ssyncset.done $0x0  }
0x52: {  	s21 =	sadd.s32 $0x2800, s21;
	[sflag:s13] =	ssyncadd.s32 $0xFFFFC000  }
0x53: {  	[spmem:s2] =	stream.indirect.scatter.add.f32 [tilespmem:s15], [sflag:$0x1], $0x80, s21, s16, $0xb8;
	[tilespmem:$0x1D000] =	vst v63  }
0x54: {  	_ =	swait.ge [sflag:s13], $0x4000  }
0x55: {  	s20 =	sadd.s32 $0x1, s20;
	[sflag:s13] =	ssyncset.done $0x0  }
0x56: {  	p0 =	sne.s32 s20, s8;
	[sflag:s13] =	ssyncadd.s32 $0xFFFFC000  }
.Ltmp2:
0x57: {  	[bflag:$0x0] =	sbarrier.arrive $0xFFFF;
	(pc) =	sbr.rel @p0 .LBB2_1-.Ltmp2, $4  }
0x58: {  	[hbm:s17], [sflag:s18] =	dma.local [spmem:s19], $0x2800  }
0x59: {  	_ =	swait.ge [sflag:s13], $0x2800  }
0x5a: {  	[sflag:s13] =	ssyncset.done $0x0  }
0x5b: {  	[sflag:s13] =	ssyncadd.s32 $0xFFFFD800  }
0x5c: {  	_ =	sfence.sel $0x180000  }
0x5d: {  	[bflag:$0x0] =	sbarrier.arrive $0xFFFF  }
0x5e: {  	p0 =	sne.s32 s1, $0x0;
	_ =	strace $0x90000053  }
0x5f: {  	s0 =	sadd.s32 @!p0 $0x100000, s0;
	[bflag:$0x2] =	sbarrier.arrive $0xFFFF  }
0x60: {  	[sflag:s0] =	ssyncadd.tile.s32 @!p0 $0x1;
	_ =	shalt  }
.Lfunc_end2:
_tile_overlayer_lowered:
.L_overlay_start_2:
0x61: {  	(tag) =	ssettag $0x2  }
0x62: {  	s0 =	rddreg [dreg:$0x0];
	s2 =	stileid.u32  }
0x63: {  	s1 =	rddreg [dreg:$0x1];
	p0 =	sne.s32 s2, $0x0  }
0x64: {  	s3 =	rddreg [dreg:$0x2];
	[bflag:$0x3] =	sbarrier.arrive $0xFFFF;
	s2 =	simm.s32 @!p0 $0x1C01  }
0x65: {  	[timem:s3], [sflag:s2] =	dma.local @!p0 [hbm:s0], s1  }
0x66: {  	s0 =	simm.s32 @!p0 $0x1  }
0x67: {  	_ =	swait.ge @!p0 [sflag:s0], s1  }
0x68: {  	s1 =	ssub.s32 @!p0 $0x0, s1;
	[sflag:s0] =	ssyncset.done @!p0 $0x0  }
0x69: {  	[sflag:s0] =	ssyncadd.s32 @!p0 s1  }
0x6a: {  	[bflag:$0x3] =	sbarrier.arrive $0xFFFF  }
0x6b: {  	_ =	shalt  }

</sc_bundles>
